<compile_context>
chip_gen: v7x
topology: tpu7x:2x2x1
jax: 0.10.2.dev20260603
libtpu: 0.0.44.dev20260713+nightly
codegen_flags: <defaults>
</compile_context>

<pallas_src>
import functools

import jax
import jax.numpy as jnp
from jax import lax
from jax.experimental import pallas as pl
from jax.experimental.pallas import tpu as pltpu
from jax.experimental.pallas import tpu_sc as plsc

V = 8192
D = 8192
BT = 8192
NC, NS, L = 2, 16, 16
NW = NC * NS
NTOK = BT // NW
K = 2
NCH = NTOK // K
NBUF = 4
UNROLL = 8


def _row_sumexp(buf, j):
    def body(v, accs):
        o = v * (UNROLL * L)
        return tuple(
            accs[u] + jnp.exp(buf[j, pl.ds(o + u * L, L)]) for u in range(UNROLL)
        )

    accs = lax.fori_loop(
        0, D // (UNROLL * L), body,
        tuple(jnp.zeros((L,), jnp.float32) for _ in range(UNROLL)),
    )
    tot = accs[0]
    for u in range(1, UNROLL):
        tot = tot + accs[u]
    return tot


def _sc_body(table, tabflat, tokr, fidxr, out, se, tl,
             idx_v, fidx_v, tl_v, se_v,
             buf0, buf1, buf2, buf3,
             gsem0, gsem1, gsem2, gsem3,
             ssem0, ssem1, ssem2, ssem3, tsem):
    bufs = (buf0, buf1, buf2, buf3)
    gsems = (gsem0, gsem1, gsem2, gsem3)
    ssems = (ssem0, ssem1, ssem2, ssem3)

    wid = lax.axis_index("s") * NC + lax.axis_index("c")
    base = wid * NTOK

    pltpu.sync_copy(tokr.at[wid], idx_v)
    pltpu.sync_copy(fidxr.at[wid], fidx_v)

    tcopies = [
        pltpu.async_copy(tabflat.at[fidx_v.at[j]], tl_v.at[j], tsem)
        for j in range(NTOK // 128)
    ]

    pltpu.async_copy(table.at[idx_v.at[0]], bufs[0], gsems[0])
    pltpu.async_copy(table.at[idx_v.at[1]], bufs[1], gsems[1])

    def outer(o, carry):
        for b in range(NBUF):
            i = NBUF * o + b
            nb = (b + 2) % NBUF

            pltpu.make_async_copy(
                table.at[idx_v.at[i]], bufs[b], gsems[b]
            ).wait()

            for j in range(K):
                se_v[i * K + j, :] = _row_sumexp(bufs[b], j)

            pltpu.async_copy(bufs[b], out.at[pl.ds(base + i * K, K)], ssems[b])

            @pl.when(i >= 2)
            def _drain():
                pltpu.make_async_copy(
                    bufs[nb], out.at[pl.ds(0, K)], ssems[nb]
                ).wait()

            @pl.when(i + 2 < NCH)
            def _issue():
                pltpu.async_copy(table.at[idx_v.at[i + 2]], bufs[nb], gsems[nb])
        return carry

    lax.fori_loop(0, NCH // NBUF, outer, 0)

    for i in (NCH - 2, NCH - 1):
        pltpu.make_async_copy(
            bufs[i % NBUF], out.at[pl.ds(0, K)], ssems[i % NBUF]
        ).wait()

    for t in tcopies:
        t.wait()
    pltpu.sync_copy(se_v, se.at[pl.ds(base, NTOK)])
    pltpu.sync_copy(tl_v, tl.at[wid])


_sc_embed = functools.partial(
    pl.kernel,
    out_type=(
        jax.ShapeDtypeStruct((BT, D), jnp.float32),
        jax.ShapeDtypeStruct((BT, L), jnp.float32),
        jax.ShapeDtypeStruct((NW, NTOK // 128, 128), jnp.float32),
    ),
    mesh=plsc.VectorSubcoreMesh(core_axis_name="c", subcore_axis_name="s"),
    scratch_types=(
        pltpu.VMEM((NCH, K), jnp.int32),
        pltpu.VMEM((NTOK // 128, 128), jnp.int32),
        pltpu.VMEM((NTOK // 128, 128), jnp.float32),
        pltpu.VMEM((NTOK, L), jnp.float32),
        pltpu.VMEM((K, D), jnp.float32),
        pltpu.VMEM((K, D), jnp.float32),
        pltpu.VMEM((K, D), jnp.float32),
        pltpu.VMEM((K, D), jnp.float32),
        pltpu.SemaphoreType.DMA,
        pltpu.SemaphoreType.DMA,
        pltpu.SemaphoreType.DMA,
        pltpu.SemaphoreType.DMA,
        pltpu.SemaphoreType.DMA,
        pltpu.SemaphoreType.DMA,
        pltpu.SemaphoreType.DMA,
        pltpu.SemaphoreType.DMA,
        pltpu.SemaphoreType.DMA,
    ),
)(_sc_body)


def _loss_body(se_ref, tl_ref, out_ref):
    sumexp = jnp.sum(se_ref[...], axis=1)
    out_ref[...] = (
        jnp.mean(jnp.log(sumexp)) - jnp.mean(tl_ref[...])
    ).reshape(1, 1)


_loss_call = pl.pallas_call(
    _loss_body,
    out_shape=jax.ShapeDtypeStruct((1, 1), jnp.float32),
)


def kernel(input_tokens, target_tokens, token_embedding_table):
    b, t = input_tokens.shape
    tok = input_tokens.reshape(-1).astype(jnp.int32)
    tgt = target_tokens.reshape(-1).astype(jnp.int32)
    fidx = tok * V + tgt
    tokr = tok.reshape(NW, NCH, K)
    fidxr = fidx.reshape(NW, NTOK // 128, 128)
    tabflat = token_embedding_table.reshape(-1)

    logits_flat, se, tl = _sc_embed(token_embedding_table, tabflat, tokr, fidxr)
    loss2d = _loss_call(se, tl.reshape(64, 128))
    return logits_flat.reshape(b, t, D), loss2d[0, 0]

# --- scband reference (transcript-rebuilt; emitter-appended) ---
"""Pipeline reference for scband-bigram-language-model-76441827934898 (READ-ONLY COPY).

The authoritative reference and input builder live on the scoring server;
editing this copy changes nothing except your own understanding.
"""

import jax, jax.numpy as jnp
import numpy as np

VOCAB = 8192
B, T = 4, 2048

def setup_inputs(seed: int = 0) -> dict:
    key = jax.random.key(seed)
    k1, k2, k3 = jax.random.split(key, 3)
    input_tokens = jax.random.randint(k1, (B, T), 0, VOCAB, dtype=jnp.int64) if jax.config.jax_enable_x64 else jax.random.randint(k1, (B, T), 0, VOCAB, dtype=jnp.int32)
    target_tokens = jax.random.randint(k2, (B, T), 0, VOCAB, dtype=input_tokens.dtype)
    token_embedding_table = jax.random.normal(k3, (VOCAB, VOCAB), dtype=jnp.float32)
    return {"input_tokens": input_tokens, "target_tokens": target_tokens, "token_embedding_table": token_embedding_table}

def reference(input_tokens, target_tokens, token_embedding_table):
    # logits = self.token_embedding_lookup(input_tokens)
    logits = jnp.take(token_embedding_table, input_tokens, axis=0)  # [B, T, C]
    b, t, c = logits.shape
    logits_flat = logits.reshape(b * t, c)
    targets_flat = target_tokens.reshape(b * t)
    # F.cross_entropy (mean reduction)
    logp = jax.nn.log_softmax(logits_flat, axis=-1)
    nll = -jnp.take_along_axis(logp, targets_flat[:, None], axis=1)[:, 0]
    loss = jnp.mean(nll)
    return (logits, loss)

if __name__ == "__main__":
    import jax
    _d = setup_inputs()
    print(jax.jit(kernel)(*tuple(_d.values())))

</pallas_src>

<mosaic_0001>
#map = affine_map<(d0, d1) -> (0, 0)>
#map1 = affine_map<(d0, d1) -> (0)>
#map2 = affine_map<(d0, d1) -> (0, 0, 0)>
module attributes {stable_mosaic.version = 14 : i64} {
  func.func @_sc_body(%arg0: i32, %arg1: i32, %arg2: memref<8192x8192xf32, #tpu.memory_space<hbm>>, %arg3: memref<67108864xf32, #tpu.memory_space<hbm>>, %arg4: memref<32x128x2xi32, #tpu.memory_space<hbm>>, %arg5: memref<32x2x128xi32, #tpu.memory_space<hbm>>, %arg6: memref<8192x8192xf32, #tpu.memory_space<hbm>>, %arg7: memref<8192x16xf32, #tpu.memory_space<hbm>>, %arg8: memref<32x2x128xf32, #tpu.memory_space<hbm>>, %arg9: memref<128x2xi32, #tpu.memory_space<vmem>>, %arg10: memref<2x128xi32, #tpu.memory_space<vmem>>, %arg11: memref<2x128xf32, #tpu.memory_space<vmem>>, %arg12: memref<256x16xf32, #tpu.memory_space<vmem>>, %arg13: memref<2x8192xf32, #tpu.memory_space<vmem>>, %arg14: memref<2x8192xf32, #tpu.memory_space<vmem>>, %arg15: memref<2x8192xf32, #tpu.memory_space<vmem>>, %arg16: memref<2x8192xf32, #tpu.memory_space<vmem>>, %arg17: memref<!tpu.dma_semaphore, #tpu.memory_space<semaphore_mem>>, %arg18: memref<!tpu.dma_semaphore, #tpu.memory_space<semaphore_mem>>, %arg19: memref<!tpu.dma_semaphore, #tpu.memory_space<semaphore_mem>>, %arg20: memref<!tpu.dma_semaphore, #tpu.memory_space<semaphore_mem>>, %arg21: memref<!tpu.dma_semaphore, #tpu.memory_space<semaphore_mem>>, %arg22: memref<!tpu.dma_semaphore, #tpu.memory_space<semaphore_mem>>, %arg23: memref<!tpu.dma_semaphore, #tpu.memory_space<semaphore_mem>>, %arg24: memref<!tpu.dma_semaphore, #tpu.memory_space<semaphore_mem>>, %arg25: memref<!tpu.dma_semaphore, #tpu.memory_space<semaphore_mem>>) attributes {dimension_semantics = [#tpu.dimension_semantics<core_parallel>, #tpu.dimension_semantics<subcore_parallel>], iteration_bounds = array<i64: 2, 16>, scalar_prefetch = 0 : i64, scratch_operands = 17 : i64, tpu.core_type = #tpu.core_type<sc_vector_subcore>, window_params = [{transform_indices = #map}, {transform_indices = #map1}, {transform_indices = #map2}, {transform_indices = #map2}, {transform_indices = #map}, {transform_indices = #map}, {transform_indices = #map2}]} {
    %mul3A = arith.constant 2 : i32
    %mul3A_0 = arith.muli %arg1, %mul3A : i32
    %add3A = arith.addi %mul3A_0, %arg0 : i32
    %mul3A_1 = arith.constant 256 : i32
    %mul3A_2 = arith.muli %add3A, %mul3A_1 : i32
    "tpu.region"() ({
      %run_scoped3A = tpu.sem_alloc : memref<!tpu.dma_semaphore, #tpu.memory_space<semaphore_mem>>
      %dma_start3A_72 = arith.constant 0 : i32
      %dma_start3A_73 = arith.constant 0 : i32
      %dma_start3A_74 = tpu.memref_slice %arg4[%add3A, %dma_start3A_72, %dma_start3A_73] : memref<32x128x2xi32, #tpu.memory_space<hbm>> -> memref<1x128x2xi32, #tpu.memory_space<hbm>>
      %dma_start3A_75 = tpu.memref_squeeze %dma_start3A_74 : memref<1x128x2xi32, #tpu.memory_space<hbm>> -> memref<128x2xi32, #tpu.memory_space<hbm>>
      %dma_start3A_76 = arith.constant 0 : i32
      %dma_start3A_77 = arith.constant 0 : i32
      %dma_start3A_78 = tpu.memref_slice %arg4[%add3A, %dma_start3A_76, %dma_start3A_77] : memref<32x128x2xi32, #tpu.memory_space<hbm>> -> memref<1x128x2xi32, #tpu.memory_space<hbm>>
      %dma_start3A_79 = tpu.memref_squeeze %dma_start3A_78 : memref<1x128x2xi32, #tpu.memory_space<hbm>> -> memref<128x2xi32, #tpu.memory_space<hbm>>
      tpu.enqueue_dma source(%dma_start3A_79 : memref<128x2xi32, #tpu.memory_space<hbm>>) target(%arg9 : memref<128x2xi32, #tpu.memory_space<vmem>>) target_semaphore(%run_scoped3A : memref<!tpu.dma_semaphore, #tpu.memory_space<semaphore_mem>>)
      %dma_wait3A_80 = arith.constant 0 : i32
      %dma_wait3A_81 = arith.constant 0 : i32
      %dma_wait3A_82 = tpu.memref_slice %arg4[%add3A, %dma_wait3A_80, %dma_wait3A_81] : memref<32x128x2xi32, #tpu.memory_space<hbm>> -> memref<1x128x2xi32, #tpu.memory_space<hbm>>
      %dma_wait3A_83 = tpu.memref_squeeze %dma_wait3A_82 : memref<1x128x2xi32, #tpu.memory_space<hbm>> -> memref<128x2xi32, #tpu.memory_space<hbm>>
      %dma_wait3A_84 = arith.constant 0 : i32
      %dma_wait3A_85 = arith.constant 0 : i32
      %dma_wait3A_86 = tpu.memref_slice %arg4[%add3A, %dma_wait3A_84, %dma_wait3A_85] : memref<32x128x2xi32, #tpu.memory_space<hbm>> -> memref<1x128x2xi32, #tpu.memory_space<hbm>>
      %dma_wait3A_87 = tpu.memref_squeeze %dma_wait3A_86 : memref<1x128x2xi32, #tpu.memory_space<hbm>> -> memref<128x2xi32, #tpu.memory_space<hbm>>
      tpu.wait_dma2 semaphore(%run_scoped3A : memref<!tpu.dma_semaphore, #tpu.memory_space<semaphore_mem>>) src(%dma_wait3A_87 : memref<128x2xi32, #tpu.memory_space<hbm>>) dst(%arg9 : memref<128x2xi32, #tpu.memory_space<vmem>>)
      tpu.yield
    }) : () -> ()
    "tpu.region"() ({
      %run_scoped3A = tpu.sem_alloc : memref<!tpu.dma_semaphore, #tpu.memory_space<semaphore_mem>>
      %dma_start3A_72 = arith.constant 0 : i32
      %dma_start3A_73 = arith.constant 0 : i32
      %dma_start3A_74 = tpu.memref_slice %arg5[%add3A, %dma_start3A_72, %dma_start3A_73] : memref<32x2x128xi32, #tpu.memory_space<hbm>> -> memref<1x2x128xi32, #tpu.memory_space<hbm>>
      %dma_start3A_75 = tpu.memref_squeeze %dma_start3A_74 : memref<1x2x128xi32, #tpu.memory_space<hbm>> -> memref<2x128xi32, #tpu.memory_space<hbm>>
      %dma_start3A_76 = arith.constant 0 : i32
      %dma_start3A_77 = arith.constant 0 : i32
      %dma_start3A_78 = tpu.memref_slice %arg5[%add3A, %dma_start3A_76, %dma_start3A_77] : memref<32x2x128xi32, #tpu.memory_space<hbm>> -> memref<1x2x128xi32, #tpu.memory_space<hbm>>
      %dma_start3A_79 = tpu.memref_squeeze %dma_start3A_78 : memref<1x2x128xi32, #tpu.memory_space<hbm>> -> memref<2x128xi32, #tpu.memory_space<hbm>>
      tpu.enqueue_dma source(%dma_start3A_79 : memref<2x128xi32, #tpu.memory_space<hbm>>) target(%arg10 : memref<2x128xi32, #tpu.memory_space<vmem>>) target_semaphore(%run_scoped3A : memref<!tpu.dma_semaphore, #tpu.memory_space<semaphore_mem>>)
      %dma_wait3A_80 = arith.constant 0 : i32
      %dma_wait3A_81 = arith.constant 0 : i32
      %dma_wait3A_82 = tpu.memref_slice %arg5[%add3A, %dma_wait3A_80, %dma_wait3A_81] : memref<32x2x128xi32, #tpu.memory_space<hbm>> -> memref<1x2x128xi32, #tpu.memory_space<hbm>>
      %dma_wait3A_83 = tpu.memref_squeeze %dma_wait3A_82 : memref<1x2x128xi32, #tpu.memory_space<hbm>> -> memref<2x128xi32, #tpu.memory_space<hbm>>
      %dma_wait3A_84 = arith.constant 0 : i32
      %dma_wait3A_85 = arith.constant 0 : i32
      %dma_wait3A_86 = tpu.memref_slice %arg5[%add3A, %dma_wait3A_84, %dma_wait3A_85] : memref<32x2x128xi32, #tpu.memory_space<hbm>> -> memref<1x2x128xi32, #tpu.memory_space<hbm>>
      %dma_wait3A_87 = tpu.memref_squeeze %dma_wait3A_86 : memref<1x2x128xi32, #tpu.memory_space<hbm>> -> memref<2x128xi32, #tpu.memory_space<hbm>>
      tpu.wait_dma2 semaphore(%run_scoped3A : memref<!tpu.dma_semaphore, #tpu.memory_space<semaphore_mem>>) src(%dma_wait3A_87 : memref<2x128xi32, #tpu.memory_space<hbm>>) dst(%arg10 : memref<2x128xi32, #tpu.memory_space<vmem>>)
      tpu.yield
    }) : () -> ()
    %dma_start3A = arith.constant 0 : i32
    %dma_start3A_3 = arith.constant 0 : i32
    %dma_start3A_4 = arith.constant 0 : i32
    %dma_start3A_5 = tpu.memref_slice %arg11[%dma_start3A_3, %dma_start3A_4] : memref<2x128xf32, #tpu.memory_space<vmem>> -> memref<1x128xf32, #tpu.memory_space<vmem>>
    %dma_start3A_6 = tpu.memref_squeeze %dma_start3A_5 : memref<1x128xf32, #tpu.memory_space<vmem>> -> memref<128xf32, #tpu.memory_space<vmem>>
    %dma_start3A_7 = arith.constant 0 : i32
    %dma_start3A_8 = tpu.memref_slice %arg10[%dma_start3A, %dma_start3A_7] : memref<2x128xi32, #tpu.memory_space<vmem>> -> memref<1x128xi32, #tpu.memory_space<vmem>>
    %dma_start3A_9 = tpu.memref_squeeze %dma_start3A_8 : memref<1x128xi32, #tpu.memory_space<vmem>> -> memref<128xi32, #tpu.memory_space<vmem>>
    %dma_start3A_10 = arith.constant 0 : i32
    %dma_start3A_11 = tpu.memref_slice %arg3[%dma_start3A_10] : memref<67108864xf32, #tpu.memory_space<hbm>> -> memref<67108864xf32, #tpu.memory_space<hbm>>
    tpu.enqueue_indirect_dma source(%dma_start3A_11 : memref<67108864xf32, #tpu.memory_space<hbm>>) target(%dma_start3A_6 : memref<128xf32, #tpu.memory_space<vmem>>) offsets(%dma_start3A_9 : memref<128xi32, #tpu.memory_space<vmem>>) semaphore(%arg25 : memref<!tpu.dma_semaphore, #tpu.memory_space<semaphore_mem>>)
    %dma_start3A_12 = arith.constant 1 : i32
    %dma_start3A_13 = arith.constant 1 : i32
    %dma_start3A_14 = arith.constant 0 : i32
    %dma_start3A_15 = tpu.memref_slice %arg11[%dma_start3A_13, %dma_start3A_14] : memref<2x128xf32, #tpu.memory_space<vmem>> -> memref<1x128xf32, #tpu.memory_space<vmem>>
    %dma_start3A_16 = tpu.memref_squeeze %dma_start3A_15 : memref<1x128xf32, #tpu.memory_space<vmem>> -> memref<128xf32, #tpu.memory_space<vmem>>
    %dma_start3A_17 = arith.constant 0 : i32
    %dma_start3A_18 = tpu.memref_slice %arg10[%dma_start3A_12, %dma_start3A_17] : memref<2x128xi32, #tpu.memory_space<vmem>> -> memref<1x128xi32, #tpu.memory_space<vmem>>
    %dma_start3A_19 = tpu.memref_squeeze %dma_start3A_18 : memref<1x128xi32, #tpu.memory_space<vmem>> -> memref<128xi32, #tpu.memory_space<vmem>>
    %dma_start3A_20 = arith.constant 0 : i32
    %dma_start3A_21 = tpu.memref_slice %arg3[%dma_start3A_20] : memref<67108864xf32, #tpu.memory_space<hbm>> -> memref<67108864xf32, #tpu.memory_space<hbm>>
    tpu.enqueue_indirect_dma source(%dma_start3A_21 : memref<67108864xf32, #tpu.memory_space<hbm>>) target(%dma_start3A_16 : memref<128xf32, #tpu.memory_space<vmem>>) offsets(%dma_start3A_19 : memref<128xi32, #tpu.memory_space<vmem>>) semaphore(%arg25 : memref<!tpu.dma_semaphore, #tpu.memory_space<semaphore_mem>>)
    %dma_start3A_22 = arith.constant 0 : i32
    %dma_start3A_23 = arith.constant 0 : i32
    %dma_start3A_24 = tpu.memref_slice %arg9[%dma_start3A_22, %dma_start3A_23] : memref<128x2xi32, #tpu.memory_space<vmem>> -> memref<1x2xi32, #tpu.memory_space<vmem>>
    %dma_start3A_25 = tpu.memref_squeeze %dma_start3A_24 : memref<1x2xi32, #tpu.memory_space<vmem>> -> memref<2xi32, #tpu.memory_space<vmem>>
    %dma_start3A_26 = arith.constant 0 : i32
    %dma_start3A_27 = arith.constant 0 : i32
    %dma_start3A_28 = tpu.memref_slice %arg2[%dma_start3A_26, %dma_start3A_27] : memref<8192x8192xf32, #tpu.memory_space<hbm>> -> memref<8192x8192xf32, #tpu.memory_space<hbm>>
    tpu.enqueue_indirect_dma source(%dma_start3A_28 : memref<8192x8192xf32, #tpu.memory_space<hbm>>) target(%arg13 : memref<2x8192xf32, #tpu.memory_space<vmem>>) offsets(%dma_start3A_25 : memref<2xi32, #tpu.memory_space<vmem>>) semaphore(%arg17 : memref<!tpu.dma_semaphore, #tpu.memory_space<semaphore_mem>>)
    %dma_start3A_29 = arith.constant 1 : i32
    %dma_start3A_30 = arith.constant 0 : i32
    %dma_start3A_31 = tpu.memref_slice %arg9[%dma_start3A_29, %dma_start3A_30] : memref<128x2xi32, #tpu.memory_space<vmem>> -> memref<1x2xi32, #tpu.memory_space<vmem>>
    %dma_start3A_32 = tpu.memref_squeeze %dma_start3A_31 : memref<1x2xi32, #tpu.memory_space<vmem>> -> memref<2xi32, #tpu.memory_space<vmem>>
    %dma_start3A_33 = arith.constant 0 : i32
    %dma_start3A_34 = arith.constant 0 : i32
    %dma_start3A_35 = tpu.memref_slice %arg2[%dma_start3A_33, %dma_start3A_34] : memref<8192x8192xf32, #tpu.memory_space<hbm>> -> memref<8192x8192xf32, #tpu.memory_space<hbm>>
    tpu.enqueue_indirect_dma source(%dma_start3A_35 : memref<8192x8192xf32, #tpu.memory_space<hbm>>) target(%arg14 : memref<2x8192xf32, #tpu.memory_space<vmem>>) offsets(%dma_start3A_32 : memref<2xi32, #tpu.memory_space<vmem>>) semaphore(%arg18 : memref<!tpu.dma_semaphore, #tpu.memory_space<semaphore_mem>>)
    %scan3A = arith.constant 0 : i32
    %scan3A_36 = arith.constant 0 : i32
    %scan3A_37 = arith.constant 32 : i32
    %scan3A_38 = arith.addi %scan3A_36, %scan3A_37 : i32
    %scan3A_39 = arith.constant 1 : i32
    scf.for %scan3A_72 = %scan3A_36 to %scan3A_38 step %scan3A_39  : i32 {
      %mul3A_73 = arith.constant 4 : i32
      %mul3A_74 = arith.muli %mul3A_73, %scan3A_72 : i32
      %add3A_75 = arith.constant 0 : i32
      %add3A_76 = arith.addi %mul3A_74, %add3A_75 : i32
      %dma_wait3A_77 = arith.constant 0 : i32
      %dma_wait3A_78 = tpu.memref_slice %arg9[%add3A_76, %dma_wait3A_77] : memref<128x2xi32, #tpu.memory_space<vmem>> -> memref<1x2xi32, #tpu.memory_space<vmem>>
      %dma_wait3A_79 = tpu.memref_squeeze %dma_wait3A_78 : memref<1x2xi32, #tpu.memory_space<vmem>> -> memref<2xi32, #tpu.memory_space<vmem>>
      %dma_wait3A_80 = arith.constant 0 : i32
      %dma_wait3A_81 = arith.constant 0 : i32
      %dma_wait3A_82 = tpu.memref_slice %arg2[%dma_wait3A_80, %dma_wait3A_81] : memref<8192x8192xf32, #tpu.memory_space<hbm>> -> memref<8192x8192xf32, #tpu.memory_space<hbm>>
      tpu.wait_indirect_dma semaphore(%arg17 : memref<!tpu.dma_semaphore, #tpu.memory_space<semaphore_mem>>) src(%dma_wait3A_82 : memref<8192x8192xf32, #tpu.memory_space<hbm>>) dst(%arg13 : memref<2x8192xf32, #tpu.memory_space<vmem>>)
      %broadcast_in_dim3A = arith.constant 0.000000e+00 : f32
      %broadcast_in_dim3A_83 = vector.broadcast %broadcast_in_dim3A : f32 to vector<16xf32>
      %broadcast_in_dim3A_84 = arith.constant 0.000000e+00 : f32
      %broadcast_in_dim3A_85 = vector.broadcast %broadcast_in_dim3A_84 : f32 to vector<16xf32>
      %broadcast_in_dim3A_86 = arith.constant 0.000000e+00 : f32
      %broadcast_in_dim3A_87 = vector.broadcast %broadcast_in_dim3A_86 : f32 to vector<16xf32>
      %broadcast_in_dim3A_88 = arith.constant 0.000000e+00 : f32
      %broadcast_in_dim3A_89 = vector.broadcast %broadcast_in_dim3A_88 : f32 to vector<16xf32>
      %broadcast_in_dim3A_90 = arith.constant 0.000000e+00 : f32
      %broadcast_in_dim3A_91 = vector.broadcast %broadcast_in_dim3A_90 : f32 to vector<16xf32>
      %broadcast_in_dim3A_92 = arith.constant 0.000000e+00 : f32
      %broadcast_in_dim3A_93 = vector.broadcast %broadcast_in_dim3A_92 : f32 to vector<16xf32>
      %broadcast_in_dim3A_94 = arith.constant 0.000000e+00 : f32
      %broadcast_in_dim3A_95 = vector.broadcast %broadcast_in_dim3A_94 : f32 to vector<16xf32>
      %broadcast_in_dim3A_96 = arith.constant 0.000000e+00 : f32
      %broadcast_in_dim3A_97 = vector.broadcast %broadcast_in_dim3A_96 : f32 to vector<16xf32>
      %scan3A_98 = arith.constant 0 : i32
      %scan3A_99 = arith.constant 64 : i32
      %scan3A_100 = arith.addi %scan3A_98, %scan3A_99 : i32
      %scan3A_101 = arith.constant 1 : i32
      %scan3A_102:8 = scf.for %scan3A_487 = %scan3A_98 to %scan3A_100 step %scan3A_101 iter_args(%scan3A_488 = %broadcast_in_dim3A_83, %scan3A_489 = %broadcast_in_dim3A_85, %scan3A_490 = %broadcast_in_dim3A_87, %scan3A_491 = %broadcast_in_dim3A_89, %scan3A_492 = %broadcast_in_dim3A_91, %scan3A_493 = %broadcast_in_dim3A_93, %scan3A_494 = %broadcast_in_dim3A_95, %scan3A_495 = %broadcast_in_dim3A_97) -> (vector<16xf32>, vector<16xf32>, vector<16xf32>, vector<16xf32>, vector<16xf32>, vector<16xf32>, vector<16xf32>, vector<16xf32>)  : i32 {
        %mul3A_496 = arith.constant 128 : i32
        %mul3A_497 = arith.muli %scan3A_487, %mul3A_496 : i32
        %add3A_498 = arith.constant 0 : i32
        %add3A_499 = arith.addi %mul3A_497, %add3A_498 : i32
        %get3A = arith.constant 0 : i32
        %get3A_500 = arith.index_cast %get3A : i32 to index
        %get3A_501 = arith.index_cast %add3A_499 : i32 to index
        %get3A_502 = tpu.vector_load %arg13[%get3A_500, %get3A_501] {strides = array<i32>} : memref<2x8192xf32, #tpu.memory_space<vmem>>, vector<1x16xf32>,
        %get3A_503 = vector.shape_cast %get3A_502 : vector<1x16xf32> to vector<16xf32>
        %exp3A = math.exp %get3A_503 : vector<16xf32>
        %add3A_504 = arith.addf %scan3A_488, %exp3A : vector<16xf32>
        %add3A_505 = arith.constant 16 : i32
        %add3A_506 = arith.addi %mul3A_497, %add3A_505 : i32
        %get3A_507 = arith.constant 0 : i32
        %get3A_508 = arith.index_cast %get3A_507 : i32 to index
        %get3A_509 = arith.index_cast %add3A_506 : i32 to index
        %get3A_510 = tpu.vector_load %arg13[%get3A_508, %get3A_509] {strides = array<i32>} : memref<2x8192xf32, #tpu.memory_space<vmem>>, vector<1x16xf32>,
        %get3A_511 = vector.shape_cast %get3A_510 : vector<1x16xf32> to vector<16xf32>
        %exp3A_512 = math.exp %get3A_511 : vector<16xf32>
        %add3A_513 = arith.addf %scan3A_489, %exp3A_512 : vector<16xf32>
        %add3A_514 = arith.constant 32 : i32
        %add3A_515 = arith.addi %mul3A_497, %add3A_514 : i32
        %get3A_516 = arith.constant 0 : i32
        %get3A_517 = arith.index_cast %get3A_516 : i32 to index
        %get3A_518 = arith.index_cast %add3A_515 : i32 to index
        %get3A_519 = tpu.vector_load %arg13[%get3A_517, %get3A_518] {strides = array<i32>} : memref<2x8192xf32, #tpu.memory_space<vmem>>, vector<1x16xf32>,
        %get3A_520 = vector.shape_cast %get3A_519 : vector<1x16xf32> to vector<16xf32>
        %exp3A_521 = math.exp %get3A_520 : vector<16xf32>
        %add3A_522 = arith.addf %scan3A_490, %exp3A_521 : vector<16xf32>
        %add3A_523 = arith.constant 48 : i32
        %add3A_524 = arith.addi %mul3A_497, %add3A_523 : i32
        %get3A_525 = arith.constant 0 : i32
        %get3A_526 = arith.index_cast %get3A_525 : i32 to index
        %get3A_527 = arith.index_cast %add3A_524 : i32 to index
        %get3A_528 = tpu.vector_load %arg13[%get3A_526, %get3A_527] {strides = array<i32>} : memref<2x8192xf32, #tpu.memory_space<vmem>>, vector<1x16xf32>,
        %get3A_529 = vector.shape_cast %get3A_528 : vector<1x16xf32> to vector<16xf32>
        %exp3A_530 = math.exp %get3A_529 : vector<16xf32>
        %add3A_531 = arith.addf %scan3A_491, %exp3A_530 : vector<16xf32>
        %add3A_532 = arith.constant 64 : i32
        %add3A_533 = arith.addi %mul3A_497, %add3A_532 : i32
        %get3A_534 = arith.constant 0 : i32
        %get3A_535 = arith.index_cast %get3A_534 : i32 to index
        %get3A_536 = arith.index_cast %add3A_533 : i32 to index
        %get3A_537 = tpu.vector_load %arg13[%get3A_535, %get3A_536] {strides = array<i32>} : memref<2x8192xf32, #tpu.memory_space<vmem>>, vector<1x16xf32>,
        %get3A_538 = vector.shape_cast %get3A_537 : vector<1x16xf32> to vector<16xf32>
        %exp3A_539 = math.exp %get3A_538 : vector<16xf32>
        %add3A_540 = arith.addf %scan3A_492, %exp3A_539 : vector<16xf32>
        %add3A_541 = arith.constant 80 : i32
        %add3A_542 = arith.addi %mul3A_497, %add3A_541 : i32
        %get3A_543 = arith.constant 0 : i32
        %get3A_544 = arith.index_cast %get3A_543 : i32 to index
        %get3A_545 = arith.index_cast %add3A_542 : i32 to index
        %get3A_546 = tpu.vector_load %arg13[%get3A_544, %get3A_545] {strides = array<i32>} : memref<2x8192xf32, #tpu.memory_space<vmem>>, vector<1x16xf32>,
        %get3A_547 = vector.shape_cast %get3A_546 : vector<1x16xf32> to vector<16xf32>
        %exp3A_548 = math.exp %get3A_547 : vector<16xf32>
        %add3A_549 = arith.addf %scan3A_493, %exp3A_548 : vector<16xf32>
        %add3A_550 = arith.constant 96 : i32
        %add3A_551 = arith.addi %mul3A_497, %add3A_550 : i32
        %get3A_552 = arith.constant 0 : i32
        %get3A_553 = arith.index_cast %get3A_552 : i32 to index
        %get3A_554 = arith.index_cast %add3A_551 : i32 to index
        %get3A_555 = tpu.vector_load %arg13[%get3A_553, %get3A_554] {strides = array<i32>} : memref<2x8192xf32, #tpu.memory_space<vmem>>, vector<1x16xf32>,
        %get3A_556 = vector.shape_cast %get3A_555 : vector<1x16xf32> to vector<16xf32>
        %exp3A_557 = math.exp %get3A_556 : vector<16xf32>
        %add3A_558 = arith.addf %scan3A_494, %exp3A_557 : vector<16xf32>
        %add3A_559 = arith.constant 112 : i32
        %add3A_560 = arith.addi %mul3A_497, %add3A_559 : i32
        %get3A_561 = arith.constant 0 : i32
        %get3A_562 = arith.index_cast %get3A_561 : i32 to index
        %get3A_563 = arith.index_cast %add3A_560 : i32 to index
        %get3A_564 = tpu.vector_load %arg13[%get3A_562, %get3A_563] {strides = array<i32>} : memref<2x8192xf32, #tpu.memory_space<vmem>>, vector<1x16xf32>,
        %get3A_565 = vector.shape_cast %get3A_564 : vector<1x16xf32> to vector<16xf32>
        %exp3A_566 = math.exp %get3A_565 : vector<16xf32>
        %add3A_567 = arith.addf %scan3A_495, %exp3A_566 : vector<16xf32>
        scf.yield %add3A_504, %add3A_513, %add3A_522, %add3A_531, %add3A_540, %add3A_549, %add3A_558, %add3A_567 : vector<16xf32>, vector<16xf32>, vector<16xf32>, vector<16xf32>, vector<16xf32>, vector<16xf32>, vector<16xf32>, vector<16xf32>
      }
      %scan3A_103 = arith.constant 64 : i32
      %add3A_104 = arith.addf %scan3A_102#0, %scan3A_102#1 : vector<16xf32>
      %add3A_105 = arith.addf %add3A_104, %scan3A_102#2 : vector<16xf32>
      %add3A_106 = arith.addf %add3A_105, %scan3A_102#3 : vector<16xf32>
      %add3A_107 = arith.addf %add3A_106, %scan3A_102#4 : vector<16xf32>
      %add3A_108 = arith.addf %add3A_107, %scan3A_102#5 : vector<16xf32>
      %add3A_109 = arith.addf %add3A_108, %scan3A_102#6 : vector<16xf32>
      %add3A_110 = arith.addf %add3A_109, %scan3A_102#7 : vector<16xf32>
      %mul3A_111 = arith.constant 2 : i32
      %mul3A_112 = arith.muli %add3A_76, %mul3A_111 : i32
      %add3A_113 = arith.constant 0 : i32
      %add3A_114 = arith.addi %mul3A_112, %add3A_113 : i32
      %swap3A = arith.index_cast %add3A_114 : i32 to index
      %swap3A_115 = arith.constant 0 : index
      %swap3A_116 = tpu.vector_load %arg12[%swap3A, %swap3A_115] {strides = array<i32>} : memref<256x16xf32, #tpu.memory_space<vmem>>, vector<1x16xf32>,
      %swap3A_117 = vector.shape_cast %swap3A_116 : vector<1x16xf32> to vector<16xf32>
      %swap3A_118 = vector.shape_cast %add3A_110 : vector<16xf32> to vector<1x16xf32>
      tpu.vector_store %arg12[%swap3A, %swap3A_115], %swap3A_118 {strides = array<i32>} : memref<256x16xf32, #tpu.memory_space<vmem>>, vector<1x16xf32>,
      %broadcast_in_dim3A_119 = arith.constant 0.000000e+00 : f32
      %broadcast_in_dim3A_120 = vector.broadcast %broadcast_in_dim3A_119 : f32 to vector<16xf32>
      %broadcast_in_dim3A_121 = arith.constant 0.000000e+00 : f32
      %broadcast_in_dim3A_122 = vector.broadcast %broadcast_in_dim3A_121 : f32 to vector<16xf32>
      %broadcast_in_dim3A_123 = arith.constant 0.000000e+00 : f32
      %broadcast_in_dim3A_124 = vector.broadcast %broadcast_in_dim3A_123 : f32 to vector<16xf32>
      %broadcast_in_dim3A_125 = arith.constant 0.000000e+00 : f32
      %broadcast_in_dim3A_126 = vector.broadcast %broadcast_in_dim3A_125 : f32 to vector<16xf32>
      %broadcast_in_dim3A_127 = arith.constant 0.000000e+00 : f32
      %broadcast_in_dim3A_128 = vector.broadcast %broadcast_in_dim3A_127 : f32 to vector<16xf32>
      %broadcast_in_dim3A_129 = arith.constant 0.000000e+00 : f32
      %broadcast_in_dim3A_130 = vector.broadcast %broadcast_in_dim3A_129 : f32 to vector<16xf32>
      %broadcast_in_dim3A_131 = arith.constant 0.000000e+00 : f32
      %broadcast_in_dim3A_132 = vector.broadcast %broadcast_in_dim3A_131 : f32 to vector<16xf32>
      %broadcast_in_dim3A_133 = arith.constant 0.000000e+00 : f32
      %broadcast_in_dim3A_134 = vector.broadcast %broadcast_in_dim3A_133 : f32 to vector<16xf32>
      %scan3A_135 = arith.constant 0 : i32
      %scan3A_136 = arith.constant 64 : i32
      %scan3A_137 = arith.addi %scan3A_135, %scan3A_136 : i32
      %scan3A_138 = arith.constant 1 : i32
      %scan3A_139:8 = scf.for %scan3A_487 = %scan3A_135 to %scan3A_137 step %scan3A_138 iter_args(%scan3A_488 = %broadcast_in_dim3A_120, %scan3A_489 = %broadcast_in_dim3A_122, %scan3A_490 = %broadcast_in_dim3A_124, %scan3A_491 = %broadcast_in_dim3A_126, %scan3A_492 = %broadcast_in_dim3A_128, %scan3A_493 = %broadcast_in_dim3A_130, %scan3A_494 = %broadcast_in_dim3A_132, %scan3A_495 = %broadcast_in_dim3A_134) -> (vector<16xf32>, vector<16xf32>, vector<16xf32>, vector<16xf32>, vector<16xf32>, vector<16xf32>, vector<16xf32>, vector<16xf32>)  : i32 {
        %mul3A_496 = arith.constant 128 : i32
        %mul3A_497 = arith.muli %scan3A_487, %mul3A_496 : i32
        %add3A_498 = arith.constant 0 : i32
        %add3A_499 = arith.addi %mul3A_497, %add3A_498 : i32
        %get3A = arith.constant 1 : i32
        %get3A_500 = arith.index_cast %get3A : i32 to index
        %get3A_501 = arith.index_cast %add3A_499 : i32 to index
        %get3A_502 = tpu.vector_load %arg13[%get3A_500, %get3A_501] {strides = array<i32>} : memref<2x8192xf32, #tpu.memory_space<vmem>>, vector<1x16xf32>,
        %get3A_503 = vector.shape_cast %get3A_502 : vector<1x16xf32> to vector<16xf32>
        %exp3A = math.exp %get3A_503 : vector<16xf32>
        %add3A_504 = arith.addf %scan3A_488, %exp3A : vector<16xf32>
        %add3A_505 = arith.constant 16 : i32
        %add3A_506 = arith.addi %mul3A_497, %add3A_505 : i32
        %get3A_507 = arith.constant 1 : i32
        %get3A_508 = arith.index_cast %get3A_507 : i32 to index
        %get3A_509 = arith.index_cast %add3A_506 : i32 to index
        %get3A_510 = tpu.vector_load %arg13[%get3A_508, %get3A_509] {strides = array<i32>} : memref<2x8192xf32, #tpu.memory_space<vmem>>, vector<1x16xf32>,
        %get3A_511 = vector.shape_cast %get3A_510 : vector<1x16xf32> to vector<16xf32>
        %exp3A_512 = math.exp %get3A_511 : vector<16xf32>
        %add3A_513 = arith.addf %scan3A_489, %exp3A_512 : vector<16xf32>
        %add3A_514 = arith.constant 32 : i32
        %add3A_515 = arith.addi %mul3A_497, %add3A_514 : i32
        %get3A_516 = arith.constant 1 : i32
        %get3A_517 = arith.index_cast %get3A_516 : i32 to index
        %get3A_518 = arith.index_cast %add3A_515 : i32 to index
        %get3A_519 = tpu.vector_load %arg13[%get3A_517, %get3A_518] {strides = array<i32>} : memref<2x8192xf32, #tpu.memory_space<vmem>>, vector<1x16xf32>,
        %get3A_520 = vector.shape_cast %get3A_519 : vector<1x16xf32> to vector<16xf32>
        %exp3A_521 = math.exp %get3A_520 : vector<16xf32>
        %add3A_522 = arith.addf %scan3A_490, %exp3A_521 : vector<16xf32>
        %add3A_523 = arith.constant 48 : i32
        %add3A_524 = arith.addi %mul3A_497, %add3A_523 : i32
        %get3A_525 = arith.constant 1 : i32
        %get3A_526 = arith.index_cast %get3A_525 : i32 to index
        %get3A_527 = arith.index_cast %add3A_524 : i32 to index
        %get3A_528 = tpu.vector_load %arg13[%get3A_526, %get3A_527] {strides = array<i32>} : memref<2x8192xf32, #tpu.memory_space<vmem>>, vector<1x16xf32>,
        %get3A_529 = vector.shape_cast %get3A_528 : vector<1x16xf32> to vector<16xf32>
        %exp3A_530 = math.exp %get3A_529 : vector<16xf32>
        %add3A_531 = arith.addf %scan3A_491, %exp3A_530 : vector<16xf32>
        %add3A_532 = arith.constant 64 : i32
        %add3A_533 = arith.addi %mul3A_497, %add3A_532 : i32
        %get3A_534 = arith.constant 1 : i32
        %get3A_535 = arith.index_cast %get3A_534 : i32 to index
        %get3A_536 = arith.index_cast %add3A_533 : i32 to index
        %get3A_537 = tpu.vector_load %arg13[%get3A_535, %get3A_536] {strides = array<i32>} : memref<2x8192xf32, #tpu.memory_space<vmem>>, vector<1x16xf32>,
        %get3A_538 = vector.shape_cast %get3A_537 : vector<1x16xf32> to vector<16xf32>
        %exp3A_539 = math.exp %get3A_538 : vector<16xf32>
        %add3A_540 = arith.addf %scan3A_492, %exp3A_539 : vector<16xf32>
        %add3A_541 = arith.constant 80 : i32
        %add3A_542 = arith.addi %mul3A_497, %add3A_541 : i32
        %get3A_543 = arith.constant 1 : i32
        %get3A_544 = arith.index_cast %get3A_543 : i32 to index
        %get3A_545 = arith.index_cast %add3A_542 : i32 to index
        %get3A_546 = tpu.vector_load %arg13[%get3A_544, %get3A_545] {strides = array<i32>} : memref<2x8192xf32, #tpu.memory_space<vmem>>, vector<1x16xf32>,
        %get3A_547 = vector.shape_cast %get3A_546 : vector<1x16xf32> to vector<16xf32>
        %exp3A_548 = math.exp %get3A_547 : vector<16xf32>
        %add3A_549 = arith.addf %scan3A_493, %exp3A_548 : vector<16xf32>
        %add3A_550 = arith.constant 96 : i32
        %add3A_551 = arith.addi %mul3A_497, %add3A_550 : i32
        %get3A_552 = arith.constant 1 : i32
        %get3A_553 = arith.index_cast %get3A_552 : i32 to index
        %get3A_554 = arith.index_cast %add3A_551 : i32 to index
        %get3A_555 = tpu.vector_load %arg13[%get3A_553, %get3A_554] {strides = array<i32>} : memref<2x8192xf32, #tpu.memory_space<vmem>>, vector<1x16xf32>,
        %get3A_556 = vector.shape_cast %get3A_555 : vector<1x16xf32> to vector<16xf32>
        %exp3A_557 = math.exp %get3A_556 : vector<16xf32>
        %add3A_558 = arith.addf %scan3A_494, %exp3A_557 : vector<16xf32>
        %add3A_559 = arith.constant 112 : i32
        %add3A_560 = arith.addi %mul3A_497, %add3A_559 : i32
        %get3A_561 = arith.constant 1 : i32
        %get3A_562 = arith.index_cast %get3A_561 : i32 to index
        %get3A_563 = arith.index_cast %add3A_560 : i32 to index
        %get3A_564 = tpu.vector_load %arg13[%get3A_562, %get3A_563] {strides = array<i32>} : memref<2x8192xf32, #tpu.memory_space<vmem>>, vector<1x16xf32>,
        %get3A_565 = vector.shape_cast %get3A_564 : vector<1x16xf32> to vector<16xf32>
        %exp3A_566 = math.exp %get3A_565 : vector<16xf32>
        %add3A_567 = arith.addf %scan3A_495, %exp3A_566 : vector<16xf32>
        scf.yield %add3A_504, %add3A_513, %add3A_522, %add3A_531, %add3A_540, %add3A_549, %add3A_558, %add3A_567 : vector<16xf32>, vector<16xf32>, vector<16xf32>, vector<16xf32>, vector<16xf32>, vector<16xf32>, vector<16xf32>, vector<16xf32>
      }
      %scan3A_140 = arith.constant 64 : i32
      %add3A_141 = arith.addf %scan3A_139#0, %scan3A_139#1 : vector<16xf32>
      %add3A_142 = arith.addf %add3A_141, %scan3A_139#2 : vector<16xf32>
      %add3A_143 = arith.addf %add3A_142, %scan3A_139#3 : vector<16xf32>
      %add3A_144 = arith.addf %add3A_143, %scan3A_139#4 : vector<16xf32>
      %add3A_145 = arith.addf %add3A_144, %scan3A_139#5 : vector<16xf32>
      %add3A_146 = arith.addf %add3A_145, %scan3A_139#6 : vector<16xf32>
      %add3A_147 = arith.addf %add3A_146, %scan3A_139#7 : vector<16xf32>
      %mul3A_148 = arith.constant 2 : i32
      %mul3A_149 = arith.muli %add3A_76, %mul3A_148 : i32
      %add3A_150 = arith.constant 1 : i32
      %add3A_151 = arith.addi %mul3A_149, %add3A_150 : i32
      %swap3A_152 = arith.index_cast %add3A_151 : i32 to index
      %swap3A_153 = arith.constant 0 : index
      %swap3A_154 = tpu.vector_load %arg12[%swap3A_152, %swap3A_153] {strides = array<i32>} : memref<256x16xf32, #tpu.memory_space<vmem>>, vector<1x16xf32>,
      %swap3A_155 = vector.shape_cast %swap3A_154 : vector<1x16xf32> to vector<16xf32>
      %swap3A_156 = vector.shape_cast %add3A_147 : vector<16xf32> to vector<1x16xf32>
      tpu.vector_store %arg12[%swap3A_152, %swap3A_153], %swap3A_156 {strides = array<i32>} : memref<256x16xf32, #tpu.memory_space<vmem>>, vector<1x16xf32>,
      %mul3A_157 = arith.constant 2 : i32
      %mul3A_158 = arith.muli %add3A_76, %mul3A_157 : i32
      %add3A_159 = arith.addi %mul3A_2, %mul3A_158 : i32
      %dma_start3A_160 = arith.constant 0 : i32
      %dma_start3A_161 = tpu.memref_slice %arg6[%add3A_159, %dma_start3A_160] : memref<8192x8192xf32, #tpu.memory_space<hbm>> -> memref<2x8192xf32, #tpu.memory_space<hbm>>
      %dma_start3A_162 = arith.constant 0 : i32
      %dma_start3A_163 = tpu.memref_slice %arg6[%add3A_159, %dma_start3A_162] : memref<8192x8192xf32, #tpu.memory_space<hbm>> -> memref<2x8192xf32, #tpu.memory_space<hbm>>
      tpu.enqueue_dma source(%arg13 : memref<2x8192xf32, #tpu.memory_space<vmem>>) target(%dma_start3A_163 : memref<2x8192xf32, #tpu.memory_space<hbm>>) target_semaphore(%arg21 : memref<!tpu.dma_semaphore, #tpu.memory_space<semaphore_mem>>)
      %ge3A = arith.constant 2 : i32
      %ge3A_164 = arith.cmpi sge, %add3A_76, %ge3A : i32
      %convert_element_type3A = arith.extui %ge3A_164 : i1 to i32
      %cond3A = arith.constant 0 : i32
      %cond3A_165 = arith.cmpi ne, %convert_element_type3A, %cond3A : i32
      scf.if %cond3A_165 {
        %dma_wait3A_487 = arith.constant 0 : i32
        %dma_wait3A_488 = arith.constant 0 : i32
        %dma_wait3A_489 = tpu.memref_slice %arg6[%dma_wait3A_487, %dma_wait3A_488] : memref<8192x8192xf32, #tpu.memory_space<hbm>> -> memref<2x8192xf32, #tpu.memory_space<hbm>>
        %dma_wait3A_490 = arith.constant 0 : i32
        %dma_wait3A_491 = arith.constant 0 : i32
        %dma_wait3A_492 = tpu.memref_slice %arg6[%dma_wait3A_490, %dma_wait3A_491] : memref<8192x8192xf32, #tpu.memory_space<hbm>> -> memref<2x8192xf32, #tpu.memory_space<hbm>>
        tpu.wait_dma2 semaphore(%arg23 : memref<!tpu.dma_semaphore, #tpu.memory_space<semaphore_mem>>) src(%arg15 : memref<2x8192xf32, #tpu.memory_space<vmem>>) dst(%dma_wait3A_492 : memref<2x8192xf32, #tpu.memory_space<hbm>>)
      } else {
      }
      %add3A_166 = arith.constant 2 : i32
      %add3A_167 = arith.addi %add3A_76, %add3A_166 : i32
      %lt3A = arith.constant 128 : i32
      %lt3A_168 = arith.cmpi slt, %add3A_167, %lt3A : i32
      %convert_element_type3A_169 = arith.extui %lt3A_168 : i1 to i32
      %cond3A_170 = arith.constant 0 : i32
      %cond3A_171 = arith.cmpi ne, %convert_element_type3A_169, %cond3A_170 : i32
      scf.if %cond3A_171 {
        %add3A_487 = arith.constant 2 : i32
        %add3A_488 = arith.addi %add3A_76, %add3A_487 : i32
        %dma_start3A_489 = arith.constant 0 : i32
        %dma_start3A_490 = tpu.memref_slice %arg9[%add3A_488, %dma_start3A_489] : memref<128x2xi32, #tpu.memory_space<vmem>> -> memref<1x2xi32, #tpu.memory_space<vmem>>
        %dma_start3A_491 = tpu.memref_squeeze %dma_start3A_490 : memref<1x2xi32, #tpu.memory_space<vmem>> -> memref<2xi32, #tpu.memory_space<vmem>>
        %dma_start3A_492 = arith.constant 0 : i32
        %dma_start3A_493 = arith.constant 0 : i32
        %dma_start3A_494 = tpu.memref_slice %arg2[%dma_start3A_492, %dma_start3A_493] : memref<8192x8192xf32, #tpu.memory_space<hbm>> -> memref<8192x8192xf32, #tpu.memory_space<hbm>>
        tpu.enqueue_indirect_dma source(%dma_start3A_494 : memref<8192x8192xf32, #tpu.memory_space<hbm>>) target(%arg15 : memref<2x8192xf32, #tpu.memory_space<vmem>>) offsets(%dma_start3A_491 : memref<2xi32, #tpu.memory_space<vmem>>) semaphore(%arg19 : memref<!tpu.dma_semaphore, #tpu.memory_space<semaphore_mem>>)
      } else {
      }
      %mul3A_172 = arith.constant 4 : i32
      %mul3A_173 = arith.muli %mul3A_172, %scan3A_72 : i32
      %add3A_174 = arith.constant 1 : i32
      %add3A_175 = arith.addi %mul3A_173, %add3A_174 : i32
      %dma_wait3A_176 = arith.constant 0 : i32
      %dma_wait3A_177 = tpu.memref_slice %arg9[%add3A_175, %dma_wait3A_176] : memref<128x2xi32, #tpu.memory_space<vmem>> -> memref<1x2xi32, #tpu.memory_space<vmem>>
      %dma_wait3A_178 = tpu.memref_squeeze %dma_wait3A_177 : memref<1x2xi32, #tpu.memory_space<vmem>> -> memref<2xi32, #tpu.memory_space<vmem>>
      %dma_wait3A_179 = arith.constant 0 : i32
      %dma_wait3A_180 = arith.constant 0 : i32
      %dma_wait3A_181 = tpu.memref_slice %arg2[%dma_wait3A_179, %dma_wait3A_180] : memref<8192x8192xf32, #tpu.memory_space<hbm>> -> memref<8192x8192xf32, #tpu.memory_space<hbm>>
      tpu.wait_indirect_dma semaphore(%arg18 : memref<!tpu.dma_semaphore, #tpu.memory_space<semaphore_mem>>) src(%dma_wait3A_181 : memref<8192x8192xf32, #tpu.memory_space<hbm>>) dst(%arg14 : memref<2x8192xf32, #tpu.memory_space<vmem>>)
      %broadcast_in_dim3A_182 = arith.constant 0.000000e+00 : f32
      %broadcast_in_dim3A_183 = vector.broadcast %broadcast_in_dim3A_182 : f32 to vector<16xf32>
      %broadcast_in_dim3A_184 = arith.constant 0.000000e+00 : f32
      %broadcast_in_dim3A_185 = vector.broadcast %broadcast_in_dim3A_184 : f32 to vector<16xf32>
      %broadcast_in_dim3A_186 = arith.constant 0.000000e+00 : f32
      %broadcast_in_dim3A_187 = vector.broadcast %broadcast_in_dim3A_186 : f32 to vector<16xf32>
      %broadcast_in_dim3A_188 = arith.constant 0.000000e+00 : f32
      %broadcast_in_dim3A_189 = vector.broadcast %broadcast_in_dim3A_188 : f32 to vector<16xf32>
      %broadcast_in_dim3A_190 = arith.constant 0.000000e+00 : f32
      %broadcast_in_dim3A_191 = vector.broadcast %broadcast_in_dim3A_190 : f32 to vector<16xf32>
      %broadcast_in_dim3A_192 = arith.constant 0.000000e+00 : f32
      %broadcast_in_dim3A_193 = vector.broadcast %broadcast_in_dim3A_192 : f32 to vector<16xf32>
      %broadcast_in_dim3A_194 = arith.constant 0.000000e+00 : f32
      %broadcast_in_dim3A_195 = vector.broadcast %broadcast_in_dim3A_194 : f32 to vector<16xf32>
      %broadcast_in_dim3A_196 = arith.constant 0.000000e+00 : f32
      %broadcast_in_dim3A_197 = vector.broadcast %broadcast_in_dim3A_196 : f32 to vector<16xf32>
      %scan3A_198 = arith.constant 0 : i32
      %scan3A_199 = arith.constant 64 : i32
      %scan3A_200 = arith.addi %scan3A_198, %scan3A_199 : i32
      %scan3A_201 = arith.constant 1 : i32
      %scan3A_202:8 = scf.for %scan3A_487 = %scan3A_198 to %scan3A_200 step %scan3A_201 iter_args(%scan3A_488 = %broadcast_in_dim3A_183, %scan3A_489 = %broadcast_in_dim3A_185, %scan3A_490 = %broadcast_in_dim3A_187, %scan3A_491 = %broadcast_in_dim3A_189, %scan3A_492 = %broadcast_in_dim3A_191, %scan3A_493 = %broadcast_in_dim3A_193, %scan3A_494 = %broadcast_in_dim3A_195, %scan3A_495 = %broadcast_in_dim3A_197) -> (vector<16xf32>, vector<16xf32>, vector<16xf32>, vector<16xf32>, vector<16xf32>, vector<16xf32>, vector<16xf32>, vector<16xf32>)  : i32 {
        %mul3A_496 = arith.constant 128 : i32
        %mul3A_497 = arith.muli %scan3A_487, %mul3A_496 : i32
        %add3A_498 = arith.constant 0 : i32
        %add3A_499 = arith.addi %mul3A_497, %add3A_498 : i32
        %get3A = arith.constant 0 : i32
        %get3A_500 = arith.index_cast %get3A : i32 to index
        %get3A_501 = arith.index_cast %add3A_499 : i32 to index
        %get3A_502 = tpu.vector_load %arg14[%get3A_500, %get3A_501] {strides = array<i32>} : memref<2x8192xf32, #tpu.memory_space<vmem>>, vector<1x16xf32>,
        %get3A_503 = vector.shape_cast %get3A_502 : vector<1x16xf32> to vector<16xf32>
        %exp3A = math.exp %get3A_503 : vector<16xf32>
        %add3A_504 = arith.addf %scan3A_488, %exp3A : vector<16xf32>
        %add3A_505 = arith.constant 16 : i32
        %add3A_506 = arith.addi %mul3A_497, %add3A_505 : i32
        %get3A_507 = arith.constant 0 : i32
        %get3A_508 = arith.index_cast %get3A_507 : i32 to index
        %get3A_509 = arith.index_cast %add3A_506 : i32 to index
        %get3A_510 = tpu.vector_load %arg14[%get3A_508, %get3A_509] {strides = array<i32>} : memref<2x8192xf32, #tpu.memory_space<vmem>>, vector<1x16xf32>,
        %get3A_511 = vector.shape_cast %get3A_510 : vector<1x16xf32> to vector<16xf32>
        %exp3A_512 = math.exp %get3A_511 : vector<16xf32>
        %add3A_513 = arith.addf %scan3A_489, %exp3A_512 : vector<16xf32>
        %add3A_514 = arith.constant 32 : i32
        %add3A_515 = arith.addi %mul3A_497, %add3A_514 : i32
        %get3A_516 = arith.constant 0 : i32
        %get3A_517 = arith.index_cast %get3A_516 : i32 to index
        %get3A_518 = arith.index_cast %add3A_515 : i32 to index
        %get3A_519 = tpu.vector_load %arg14[%get3A_517, %get3A_518] {strides = array<i32>} : memref<2x8192xf32, #tpu.memory_space<vmem>>, vector<1x16xf32>,
        %get3A_520 = vector.shape_cast %get3A_519 : vector<1x16xf32> to vector<16xf32>
        %exp3A_521 = math.exp %get3A_520 : vector<16xf32>
        %add3A_522 = arith.addf %scan3A_490, %exp3A_521 : vector<16xf32>
        %add3A_523 = arith.constant 48 : i32
        %add3A_524 = arith.addi %mul3A_497, %add3A_523 : i32
        %get3A_525 = arith.constant 0 : i32
        %get3A_526 = arith.index_cast %get3A_525 : i32 to index
        %get3A_527 = arith.index_cast %add3A_524 : i32 to index
        %get3A_528 = tpu.vector_load %arg14[%get3A_526, %get3A_527] {strides = array<i32>} : memref<2x8192xf32, #tpu.memory_space<vmem>>, vector<1x16xf32>,
        %get3A_529 = vector.shape_cast %get3A_528 : vector<1x16xf32> to vector<16xf32>
        %exp3A_530 = math.exp %get3A_529 : vector<16xf32>
        %add3A_531 = arith.addf %scan3A_491, %exp3A_530 : vector<16xf32>
        %add3A_532 = arith.constant 64 : i32
        %add3A_533 = arith.addi %mul3A_497, %add3A_532 : i32
        %get3A_534 = arith.constant 0 : i32
        %get3A_535 = arith.index_cast %get3A_534 : i32 to index
        %get3A_536 = arith.index_cast %add3A_533 : i32 to index
        %get3A_537 = tpu.vector_load %arg14[%get3A_535, %get3A_536] {strides = array<i32>} : memref<2x8192xf32, #tpu.memory_space<vmem>>, vector<1x16xf32>,
        %get3A_538 = vector.shape_cast %get3A_537 : vector<1x16xf32> to vector<16xf32>
        %exp3A_539 = math.exp %get3A_538 : vector<16xf32>
        %add3A_540 = arith.addf %scan3A_492, %exp3A_539 : vector<16xf32>
        %add3A_541 = arith.constant 80 : i32
        %add3A_542 = arith.addi %mul3A_497, %add3A_541 : i32
        %get3A_543 = arith.constant 0 : i32
        %get3A_544 = arith.index_cast %get3A_543 : i32 to index
        %get3A_545 = arith.index_cast %add3A_542 : i32 to index
        %get3A_546 = tpu.vector_load %arg14[%get3A_544, %get3A_545] {strides = array<i32>} : memref<2x8192xf32, #tpu.memory_space<vmem>>, vector<1x16xf32>,
        %get3A_547 = vector.shape_cast %get3A_546 : vector<1x16xf32> to vector<16xf32>
        %exp3A_548 = math.exp %get3A_547 : vector<16xf32>
        %add3A_549 = arith.addf %scan3A_493, %exp3A_548 : vector<16xf32>
        %add3A_550 = arith.constant 96 : i32
        %add3A_551 = arith.addi %mul3A_497, %add3A_550 : i32
        %get3A_552 = arith.constant 0 : i32
        %get3A_553 = arith.index_cast %get3A_552 : i32 to index
        %get3A_554 = arith.index_cast %add3A_551 : i32 to index
        %get3A_555 = tpu.vector_load %arg14[%get3A_553, %get3A_554] {strides = array<i32>} : memref<2x8192xf32, #tpu.memory_space<vmem>>, vector<1x16xf32>,
        %get3A_556 = vector.shape_cast %get3A_555 : vector<1x16xf32> to vector<16xf32>
        %exp3A_557 = math.exp %get3A_556 : vector<16xf32>
        %add3A_558 = arith.addf %scan3A_494, %exp3A_557 : vector<16xf32>
        %add3A_559 = arith.constant 112 : i32
        %add3A_560 = arith.addi %mul3A_497, %add3A_559 : i32
        %get3A_561 = arith.constant 0 : i32
        %get3A_562 = arith.index_cast %get3A_561 : i32 to index
        %get3A_563 = arith.index_cast %add3A_560 : i32 to index
        %get3A_564 = tpu.vector_load %arg14[%get3A_562, %get3A_563] {strides = array<i32>} : memref<2x8192xf32, #tpu.memory_space<vmem>>, vector<1x16xf32>,
        %get3A_565 = vector.shape_cast %get3A_564 : vector<1x16xf32> to vector<16xf32>
        %exp3A_566 = math.exp %get3A_565 : vector<16xf32>
        %add3A_567 = arith.addf %scan3A_495, %exp3A_566 : vector<16xf32>
        scf.yield %add3A_504, %add3A_513, %add3A_522, %add3A_531, %add3A_540, %add3A_549, %add3A_558, %add3A_567 : vector<16xf32>, vector<16xf32>, vector<16xf32>, vector<16xf32>, vector<16xf32>, vector<16xf32>, vector<16xf32>, vector<16xf32>
      }
      %scan3A_203 = arith.constant 64 : i32
      %add3A_204 = arith.addf %scan3A_202#0, %scan3A_202#1 : vector<16xf32>
      %add3A_205 = arith.addf %add3A_204, %scan3A_202#2 : vector<16xf32>
      %add3A_206 = arith.addf %add3A_205, %scan3A_202#3 : vector<16xf32>
      %add3A_207 = arith.addf %add3A_206, %scan3A_202#4 : vector<16xf32>
      %add3A_208 = arith.addf %add3A_207, %scan3A_202#5 : vector<16xf32>
      %add3A_209 = arith.addf %add3A_208, %scan3A_202#6 : vector<16xf32>
      %add3A_210 = arith.addf %add3A_209, %scan3A_202#7 : vector<16xf32>
      %mul3A_211 = arith.constant 2 : i32
      %mul3A_212 = arith.muli %add3A_175, %mul3A_211 : i32
      %add3A_213 = arith.constant 0 : i32
      %add3A_214 = arith.addi %mul3A_212, %add3A_213 : i32
      %swap3A_215 = arith.index_cast %add3A_214 : i32 to index
      %swap3A_216 = arith.constant 0 : index
      %swap3A_217 = tpu.vector_load %arg12[%swap3A_215, %swap3A_216] {strides = array<i32>} : memref<256x16xf32, #tpu.memory_space<vmem>>, vector<1x16xf32>,
      %swap3A_218 = vector.shape_cast %swap3A_217 : vector<1x16xf32> to vector<16xf32>
      %swap3A_219 = vector.shape_cast %add3A_210 : vector<16xf32> to vector<1x16xf32>
      tpu.vector_store %arg12[%swap3A_215, %swap3A_216], %swap3A_219 {strides = array<i32>} : memref<256x16xf32, #tpu.memory_space<vmem>>, vector<1x16xf32>,
      %broadcast_in_dim3A_220 = arith.constant 0.000000e+00 : f32
      %broadcast_in_dim3A_221 = vector.broadcast %broadcast_in_dim3A_220 : f32 to vector<16xf32>
      %broadcast_in_dim3A_222 = arith.constant 0.000000e+00 : f32
      %broadcast_in_dim3A_223 = vector.broadcast %broadcast_in_dim3A_222 : f32 to vector<16xf32>
      %broadcast_in_dim3A_224 = arith.constant 0.000000e+00 : f32
      %broadcast_in_dim3A_225 = vector.broadcast %broadcast_in_dim3A_224 : f32 to vector<16xf32>
      %broadcast_in_dim3A_226 = arith.constant 0.000000e+00 : f32
      %broadcast_in_dim3A_227 = vector.broadcast %broadcast_in_dim3A_226 : f32 to vector<16xf32>
      %broadcast_in_dim3A_228 = arith.constant 0.000000e+00 : f32
      %broadcast_in_dim3A_229 = vector.broadcast %broadcast_in_dim3A_228 : f32 to vector<16xf32>
      %broadcast_in_dim3A_230 = arith.constant 0.000000e+00 : f32
      %broadcast_in_dim3A_231 = vector.broadcast %broadcast_in_dim3A_230 : f32 to vector<16xf32>
      %broadcast_in_dim3A_232 = arith.constant 0.000000e+00 : f32
      %broadcast_in_dim3A_233 = vector.broadcast %broadcast_in_dim3A_232 : f32 to vector<16xf32>
      %broadcast_in_dim3A_234 = arith.constant 0.000000e+00 : f32
      %broadcast_in_dim3A_235 = vector.broadcast %broadcast_in_dim3A_234 : f32 to vector<16xf32>
      %scan3A_236 = arith.constant 0 : i32
      %scan3A_237 = arith.constant 64 : i32
      %scan3A_238 = arith.addi %scan3A_236, %scan3A_237 : i32
      %scan3A_239 = arith.constant 1 : i32
      %scan3A_240:8 = scf.for %scan3A_487 = %scan3A_236 to %scan3A_238 step %scan3A_239 iter_args(%scan3A_488 = %broadcast_in_dim3A_221, %scan3A_489 = %broadcast_in_dim3A_223, %scan3A_490 = %broadcast_in_dim3A_225, %scan3A_491 = %broadcast_in_dim3A_227, %scan3A_492 = %broadcast_in_dim3A_229, %scan3A_493 = %broadcast_in_dim3A_231, %scan3A_494 = %broadcast_in_dim3A_233, %scan3A_495 = %broadcast_in_dim3A_235) -> (vector<16xf32>, vector<16xf32>, vector<16xf32>, vector<16xf32>, vector<16xf32>, vector<16xf32>, vector<16xf32>, vector<16xf32>)  : i32 {
        %mul3A_496 = arith.constant 128 : i32
        %mul3A_497 = arith.muli %scan3A_487, %mul3A_496 : i32
        %add3A_498 = arith.constant 0 : i32
        %add3A_499 = arith.addi %mul3A_497, %add3A_498 : i32
        %get3A = arith.constant 1 : i32
        %get3A_500 = arith.index_cast %get3A : i32 to index
        %get3A_501 = arith.index_cast %add3A_499 : i32 to index
        %get3A_502 = tpu.vector_load %arg14[%get3A_500, %get3A_501] {strides = array<i32>} : memref<2x8192xf32, #tpu.memory_space<vmem>>, vector<1x16xf32>,
        %get3A_503 = vector.shape_cast %get3A_502 : vector<1x16xf32> to vector<16xf32>
        %exp3A = math.exp %get3A_503 : vector<16xf32>
        %add3A_504 = arith.addf %scan3A_488, %exp3A : vector<16xf32>
        %add3A_505 = arith.constant 16 : i32
        %add3A_506 = arith.addi %mul3A_497, %add3A_505 : i32
        %get3A_507 = arith.constant 1 : i32
        %get3A_508 = arith.index_cast %get3A_507 : i32 to index
        %get3A_509 = arith.index_cast %add3A_506 : i32 to index
        %get3A_510 = tpu.vector_load %arg14[%get3A_508, %get3A_509] {strides = array<i32>} : memref<2x8192xf32, #tpu.memory_space<vmem>>, vector<1x16xf32>,
        %get3A_511 = vector.shape_cast %get3A_510 : vector<1x16xf32> to vector<16xf32>
        %exp3A_512 = math.exp %get3A_511 : vector<16xf32>
        %add3A_513 = arith.addf %scan3A_489, %exp3A_512 : vector<16xf32>
        %add3A_514 = arith.constant 32 : i32
        %add3A_515 = arith.addi %mul3A_497, %add3A_514 : i32
        %get3A_516 = arith.constant 1 : i32
        %get3A_517 = arith.index_cast %get3A_516 : i32 to index
        %get3A_518 = arith.index_cast %add3A_515 : i32 to index
        %get3A_519 = tpu.vector_load %arg14[%get3A_517, %get3A_518] {strides = array<i32>} : memref<2x8192xf32, #tpu.memory_space<vmem>>, vector<1x16xf32>,
        %get3A_520 = vector.shape_cast %get3A_519 : vector<1x16xf32> to vector<16xf32>
        %exp3A_521 = math.exp %get3A_520 : vector<16xf32>
        %add3A_522 = arith.addf %scan3A_490, %exp3A_521 : vector<16xf32>
        %add3A_523 = arith.constant 48 : i32
        %add3A_524 = arith.addi %mul3A_497, %add3A_523 : i32
        %get3A_525 = arith.constant 1 : i32
        %get3A_526 = arith.index_cast %get3A_525 : i32 to index
        %get3A_527 = arith.index_cast %add3A_524 : i32 to index
        %get3A_528 = tpu.vector_load %arg14[%get3A_526, %get3A_527] {strides = array<i32>} : memref<2x8192xf32, #tpu.memory_space<vmem>>, vector<1x16xf32>,
        %get3A_529 = vector.shape_cast %get3A_528 : vector<1x16xf32> to vector<16xf32>
        %exp3A_530 = math.exp %get3A_529 : vector<16xf32>
        %add3A_531 = arith.addf %scan3A_491, %exp3A_530 : vector<16xf32>
        %add3A_532 = arith.constant 64 : i32
        %add3A_533 = arith.addi %mul3A_497, %add3A_532 : i32
        %get3A_534 = arith.constant 1 : i32
        %get3A_535 = arith.index_cast %get3A_534 : i32 to index
        %get3A_536 = arith.index_cast %add3A_533 : i32 to index
        %get3A_537 = tpu.vector_load %arg14[%get3A_535, %get3A_536] {strides = array<i32>} : memref<2x8192xf32, #tpu.memory_space<vmem>>, vector<1x16xf32>,
        %get3A_538 = vector.shape_cast %get3A_537 : vector<1x16xf32> to vector<16xf32>
        %exp3A_539 = math.exp %get3A_538 : vector<16xf32>
        %add3A_540 = arith.addf %scan3A_492, %exp3A_539 : vector<16xf32>
        %add3A_541 = arith.constant 80 : i32
        %add3A_542 = arith.addi %mul3A_497, %add3A_541 : i32
        %get3A_543 = arith.constant 1 : i32
        %get3A_544 = arith.index_cast %get3A_543 : i32 to index
        %get3A_545 = arith.index_cast %add3A_542 : i32 to index
        %get3A_546 = tpu.vector_load %arg14[%get3A_544, %get3A_545] {strides = array<i32>} : memref<2x8192xf32, #tpu.memory_space<vmem>>, vector<1x16xf32>,
        %get3A_547 = vector.shape_cast %get3A_546 : vector<1x16xf32> to vector<16xf32>
        %exp3A_548 = math.exp %get3A_547 : vector<16xf32>
        %add3A_549 = arith.addf %scan3A_493, %exp3A_548 : vector<16xf32>
        %add3A_550 = arith.constant 96 : i32
        %add3A_551 = arith.addi %mul3A_497, %add3A_550 : i32
        %get3A_552 = arith.constant 1 : i32
        %get3A_553 = arith.index_cast %get3A_552 : i32 to index
        %get3A_554 = arith.index_cast %add3A_551 : i32 to index
        %get3A_555 = tpu.vector_load %arg14[%get3A_553, %get3A_554] {strides = array<i32>} : memref<2x8192xf32, #tpu.memory_space<vmem>>, vector<1x16xf32>,
        %get3A_556 = vector.shape_cast %get3A_555 : vector<1x16xf32> to vector<16xf32>
        %exp3A_557 = math.exp %get3A_556 : vector<16xf32>
        %add3A_558 = arith.addf %scan3A_494, %exp3A_557 : vector<16xf32>
        %add3A_559 = arith.constant 112 : i32
        %add3A_560 = arith.addi %mul3A_497, %add3A_559 : i32
        %get3A_561 = arith.constant 1 : i32
        %get3A_562 = arith.index_cast %get3A_561 : i32 to index
        %get3A_563 = arith.index_cast %add3A_560 : i32 to index
        %get3A_564 = tpu.vector_load %arg14[%get3A_562, %get3A_563] {strides = array<i32>} : memref<2x8192xf32, #tpu.memory_space<vmem>>, vector<1x16xf32>,
        %get3A_565 = vector.shape_cast %get3A_564 : vector<1x16xf32> to vector<16xf32>
        %exp3A_566 = math.exp %get3A_565 : vector<16xf32>
        %add3A_567 = arith.addf %scan3A_495, %exp3A_566 : vector<16xf32>
        scf.yield %add3A_504, %add3A_513, %add3A_522, %add3A_531, %add3A_540, %add3A_549, %add3A_558, %add3A_567 : vector<16xf32>, vector<16xf32>, vector<16xf32>, vector<16xf32>, vector<16xf32>, vector<16xf32>, vector<16xf32>, vector<16xf32>
      }
      %scan3A_241 = arith.constant 64 : i32
      %add3A_242 = arith.addf %scan3A_240#0, %scan3A_240#1 : vector<16xf32>
      %add3A_243 = arith.addf %add3A_242, %scan3A_240#2 : vector<16xf32>
      %add3A_244 = arith.addf %add3A_243, %scan3A_240#3 : vector<16xf32>
      %add3A_245 = arith.addf %add3A_244, %scan3A_240#4 : vector<16xf32>
      %add3A_246 = arith.addf %add3A_245, %scan3A_240#5 : vector<16xf32>
      %add3A_247 = arith.addf %add3A_246, %scan3A_240#6 : vector<16xf32>
      %add3A_248 = arith.addf %add3A_247, %scan3A_240#7 : vector<16xf32>
      %mul3A_249 = arith.constant 2 : i32
      %mul3A_250 = arith.muli %add3A_175, %mul3A_249 : i32
      %add3A_251 = arith.constant 1 : i32
      %add3A_252 = arith.addi %mul3A_250, %add3A_251 : i32
      %swap3A_253 = arith.index_cast %add3A_252 : i32 to index
      %swap3A_254 = arith.constant 0 : index
      %swap3A_255 = tpu.vector_load %arg12[%swap3A_253, %swap3A_254] {strides = array<i32>} : memref<256x16xf32, #tpu.memory_space<vmem>>, vector<1x16xf32>,
      %swap3A_256 = vector.shape_cast %swap3A_255 : vector<1x16xf32> to vector<16xf32>
      %swap3A_257 = vector.shape_cast %add3A_248 : vector<16xf32> to vector<1x16xf32>
      tpu.vector_store %arg12[%swap3A_253, %swap3A_254], %swap3A_257 {strides = array<i32>} : memref<256x16xf32, #tpu.memory_space<vmem>>, vector<1x16xf32>,
      %mul3A_258 = arith.constant 2 : i32
      %mul3A_259 = arith.muli %add3A_175, %mul3A_258 : i32
      %add3A_260 = arith.addi %mul3A_2, %mul3A_259 : i32
      %dma_start3A_261 = arith.constant 0 : i32
      %dma_start3A_262 = tpu.memref_slice %arg6[%add3A_260, %dma_start3A_261] : memref<8192x8192xf32, #tpu.memory_space<hbm>> -> memref<2x8192xf32, #tpu.memory_space<hbm>>
      %dma_start3A_263 = arith.constant 0 : i32
      %dma_start3A_264 = tpu.memref_slice %arg6[%add3A_260, %dma_start3A_263] : memref<8192x8192xf32, #tpu.memory_space<hbm>> -> memref<2x8192xf32, #tpu.memory_space<hbm>>
      tpu.enqueue_dma source(%arg14 : memref<2x8192xf32, #tpu.memory_space<vmem>>) target(%dma_start3A_264 : memref<2x8192xf32, #tpu.memory_space<hbm>>) target_semaphore(%arg22 : memref<!tpu.dma_semaphore, #tpu.memory_space<semaphore_mem>>)
      %ge3A_265 = arith.constant 2 : i32
      %ge3A_266 = arith.cmpi sge, %add3A_175, %ge3A_265 : i32
      %convert_element_type3A_267 = arith.extui %ge3A_266 : i1 to i32
      %cond3A_268 = arith.constant 0 : i32
      %cond3A_269 = arith.cmpi ne, %convert_element_type3A_267, %cond3A_268 : i32
      scf.if %cond3A_269 {
        %dma_wait3A_487 = arith.constant 0 : i32
        %dma_wait3A_488 = arith.constant 0 : i32
        %dma_wait3A_489 = tpu.memref_slice %arg6[%dma_wait3A_487, %dma_wait3A_488] : memref<8192x8192xf32, #tpu.memory_space<hbm>> -> memref<2x8192xf32, #tpu.memory_space<hbm>>
        %dma_wait3A_490 = arith.constant 0 : i32
        %dma_wait3A_491 = arith.constant 0 : i32
        %dma_wait3A_492 = tpu.memref_slice %arg6[%dma_wait3A_490, %dma_wait3A_491] : memref<8192x8192xf32, #tpu.memory_space<hbm>> -> memref<2x8192xf32, #tpu.memory_space<hbm>>
        tpu.wait_dma2 semaphore(%arg24 : memref<!tpu.dma_semaphore, #tpu.memory_space<semaphore_mem>>) src(%arg16 : memref<2x8192xf32, #tpu.memory_space<vmem>>) dst(%dma_wait3A_492 : memref<2x8192xf32, #tpu.memory_space<hbm>>)
      } else {
      }
      %add3A_270 = arith.constant 2 : i32
      %add3A_271 = arith.addi %add3A_175, %add3A_270 : i32
      %lt3A_272 = arith.constant 128 : i32
      %lt3A_273 = arith.cmpi slt, %add3A_271, %lt3A_272 : i32
      %convert_element_type3A_274 = arith.extui %lt3A_273 : i1 to i32
      %cond3A_275 = arith.constant 0 : i32
      %cond3A_276 = arith.cmpi ne, %convert_element_type3A_274, %cond3A_275 : i32
      scf.if %cond3A_276 {
        %add3A_487 = arith.constant 2 : i32
        %add3A_488 = arith.addi %add3A_175, %add3A_487 : i32
        %dma_start3A_489 = arith.constant 0 : i32
        %dma_start3A_490 = tpu.memref_slice %arg9[%add3A_488, %dma_start3A_489] : memref<128x2xi32, #tpu.memory_space<vmem>> -> memref<1x2xi32, #tpu.memory_space<vmem>>
        %dma_start3A_491 = tpu.memref_squeeze %dma_start3A_490 : memref<1x2xi32, #tpu.memory_space<vmem>> -> memref<2xi32, #tpu.memory_space<vmem>>
        %dma_start3A_492 = arith.constant 0 : i32
        %dma_start3A_493 = arith.constant 0 : i32
        %dma_start3A_494 = tpu.memref_slice %arg2[%dma_start3A_492, %dma_start3A_493] : memref<8192x8192xf32, #tpu.memory_space<hbm>> -> memref<8192x8192xf32, #tpu.memory_space<hbm>>
        tpu.enqueue_indirect_dma source(%dma_start3A_494 : memref<8192x8192xf32, #tpu.memory_space<hbm>>) target(%arg16 : memref<2x8192xf32, #tpu.memory_space<vmem>>) offsets(%dma_start3A_491 : memref<2xi32, #tpu.memory_space<vmem>>) semaphore(%arg20 : memref<!tpu.dma_semaphore, #tpu.memory_space<semaphore_mem>>)
      } else {
      }
      %mul3A_277 = arith.constant 4 : i32
      %mul3A_278 = arith.muli %mul3A_277, %scan3A_72 : i32
      %add3A_279 = arith.constant 2 : i32
      %add3A_280 = arith.addi %mul3A_278, %add3A_279 : i32
      %dma_wait3A_281 = arith.constant 0 : i32
      %dma_wait3A_282 = tpu.memref_slice %arg9[%add3A_280, %dma_wait3A_281] : memref<128x2xi32, #tpu.memory_space<vmem>> -> memref<1x2xi32, #tpu.memory_space<vmem>>
      %dma_wait3A_283 = tpu.memref_squeeze %dma_wait3A_282 : memref<1x2xi32, #tpu.memory_space<vmem>> -> memref<2xi32, #tpu.memory_space<vmem>>
      %dma_wait3A_284 = arith.constant 0 : i32
      %dma_wait3A_285 = arith.constant 0 : i32
      %dma_wait3A_286 = tpu.memref_slice %arg2[%dma_wait3A_284, %dma_wait3A_285] : memref<8192x8192xf32, #tpu.memory_space<hbm>> -> memref<8192x8192xf32, #tpu.memory_space<hbm>>
      tpu.wait_indirect_dma semaphore(%arg19 : memref<!tpu.dma_semaphore, #tpu.memory_space<semaphore_mem>>) src(%dma_wait3A_286 : memref<8192x8192xf32, #tpu.memory_space<hbm>>) dst(%arg15 : memref<2x8192xf32, #tpu.memory_space<vmem>>)
      %broadcast_in_dim3A_287 = arith.constant 0.000000e+00 : f32
      %broadcast_in_dim3A_288 = vector.broadcast %broadcast_in_dim3A_287 : f32 to vector<16xf32>
      %broadcast_in_dim3A_289 = arith.constant 0.000000e+00 : f32
      %broadcast_in_dim3A_290 = vector.broadcast %broadcast_in_dim3A_289 : f32 to vector<16xf32>
      %broadcast_in_dim3A_291 = arith.constant 0.000000e+00 : f32
      %broadcast_in_dim3A_292 = vector.broadcast %broadcast_in_dim3A_291 : f32 to vector<16xf32>
      %broadcast_in_dim3A_293 = arith.constant 0.000000e+00 : f32
      %broadcast_in_dim3A_294 = vector.broadcast %broadcast_in_dim3A_293 : f32 to vector<16xf32>
      %broadcast_in_dim3A_295 = arith.constant 0.000000e+00 : f32
      %broadcast_in_dim3A_296 = vector.broadcast %broadcast_in_dim3A_295 : f32 to vector<16xf32>
      %broadcast_in_dim3A_297 = arith.constant 0.000000e+00 : f32
      %broadcast_in_dim3A_298 = vector.broadcast %broadcast_in_dim3A_297 : f32 to vector<16xf32>
      %broadcast_in_dim3A_299 = arith.constant 0.000000e+00 : f32
      %broadcast_in_dim3A_300 = vector.broadcast %broadcast_in_dim3A_299 : f32 to vector<16xf32>
      %broadcast_in_dim3A_301 = arith.constant 0.000000e+00 : f32
      %broadcast_in_dim3A_302 = vector.broadcast %broadcast_in_dim3A_301 : f32 to vector<16xf32>
      %scan3A_303 = arith.constant 0 : i32
      %scan3A_304 = arith.constant 64 : i32
      %scan3A_305 = arith.addi %scan3A_303, %scan3A_304 : i32
      %scan3A_306 = arith.constant 1 : i32
      %scan3A_307:8 = scf.for %scan3A_487 = %scan3A_303 to %scan3A_305 step %scan3A_306 iter_args(%scan3A_488 = %broadcast_in_dim3A_288, %scan3A_489 = %broadcast_in_dim3A_290, %scan3A_490 = %broadcast_in_dim3A_292, %scan3A_491 = %broadcast_in_dim3A_294, %scan3A_492 = %broadcast_in_dim3A_296, %scan3A_493 = %broadcast_in_dim3A_298, %scan3A_494 = %broadcast_in_dim3A_300, %scan3A_495 = %broadcast_in_dim3A_302) -> (vector<16xf32>, vector<16xf32>, vector<16xf32>, vector<16xf32>, vector<16xf32>, vector<16xf32>, vector<16xf32>, vector<16xf32>)  : i32 {
        %mul3A_496 = arith.constant 128 : i32
        %mul3A_497 = arith.muli %scan3A_487, %mul3A_496 : i32
        %add3A_498 = arith.constant 0 : i32
        %add3A_499 = arith.addi %mul3A_497, %add3A_498 : i32
        %get3A = arith.constant 0 : i32
        %get3A_500 = arith.index_cast %get3A : i32 to index
        %get3A_501 = arith.index_cast %add3A_499 : i32 to index
        %get3A_502 = tpu.vector_load %arg15[%get3A_500, %get3A_501] {strides = array<i32>} : memref<2x8192xf32, #tpu.memory_space<vmem>>, vector<1x16xf32>,
        %get3A_503 = vector.shape_cast %get3A_502 : vector<1x16xf32> to vector<16xf32>
        %exp3A = math.exp %get3A_503 : vector<16xf32>
        %add3A_504 = arith.addf %scan3A_488, %exp3A : vector<16xf32>
        %add3A_505 = arith.constant 16 : i32
        %add3A_506 = arith.addi %mul3A_497, %add3A_505 : i32
        %get3A_507 = arith.constant 0 : i32
        %get3A_508 = arith.index_cast %get3A_507 : i32 to index
        %get3A_509 = arith.index_cast %add3A_506 : i32 to index
        %get3A_510 = tpu.vector_load %arg15[%get3A_508, %get3A_509] {strides = array<i32>} : memref<2x8192xf32, #tpu.memory_space<vmem>>, vector<1x16xf32>,
        %get3A_511 = vector.shape_cast %get3A_510 : vector<1x16xf32> to vector<16xf32>
        %exp3A_512 = math.exp %get3A_511 : vector<16xf32>
        %add3A_513 = arith.addf %scan3A_489, %exp3A_512 : vector<16xf32>
        %add3A_514 = arith.constant 32 : i32
        %add3A_515 = arith.addi %mul3A_497, %add3A_514 : i32
        %get3A_516 = arith.constant 0 : i32
        %get3A_517 = arith.index_cast %get3A_516 : i32 to index
        %get3A_518 = arith.index_cast %add3A_515 : i32 to index
        %get3A_519 = tpu.vector_load %arg15[%get3A_517, %get3A_518] {strides = array<i32>} : memref<2x8192xf32, #tpu.memory_space<vmem>>, vector<1x16xf32>,
        %get3A_520 = vector.shape_cast %get3A_519 : vector<1x16xf32> to vector<16xf32>
        %exp3A_521 = math.exp %get3A_520 : vector<16xf32>
        %add3A_522 = arith.addf %scan3A_490, %exp3A_521 : vector<16xf32>
        %add3A_523 = arith.constant 48 : i32
        %add3A_524 = arith.addi %mul3A_497, %add3A_523 : i32
        %get3A_525 = arith.constant 0 : i32
        %get3A_526 = arith.index_cast %get3A_525 : i32 to index
        %get3A_527 = arith.index_cast %add3A_524 : i32 to index
        %get3A_528 = tpu.vector_load %arg15[%get3A_526, %get3A_527] {strides = array<i32>} : memref<2x8192xf32, #tpu.memory_space<vmem>>, vector<1x16xf32>,
        %get3A_529 = vector.shape_cast %get3A_528 : vector<1x16xf32> to vector<16xf32>
        %exp3A_530 = math.exp %get3A_529 : vector<16xf32>
        %add3A_531 = arith.addf %scan3A_491, %exp3A_530 : vector<16xf32>
        %add3A_532 = arith.constant 64 : i32
        %add3A_533 = arith.addi %mul3A_497, %add3A_532 : i32
        %get3A_534 = arith.constant 0 : i32
        %get3A_535 = arith.index_cast %get3A_534 : i32 to index
        %get3A_536 = arith.index_cast %add3A_533 : i32 to index
        %get3A_537 = tpu.vector_load %arg15[%get3A_535, %get3A_536] {strides = array<i32>} : memref<2x8192xf32, #tpu.memory_space<vmem>>, vector<1x16xf32>,
        %get3A_538 = vector.shape_cast %get3A_537 : vector<1x16xf32> to vector<16xf32>
        %exp3A_539 = math.exp %get3A_538 : vector<16xf32>
        %add3A_540 = arith.addf %scan3A_492, %exp3A_539 : vector<16xf32>
        %add3A_541 = arith.constant 80 : i32
        %add3A_542 = arith.addi %mul3A_497, %add3A_541 : i32
        %get3A_543 = arith.constant 0 : i32
        %get3A_544 = arith.index_cast %get3A_543 : i32 to index
        %get3A_545 = arith.index_cast %add3A_542 : i32 to index
        %get3A_546 = tpu.vector_load %arg15[%get3A_544, %get3A_545] {strides = array<i32>} : memref<2x8192xf32, #tpu.memory_space<vmem>>, vector<1x16xf32>,
        %get3A_547 = vector.shape_cast %get3A_546 : vector<1x16xf32> to vector<16xf32>
        %exp3A_548 = math.exp %get3A_547 : vector<16xf32>
        %add3A_549 = arith.addf %scan3A_493, %exp3A_548 : vector<16xf32>
        %add3A_550 = arith.constant 96 : i32
        %add3A_551 = arith.addi %mul3A_497, %add3A_550 : i32
        %get3A_552 = arith.constant 0 : i32
        %get3A_553 = arith.index_cast %get3A_552 : i32 to index
        %get3A_554 = arith.index_cast %add3A_551 : i32 to index
        %get3A_555 = tpu.vector_load %arg15[%get3A_553, %get3A_554] {strides = array<i32>} : memref<2x8192xf32, #tpu.memory_space<vmem>>, vector<1x16xf32>,
        %get3A_556 = vector.shape_cast %get3A_555 : vector<1x16xf32> to vector<16xf32>
        %exp3A_557 = math.exp %get3A_556 : vector<16xf32>
        %add3A_558 = arith.addf %scan3A_494, %exp3A_557 : vector<16xf32>
        %add3A_559 = arith.constant 112 : i32
        %add3A_560 = arith.addi %mul3A_497, %add3A_559 : i32
        %get3A_561 = arith.constant 0 : i32
        %get3A_562 = arith.index_cast %get3A_561 : i32 to index
        %get3A_563 = arith.index_cast %add3A_560 : i32 to index
        %get3A_564 = tpu.vector_load %arg15[%get3A_562, %get3A_563] {strides = array<i32>} : memref<2x8192xf32, #tpu.memory_space<vmem>>, vector<1x16xf32>,
        %get3A_565 = vector.shape_cast %get3A_564 : vector<1x16xf32> to vector<16xf32>
        %exp3A_566 = math.exp %get3A_565 : vector<16xf32>
        %add3A_567 = arith.addf %scan3A_495, %exp3A_566 : vector<16xf32>
        scf.yield %add3A_504, %add3A_513, %add3A_522, %add3A_531, %add3A_540, %add3A_549, %add3A_558, %add3A_567 : vector<16xf32>, vector<16xf32>, vector<16xf32>, vector<16xf32>, vector<16xf32>, vector<16xf32>, vector<16xf32>, vector<16xf32>
      }
      %scan3A_308 = arith.constant 64 : i32
      %add3A_309 = arith.addf %scan3A_307#0, %scan3A_307#1 : vector<16xf32>
      %add3A_310 = arith.addf %add3A_309, %scan3A_307#2 : vector<16xf32>
      %add3A_311 = arith.addf %add3A_310, %scan3A_307#3 : vector<16xf32>
      %add3A_312 = arith.addf %add3A_311, %scan3A_307#4 : vector<16xf32>
      %add3A_313 = arith.addf %add3A_312, %scan3A_307#5 : vector<16xf32>
      %add3A_314 = arith.addf %add3A_313, %scan3A_307#6 : vector<16xf32>
      %add3A_315 = arith.addf %add3A_314, %scan3A_307#7 : vector<16xf32>
      %mul3A_316 = arith.constant 2 : i32
      %mul3A_317 = arith.muli %add3A_280, %mul3A_316 : i32
      %add3A_318 = arith.constant 0 : i32
      %add3A_319 = arith.addi %mul3A_317, %add3A_318 : i32
      %swap3A_320 = arith.index_cast %add3A_319 : i32 to index
      %swap3A_321 = arith.constant 0 : index
      %swap3A_322 = tpu.vector_load %arg12[%swap3A_320, %swap3A_321] {strides = array<i32>} : memref<256x16xf32, #tpu.memory_space<vmem>>, vector<1x16xf32>,
      %swap3A_323 = vector.shape_cast %swap3A_322 : vector<1x16xf32> to vector<16xf32>
      %swap3A_324 = vector.shape_cast %add3A_315 : vector<16xf32> to vector<1x16xf32>
      tpu.vector_store %arg12[%swap3A_320, %swap3A_321], %swap3A_324 {strides = array<i32>} : memref<256x16xf32, #tpu.memory_space<vmem>>, vector<1x16xf32>,
      %broadcast_in_dim3A_325 = arith.constant 0.000000e+00 : f32
      %broadcast_in_dim3A_326 = vector.broadcast %broadcast_in_dim3A_325 : f32 to vector<16xf32>
      %broadcast_in_dim3A_327 = arith.constant 0.000000e+00 : f32
      %broadcast_in_dim3A_328 = vector.broadcast %broadcast_in_dim3A_327 : f32 to vector<16xf32>
      %broadcast_in_dim3A_329 = arith.constant 0.000000e+00 : f32
      %broadcast_in_dim3A_330 = vector.broadcast %broadcast_in_dim3A_329 : f32 to vector<16xf32>
      %broadcast_in_dim3A_331 = arith.constant 0.000000e+00 : f32
      %broadcast_in_dim3A_332 = vector.broadcast %broadcast_in_dim3A_331 : f32 to vector<16xf32>
      %broadcast_in_dim3A_333 = arith.constant 0.000000e+00 : f32
      %broadcast_in_dim3A_334 = vector.broadcast %broadcast_in_dim3A_333 : f32 to vector<16xf32>
      %broadcast_in_dim3A_335 = arith.constant 0.000000e+00 : f32
      %broadcast_in_dim3A_336 = vector.broadcast %broadcast_in_dim3A_335 : f32 to vector<16xf32>
      %broadcast_in_dim3A_337 = arith.constant 0.000000e+00 : f32
      %broadcast_in_dim3A_338 = vector.broadcast %broadcast_in_dim3A_337 : f32 to vector<16xf32>
      %broadcast_in_dim3A_339 = arith.constant 0.000000e+00 : f32
      %broadcast_in_dim3A_340 = vector.broadcast %broadcast_in_dim3A_339 : f32 to vector<16xf32>
      %scan3A_341 = arith.constant 0 : i32
      %scan3A_342 = arith.constant 64 : i32
      %scan3A_343 = arith.addi %scan3A_341, %scan3A_342 : i32
      %scan3A_344 = arith.constant 1 : i32
      %scan3A_345:8 = scf.for %scan3A_487 = %scan3A_341 to %scan3A_343 step %scan3A_344 iter_args(%scan3A_488 = %broadcast_in_dim3A_326, %scan3A_489 = %broadcast_in_dim3A_328, %scan3A_490 = %broadcast_in_dim3A_330, %scan3A_491 = %broadcast_in_dim3A_332, %scan3A_492 = %broadcast_in_dim3A_334, %scan3A_493 = %broadcast_in_dim3A_336, %scan3A_494 = %broadcast_in_dim3A_338, %scan3A_495 = %broadcast_in_dim3A_340) -> (vector<16xf32>, vector<16xf32>, vector<16xf32>, vector<16xf32>, vector<16xf32>, vector<16xf32>, vector<16xf32>, vector<16xf32>)  : i32 {
        %mul3A_496 = arith.constant 128 : i32
        %mul3A_497 = arith.muli %scan3A_487, %mul3A_496 : i32
        %add3A_498 = arith.constant 0 : i32
        %add3A_499 = arith.addi %mul3A_497, %add3A_498 : i32
        %get3A = arith.constant 1 : i32
        %get3A_500 = arith.index_cast %get3A : i32 to index
        %get3A_501 = arith.index_cast %add3A_499 : i32 to index
        %get3A_502 = tpu.vector_load %arg15[%get3A_500, %get3A_501] {strides = array<i32>} : memref<2x8192xf32, #tpu.memory_space<vmem>>, vector<1x16xf32>,
        %get3A_503 = vector.shape_cast %get3A_502 : vector<1x16xf32> to vector<16xf32>
        %exp3A = math.exp %get3A_503 : vector<16xf32>
        %add3A_504 = arith.addf %scan3A_488, %exp3A : vector<16xf32>
        %add3A_505 = arith.constant 16 : i32
        %add3A_506 = arith.addi %mul3A_497, %add3A_505 : i32
        %get3A_507 = arith.constant 1 : i32
        %get3A_508 = arith.index_cast %get3A_507 : i32 to index
        %get3A_509 = arith.index_cast %add3A_506 : i32 to index
        %get3A_510 = tpu.vector_load %arg15[%get3A_508, %get3A_509] {strides = array<i32>} : memref<2x8192xf32, #tpu.memory_space<vmem>>, vector<1x16xf32>,
        %get3A_511 = vector.shape_cast %get3A_510 : vector<1x16xf32> to vector<16xf32>
        %exp3A_512 = math.exp %get3A_511 : vector<16xf32>
        %add3A_513 = arith.addf %scan3A_489, %exp3A_512 : vector<16xf32>
        %add3A_514 = arith.constant 32 : i32
        %add3A_515 = arith.addi %mul3A_497, %add3A_514 : i32
        %get3A_516 = arith.constant 1 : i32
        %get3A_517 = arith.index_cast %get3A_516 : i32 to index
        %get3A_518 = arith.index_cast %add3A_515 : i32 to index
        %get3A_519 = tpu.vector_load %arg15[%get3A_517, %get3A_518] {strides = array<i32>} : memref<2x8192xf32, #tpu.memory_space<vmem>>, vector<1x16xf32>,
        %get3A_520 = vector.shape_cast %get3A_519 : vector<1x16xf32> to vector<16xf32>
        %exp3A_521 = math.exp %get3A_520 : vector<16xf32>
        %add3A_522 = arith.addf %scan3A_490, %exp3A_521 : vector<16xf32>
        %add3A_523 = arith.constant 48 : i32
        %add3A_524 = arith.addi %mul3A_497, %add3A_523 : i32
        %get3A_525 = arith.constant 1 : i32
        %get3A_526 = arith.index_cast %get3A_525 : i32 to index
        %get3A_527 = arith.index_cast %add3A_524 : i32 to index
        %get3A_528 = tpu.vector_load %arg15[%get3A_526, %get3A_527] {strides = array<i32>} : memref<2x8192xf32, #tpu.memory_space<vmem>>, vector<1x16xf32>,
        %get3A_529 = vector.shape_cast %get3A_528 : vector<1x16xf32> to vector<16xf32>
        %exp3A_530 = math.exp %get3A_529 : vector<16xf32>
        %add3A_531 = arith.addf %scan3A_491, %exp3A_530 : vector<16xf32>
        %add3A_532 = arith.constant 64 : i32
        %add3A_533 = arith.addi %mul3A_497, %add3A_532 : i32
        %get3A_534 = arith.constant 1 : i32
        %get3A_535 = arith.index_cast %get3A_534 : i32 to index
        %get3A_536 = arith.index_cast %add3A_533 : i32 to index
        %get3A_537 = tpu.vector_load %arg15[%get3A_535, %get3A_536] {strides = array<i32>} : memref<2x8192xf32, #tpu.memory_space<vmem>>, vector<1x16xf32>,
        %get3A_538 = vector.shape_cast %get3A_537 : vector<1x16xf32> to vector<16xf32>
        %exp3A_539 = math.exp %get3A_538 : vector<16xf32>
        %add3A_540 = arith.addf %scan3A_492, %exp3A_539 : vector<16xf32>
        %add3A_541 = arith.constant 80 : i32
        %add3A_542 = arith.addi %mul3A_497, %add3A_541 : i32
        %get3A_543 = arith.constant 1 : i32
        %get3A_544 = arith.index_cast %get3A_543 : i32 to index
        %get3A_545 = arith.index_cast %add3A_542 : i32 to index
        %get3A_546 = tpu.vector_load %arg15[%get3A_544, %get3A_545] {strides = array<i32>} : memref<2x8192xf32, #tpu.memory_space<vmem>>, vector<1x16xf32>,
        %get3A_547 = vector.shape_cast %get3A_546 : vector<1x16xf32> to vector<16xf32>
        %exp3A_548 = math.exp %get3A_547 : vector<16xf32>
        %add3A_549 = arith.addf %scan3A_493, %exp3A_548 : vector<16xf32>
        %add3A_550 = arith.constant 96 : i32
        %add3A_551 = arith.addi %mul3A_497, %add3A_550 : i32
        %get3A_552 = arith.constant 1 : i32
        %get3A_553 = arith.index_cast %get3A_552 : i32 to index
        %get3A_554 = arith.index_cast %add3A_551 : i32 to index
        %get3A_555 = tpu.vector_load %arg15[%get3A_553, %get3A_554] {strides = array<i32>} : memref<2x8192xf32, #tpu.memory_space<vmem>>, vector<1x16xf32>,
        %get3A_556 = vector.shape_cast %get3A_555 : vector<1x16xf32> to vector<16xf32>
        %exp3A_557 = math.exp %get3A_556 : vector<16xf32>
        %add3A_558 = arith.addf %scan3A_494, %exp3A_557 : vector<16xf32>
        %add3A_559 = arith.constant 112 : i32
        %add3A_560 = arith.addi %mul3A_497, %add3A_559 : i32
        %get3A_561 = arith.constant 1 : i32
        %get3A_562 = arith.index_cast %get3A_561 : i32 to index
        %get3A_563 = arith.index_cast %add3A_560 : i32 to index
        %get3A_564 = tpu.vector_load %arg15[%get3A_562, %get3A_563] {strides = array<i32>} : memref<2x8192xf32, #tpu.memory_space<vmem>>, vector<1x16xf32>,
        %get3A_565 = vector.shape_cast %get3A_564 : vector<1x16xf32> to vector<16xf32>
        %exp3A_566 = math.exp %get3A_565 : vector<16xf32>
        %add3A_567 = arith.addf %scan3A_495, %exp3A_566 : vector<16xf32>
        scf.yield %add3A_504, %add3A_513, %add3A_522, %add3A_531, %add3A_540, %add3A_549, %add3A_558, %add3A_567 : vector<16xf32>, vector<16xf32>, vector<16xf32>, vector<16xf32>, vector<16xf32>, vector<16xf32>, vector<16xf32>, vector<16xf32>
      }
      %scan3A_346 = arith.constant 64 : i32
      %add3A_347 = arith.addf %scan3A_345#0, %scan3A_345#1 : vector<16xf32>
      %add3A_348 = arith.addf %add3A_347, %scan3A_345#2 : vector<16xf32>
      %add3A_349 = arith.addf %add3A_348, %scan3A_345#3 : vector<16xf32>
      %add3A_350 = arith.addf %add3A_349, %scan3A_345#4 : vector<16xf32>
      %add3A_351 = arith.addf %add3A_350, %scan3A_345#5 : vector<16xf32>
      %add3A_352 = arith.addf %add3A_351, %scan3A_345#6 : vector<16xf32>
      %add3A_353 = arith.addf %add3A_352, %scan3A_345#7 : vector<16xf32>
      %mul3A_354 = arith.constant 2 : i32
      %mul3A_355 = arith.muli %add3A_280, %mul3A_354 : i32
      %add3A_356 = arith.constant 1 : i32
      %add3A_357 = arith.addi %mul3A_355, %add3A_356 : i32
      %swap3A_358 = arith.index_cast %add3A_357 : i32 to index
      %swap3A_359 = arith.constant 0 : index
      %swap3A_360 = tpu.vector_load %arg12[%swap3A_358, %swap3A_359] {strides = array<i32>} : memref<256x16xf32, #tpu.memory_space<vmem>>, vector<1x16xf32>,
      %swap3A_361 = vector.shape_cast %swap3A_360 : vector<1x16xf32> to vector<16xf32>
      %swap3A_362 = vector.shape_cast %add3A_353 : vector<16xf32> to vector<1x16xf32>
      tpu.vector_store %arg12[%swap3A_358, %swap3A_359], %swap3A_362 {strides = array<i32>} : memref<256x16xf32, #tpu.memory_space<vmem>>, vector<1x16xf32>,
      %mul3A_363 = arith.constant 2 : i32
      %mul3A_364 = arith.muli %add3A_280, %mul3A_363 : i32
      %add3A_365 = arith.addi %mul3A_2, %mul3A_364 : i32
      %dma_start3A_366 = arith.constant 0 : i32
      %dma_start3A_367 = tpu.memref_slice %arg6[%add3A_365, %dma_start3A_366] : memref<8192x8192xf32, #tpu.memory_space<hbm>> -> memref<2x8192xf32, #tpu.memory_space<hbm>>
      %dma_start3A_368 = arith.constant 0 : i32
      %dma_start3A_369 = tpu.memref_slice %arg6[%add3A_365, %dma_start3A_368] : memref<8192x8192xf32, #tpu.memory_space<hbm>> -> memref<2x8192xf32, #tpu.memory_space<hbm>>
      tpu.enqueue_dma source(%arg15 : memref<2x8192xf32, #tpu.memory_space<vmem>>) target(%dma_start3A_369 : memref<2x8192xf32, #tpu.memory_space<hbm>>) target_semaphore(%arg23 : memref<!tpu.dma_semaphore, #tpu.memory_space<semaphore_mem>>)
      %ge3A_370 = arith.constant 2 : i32
      %ge3A_371 = arith.cmpi sge, %add3A_280, %ge3A_370 : i32
      %convert_element_type3A_372 = arith.extui %ge3A_371 : i1 to i32
      %cond3A_373 = arith.constant 0 : i32
      %cond3A_374 = arith.cmpi ne, %convert_element_type3A_372, %cond3A_373 : i32
      scf.if %cond3A_374 {
        %dma_wait3A_487 = arith.constant 0 : i32
        %dma_wait3A_488 = arith.constant 0 : i32
        %dma_wait3A_489 = tpu.memref_slice %arg6[%dma_wait3A_487, %dma_wait3A_488] : memref<8192x8192xf32, #tpu.memory_space<hbm>> -> memref<2x8192xf32, #tpu.memory_space<hbm>>
        %dma_wait3A_490 = arith.constant 0 : i32
        %dma_wait3A_491 = arith.constant 0 : i32
        %dma_wait3A_492 = tpu.memref_slice %arg6[%dma_wait3A_490, %dma_wait3A_491] : memref<8192x8192xf32, #tpu.memory_space<hbm>> -> memref<2x8192xf32, #tpu.memory_space<hbm>>
        tpu.wait_dma2 semaphore(%arg21 : memref<!tpu.dma_semaphore, #tpu.memory_space<semaphore_mem>>) src(%arg13 : memref<2x8192xf32, #tpu.memory_space<vmem>>) dst(%dma_wait3A_492 : memref<2x8192xf32, #tpu.memory_space<hbm>>)
      } else {
      }
      %add3A_375 = arith.constant 2 : i32
      %add3A_376 = arith.addi %add3A_280, %add3A_375 : i32
      %lt3A_377 = arith.constant 128 : i32
      %lt3A_378 = arith.cmpi slt, %add3A_376, %lt3A_377 : i32
      %convert_element_type3A_379 = arith.extui %lt3A_378 : i1 to i32
      %cond3A_380 = arith.constant 0 : i32
      %cond3A_381 = arith.cmpi ne, %convert_element_type3A_379, %cond3A_380 : i32
      scf.if %cond3A_381 {
        %add3A_487 = arith.constant 2 : i32
        %add3A_488 = arith.addi %add3A_280, %add3A_487 : i32
        %dma_start3A_489 = arith.constant 0 : i32
        %dma_start3A_490 = tpu.memref_slice %arg9[%add3A_488, %dma_start3A_489] : memref<128x2xi32, #tpu.memory_space<vmem>> -> memref<1x2xi32, #tpu.memory_space<vmem>>
        %dma_start3A_491 = tpu.memref_squeeze %dma_start3A_490 : memref<1x2xi32, #tpu.memory_space<vmem>> -> memref<2xi32, #tpu.memory_space<vmem>>
        %dma_start3A_492 = arith.constant 0 : i32
        %dma_start3A_493 = arith.constant 0 : i32
        %dma_start3A_494 = tpu.memref_slice %arg2[%dma_start3A_492, %dma_start3A_493] : memref<8192x8192xf32, #tpu.memory_space<hbm>> -> memref<8192x8192xf32, #tpu.memory_space<hbm>>
        tpu.enqueue_indirect_dma source(%dma_start3A_494 : memref<8192x8192xf32, #tpu.memory_space<hbm>>) target(%arg13 : memref<2x8192xf32, #tpu.memory_space<vmem>>) offsets(%dma_start3A_491 : memref<2xi32, #tpu.memory_space<vmem>>) semaphore(%arg17 : memref<!tpu.dma_semaphore, #tpu.memory_space<semaphore_mem>>)
      } else {
      }
      %mul3A_382 = arith.constant 4 : i32
      %mul3A_383 = arith.muli %mul3A_382, %scan3A_72 : i32
      %add3A_384 = arith.constant 3 : i32
      %add3A_385 = arith.addi %mul3A_383, %add3A_384 : i32
      %dma_wait3A_386 = arith.constant 0 : i32
      %dma_wait3A_387 = tpu.memref_slice %arg9[%add3A_385, %dma_wait3A_386] : memref<128x2xi32, #tpu.memory_space<vmem>> -> memref<1x2xi32, #tpu.memory_space<vmem>>
      %dma_wait3A_388 = tpu.memref_squeeze %dma_wait3A_387 : memref<1x2xi32, #tpu.memory_space<vmem>> -> memref<2xi32, #tpu.memory_space<vmem>>
      %dma_wait3A_389 = arith.constant 0 : i32
      %dma_wait3A_390 = arith.constant 0 : i32
      %dma_wait3A_391 = tpu.memref_slice %arg2[%dma_wait3A_389, %dma_wait3A_390] : memref<8192x8192xf32, #tpu.memory_space<hbm>> -> memref<8192x8192xf32, #tpu.memory_space<hbm>>
      tpu.wait_indirect_dma semaphore(%arg20 : memref<!tpu.dma_semaphore, #tpu.memory_space<semaphore_mem>>) src(%dma_wait3A_391 : memref<8192x8192xf32, #tpu.memory_space<hbm>>) dst(%arg16 : memref<2x8192xf32, #tpu.memory_space<vmem>>)
      %broadcast_in_dim3A_392 = arith.constant 0.000000e+00 : f32
      %broadcast_in_dim3A_393 = vector.broadcast %broadcast_in_dim3A_392 : f32 to vector<16xf32>
      %broadcast_in_dim3A_394 = arith.constant 0.000000e+00 : f32
      %broadcast_in_dim3A_395 = vector.broadcast %broadcast_in_dim3A_394 : f32 to vector<16xf32>
      %broadcast_in_dim3A_396 = arith.constant 0.000000e+00 : f32
      %broadcast_in_dim3A_397 = vector.broadcast %broadcast_in_dim3A_396 : f32 to vector<16xf32>
      %broadcast_in_dim3A_398 = arith.constant 0.000000e+00 : f32
      %broadcast_in_dim3A_399 = vector.broadcast %broadcast_in_dim3A_398 : f32 to vector<16xf32>
      %broadcast_in_dim3A_400 = arith.constant 0.000000e+00 : f32
      %broadcast_in_dim3A_401 = vector.broadcast %broadcast_in_dim3A_400 : f32 to vector<16xf32>
      %broadcast_in_dim3A_402 = arith.constant 0.000000e+00 : f32
      %broadcast_in_dim3A_403 = vector.broadcast %broadcast_in_dim3A_402 : f32 to vector<16xf32>
      %broadcast_in_dim3A_404 = arith.constant 0.000000e+00 : f32
      %broadcast_in_dim3A_405 = vector.broadcast %broadcast_in_dim3A_404 : f32 to vector<16xf32>
      %broadcast_in_dim3A_406 = arith.constant 0.000000e+00 : f32
      %broadcast_in_dim3A_407 = vector.broadcast %broadcast_in_dim3A_406 : f32 to vector<16xf32>
      %scan3A_408 = arith.constant 0 : i32
      %scan3A_409 = arith.constant 64 : i32
      %scan3A_410 = arith.addi %scan3A_408, %scan3A_409 : i32
      %scan3A_411 = arith.constant 1 : i32
      %scan3A_412:8 = scf.for %scan3A_487 = %scan3A_408 to %scan3A_410 step %scan3A_411 iter_args(%scan3A_488 = %broadcast_in_dim3A_393, %scan3A_489 = %broadcast_in_dim3A_395, %scan3A_490 = %broadcast_in_dim3A_397, %scan3A_491 = %broadcast_in_dim3A_399, %scan3A_492 = %broadcast_in_dim3A_401, %scan3A_493 = %broadcast_in_dim3A_403, %scan3A_494 = %broadcast_in_dim3A_405, %scan3A_495 = %broadcast_in_dim3A_407) -> (vector<16xf32>, vector<16xf32>, vector<16xf32>, vector<16xf32>, vector<16xf32>, vector<16xf32>, vector<16xf32>, vector<16xf32>)  : i32 {
        %mul3A_496 = arith.constant 128 : i32
        %mul3A_497 = arith.muli %scan3A_487, %mul3A_496 : i32
        %add3A_498 = arith.constant 0 : i32
        %add3A_499 = arith.addi %mul3A_497, %add3A_498 : i32
        %get3A = arith.constant 0 : i32
        %get3A_500 = arith.index_cast %get3A : i32 to index
        %get3A_501 = arith.index_cast %add3A_499 : i32 to index
        %get3A_502 = tpu.vector_load %arg16[%get3A_500, %get3A_501] {strides = array<i32>} : memref<2x8192xf32, #tpu.memory_space<vmem>>, vector<1x16xf32>,
        %get3A_503 = vector.shape_cast %get3A_502 : vector<1x16xf32> to vector<16xf32>
        %exp3A = math.exp %get3A_503 : vector<16xf32>
        %add3A_504 = arith.addf %scan3A_488, %exp3A : vector<16xf32>
        %add3A_505 = arith.constant 16 : i32
        %add3A_506 = arith.addi %mul3A_497, %add3A_505 : i32
        %get3A_507 = arith.constant 0 : i32
        %get3A_508 = arith.index_cast %get3A_507 : i32 to index
        %get3A_509 = arith.index_cast %add3A_506 : i32 to index
        %get3A_510 = tpu.vector_load %arg16[%get3A_508, %get3A_509] {strides = array<i32>} : memref<2x8192xf32, #tpu.memory_space<vmem>>, vector<1x16xf32>,
        %get3A_511 = vector.shape_cast %get3A_510 : vector<1x16xf32> to vector<16xf32>
        %exp3A_512 = math.exp %get3A_511 : vector<16xf32>
        %add3A_513 = arith.addf %scan3A_489, %exp3A_512 : vector<16xf32>
        %add3A_514 = arith.constant 32 : i32
        %add3A_515 = arith.addi %mul3A_497, %add3A_514 : i32
        %get3A_516 = arith.constant 0 : i32
        %get3A_517 = arith.index_cast %get3A_516 : i32 to index
        %get3A_518 = arith.index_cast %add3A_515 : i32 to index
        %get3A_519 = tpu.vector_load %arg16[%get3A_517, %get3A_518] {strides = array<i32>} : memref<2x8192xf32, #tpu.memory_space<vmem>>, vector<1x16xf32>,
        %get3A_520 = vector.shape_cast %get3A_519 : vector<1x16xf32> to vector<16xf32>
        %exp3A_521 = math.exp %get3A_520 : vector<16xf32>
        %add3A_522 = arith.addf %scan3A_490, %exp3A_521 : vector<16xf32>
        %add3A_523 = arith.constant 48 : i32
        %add3A_524 = arith.addi %mul3A_497, %add3A_523 : i32
        %get3A_525 = arith.constant 0 : i32
        %get3A_526 = arith.index_cast %get3A_525 : i32 to index
        %get3A_527 = arith.index_cast %add3A_524 : i32 to index
        %get3A_528 = tpu.vector_load %arg16[%get3A_526, %get3A_527] {strides = array<i32>} : memref<2x8192xf32, #tpu.memory_space<vmem>>, vector<1x16xf32>,
        %get3A_529 = vector.shape_cast %get3A_528 : vector<1x16xf32> to vector<16xf32>
        %exp3A_530 = math.exp %get3A_529 : vector<16xf32>
        %add3A_531 = arith.addf %scan3A_491, %exp3A_530 : vector<16xf32>
        %add3A_532 = arith.constant 64 : i32
        %add3A_533 = arith.addi %mul3A_497, %add3A_532 : i32
        %get3A_534 = arith.constant 0 : i32
        %get3A_535 = arith.index_cast %get3A_534 : i32 to index
        %get3A_536 = arith.index_cast %add3A_533 : i32 to index
        %get3A_537 = tpu.vector_load %arg16[%get3A_535, %get3A_536] {strides = array<i32>} : memref<2x8192xf32, #tpu.memory_space<vmem>>, vector<1x16xf32>,
        %get3A_538 = vector.shape_cast %get3A_537 : vector<1x16xf32> to vector<16xf32>
        %exp3A_539 = math.exp %get3A_538 : vector<16xf32>
        %add3A_540 = arith.addf %scan3A_492, %exp3A_539 : vector<16xf32>
        %add3A_541 = arith.constant 80 : i32
        %add3A_542 = arith.addi %mul3A_497, %add3A_541 : i32
        %get3A_543 = arith.constant 0 : i32
        %get3A_544 = arith.index_cast %get3A_543 : i32 to index
        %get3A_545 = arith.index_cast %add3A_542 : i32 to index
        %get3A_546 = tpu.vector_load %arg16[%get3A_544, %get3A_545] {strides = array<i32>} : memref<2x8192xf32, #tpu.memory_space<vmem>>, vector<1x16xf32>,
        %get3A_547 = vector.shape_cast %get3A_546 : vector<1x16xf32> to vector<16xf32>
        %exp3A_548 = math.exp %get3A_547 : vector<16xf32>
        %add3A_549 = arith.addf %scan3A_493, %exp3A_548 : vector<16xf32>
        %add3A_550 = arith.constant 96 : i32
        %add3A_551 = arith.addi %mul3A_497, %add3A_550 : i32
        %get3A_552 = arith.constant 0 : i32
        %get3A_553 = arith.index_cast %get3A_552 : i32 to index
        %get3A_554 = arith.index_cast %add3A_551 : i32 to index
        %get3A_555 = tpu.vector_load %arg16[%get3A_553, %get3A_554] {strides = array<i32>} : memref<2x8192xf32, #tpu.memory_space<vmem>>, vector<1x16xf32>,
        %get3A_556 = vector.shape_cast %get3A_555 : vector<1x16xf32> to vector<16xf32>
        %exp3A_557 = math.exp %get3A_556 : vector<16xf32>
        %add3A_558 = arith.addf %scan3A_494, %exp3A_557 : vector<16xf32>
        %add3A_559 = arith.constant 112 : i32
        %add3A_560 = arith.addi %mul3A_497, %add3A_559 : i32
        %get3A_561 = arith.constant 0 : i32
        %get3A_562 = arith.index_cast %get3A_561 : i32 to index
        %get3A_563 = arith.index_cast %add3A_560 : i32 to index
        %get3A_564 = tpu.vector_load %arg16[%get3A_562, %get3A_563] {strides = array<i32>} : memref<2x8192xf32, #tpu.memory_space<vmem>>, vector<1x16xf32>,
        %get3A_565 = vector.shape_cast %get3A_564 : vector<1x16xf32> to vector<16xf32>
        %exp3A_566 = math.exp %get3A_565 : vector<16xf32>
        %add3A_567 = arith.addf %scan3A_495, %exp3A_566 : vector<16xf32>
        scf.yield %add3A_504, %add3A_513, %add3A_522, %add3A_531, %add3A_540, %add3A_549, %add3A_558, %add3A_567 : vector<16xf32>, vector<16xf32>, vector<16xf32>, vector<16xf32>, vector<16xf32>, vector<16xf32>, vector<16xf32>, vector<16xf32>
      }
      %scan3A_413 = arith.constant 64 : i32
      %add3A_414 = arith.addf %scan3A_412#0, %scan3A_412#1 : vector<16xf32>
      %add3A_415 = arith.addf %add3A_414, %scan3A_412#2 : vector<16xf32>
      %add3A_416 = arith.addf %add3A_415, %scan3A_412#3 : vector<16xf32>
      %add3A_417 = arith.addf %add3A_416, %scan3A_412#4 : vector<16xf32>
      %add3A_418 = arith.addf %add3A_417, %scan3A_412#5 : vector<16xf32>
      %add3A_419 = arith.addf %add3A_418, %scan3A_412#6 : vector<16xf32>
      %add3A_420 = arith.addf %add3A_419, %scan3A_412#7 : vector<16xf32>
      %mul3A_421 = arith.constant 2 : i32
      %mul3A_422 = arith.muli %add3A_385, %mul3A_421 : i32
      %add3A_423 = arith.constant 0 : i32
      %add3A_424 = arith.addi %mul3A_422, %add3A_423 : i32
      %swap3A_425 = arith.index_cast %add3A_424 : i32 to index
      %swap3A_426 = arith.constant 0 : index
      %swap3A_427 = tpu.vector_load %arg12[%swap3A_425, %swap3A_426] {strides = array<i32>} : memref<256x16xf32, #tpu.memory_space<vmem>>, vector<1x16xf32>,
      %swap3A_428 = vector.shape_cast %swap3A_427 : vector<1x16xf32> to vector<16xf32>
      %swap3A_429 = vector.shape_cast %add3A_420 : vector<16xf32> to vector<1x16xf32>
      tpu.vector_store %arg12[%swap3A_425, %swap3A_426], %swap3A_429 {strides = array<i32>} : memref<256x16xf32, #tpu.memory_space<vmem>>, vector<1x16xf32>,
      %broadcast_in_dim3A_430 = arith.constant 0.000000e+00 : f32
      %broadcast_in_dim3A_431 = vector.broadcast %broadcast_in_dim3A_430 : f32 to vector<16xf32>
      %broadcast_in_dim3A_432 = arith.constant 0.000000e+00 : f32
      %broadcast_in_dim3A_433 = vector.broadcast %broadcast_in_dim3A_432 : f32 to vector<16xf32>
      %broadcast_in_dim3A_434 = arith.constant 0.000000e+00 : f32
      %broadcast_in_dim3A_435 = vector.broadcast %broadcast_in_dim3A_434 : f32 to vector<16xf32>
      %broadcast_in_dim3A_436 = arith.constant 0.000000e+00 : f32
      %broadcast_in_dim3A_437 = vector.broadcast %broadcast_in_dim3A_436 : f32 to vector<16xf32>
      %broadcast_in_dim3A_438 = arith.constant 0.000000e+00 : f32
      %broadcast_in_dim3A_439 = vector.broadcast %broadcast_in_dim3A_438 : f32 to vector<16xf32>
      %broadcast_in_dim3A_440 = arith.constant 0.000000e+00 : f32
      %broadcast_in_dim3A_441 = vector.broadcast %broadcast_in_dim3A_440 : f32 to vector<16xf32>
      %broadcast_in_dim3A_442 = arith.constant 0.000000e+00 : f32
      %broadcast_in_dim3A_443 = vector.broadcast %broadcast_in_dim3A_442 : f32 to vector<16xf32>
      %broadcast_in_dim3A_444 = arith.constant 0.000000e+00 : f32
      %broadcast_in_dim3A_445 = vector.broadcast %broadcast_in_dim3A_444 : f32 to vector<16xf32>
      %scan3A_446 = arith.constant 0 : i32
      %scan3A_447 = arith.constant 64 : i32
      %scan3A_448 = arith.addi %scan3A_446, %scan3A_447 : i32
      %scan3A_449 = arith.constant 1 : i32
      %scan3A_450:8 = scf.for %scan3A_487 = %scan3A_446 to %scan3A_448 step %scan3A_449 iter_args(%scan3A_488 = %broadcast_in_dim3A_431, %scan3A_489 = %broadcast_in_dim3A_433, %scan3A_490 = %broadcast_in_dim3A_435, %scan3A_491 = %broadcast_in_dim3A_437, %scan3A_492 = %broadcast_in_dim3A_439, %scan3A_493 = %broadcast_in_dim3A_441, %scan3A_494 = %broadcast_in_dim3A_443, %scan3A_495 = %broadcast_in_dim3A_445) -> (vector<16xf32>, vector<16xf32>, vector<16xf32>, vector<16xf32>, vector<16xf32>, vector<16xf32>, vector<16xf32>, vector<16xf32>)  : i32 {
        %mul3A_496 = arith.constant 128 : i32
        %mul3A_497 = arith.muli %scan3A_487, %mul3A_496 : i32
        %add3A_498 = arith.constant 0 : i32
        %add3A_499 = arith.addi %mul3A_497, %add3A_498 : i32
        %get3A = arith.constant 1 : i32
        %get3A_500 = arith.index_cast %get3A : i32 to index
        %get3A_501 = arith.index_cast %add3A_499 : i32 to index
        %get3A_502 = tpu.vector_load %arg16[%get3A_500, %get3A_501] {strides = array<i32>} : memref<2x8192xf32, #tpu.memory_space<vmem>>, vector<1x16xf32>,
        %get3A_503 = vector.shape_cast %get3A_502 : vector<1x16xf32> to vector<16xf32>
        %exp3A = math.exp %get3A_503 : vector<16xf32>
        %add3A_504 = arith.addf %scan3A_488, %exp3A : vector<16xf32>
        %add3A_505 = arith.constant 16 : i32
        %add3A_506 = arith.addi %mul3A_497, %add3A_505 : i32
        %get3A_507 = arith.constant 1 : i32
        %get3A_508 = arith.index_cast %get3A_507 : i32 to index
        %get3A_509 = arith.index_cast %add3A_506 : i32 to index
        %get3A_510 = tpu.vector_load %arg16[%get3A_508, %get3A_509] {strides = array<i32>} : memref<2x8192xf32, #tpu.memory_space<vmem>>, vector<1x16xf32>,
        %get3A_511 = vector.shape_cast %get3A_510 : vector<1x16xf32> to vector<16xf32>
        %exp3A_512 = math.exp %get3A_511 : vector<16xf32>
        %add3A_513 = arith.addf %scan3A_489, %exp3A_512 : vector<16xf32>
        %add3A_514 = arith.constant 32 : i32
        %add3A_515 = arith.addi %mul3A_497, %add3A_514 : i32
        %get3A_516 = arith.constant 1 : i32
        %get3A_517 = arith.index_cast %get3A_516 : i32 to index
        %get3A_518 = arith.index_cast %add3A_515 : i32 to index
        %get3A_519 = tpu.vector_load %arg16[%get3A_517, %get3A_518] {strides = array<i32>} : memref<2x8192xf32, #tpu.memory_space<vmem>>, vector<1x16xf32>,
        %get3A_520 = vector.shape_cast %get3A_519 : vector<1x16xf32> to vector<16xf32>
        %exp3A_521 = math.exp %get3A_520 : vector<16xf32>
        %add3A_522 = arith.addf %scan3A_490, %exp3A_521 : vector<16xf32>
        %add3A_523 = arith.constant 48 : i32
        %add3A_524 = arith.addi %mul3A_497, %add3A_523 : i32
        %get3A_525 = arith.constant 1 : i32
        %get3A_526 = arith.index_cast %get3A_525 : i32 to index
        %get3A_527 = arith.index_cast %add3A_524 : i32 to index
        %get3A_528 = tpu.vector_load %arg16[%get3A_526, %get3A_527] {strides = array<i32>} : memref<2x8192xf32, #tpu.memory_space<vmem>>, vector<1x16xf32>,
        %get3A_529 = vector.shape_cast %get3A_528 : vector<1x16xf32> to vector<16xf32>
        %exp3A_530 = math.exp %get3A_529 : vector<16xf32>
        %add3A_531 = arith.addf %scan3A_491, %exp3A_530 : vector<16xf32>
        %add3A_532 = arith.constant 64 : i32
        %add3A_533 = arith.addi %mul3A_497, %add3A_532 : i32
        %get3A_534 = arith.constant 1 : i32
        %get3A_535 = arith.index_cast %get3A_534 : i32 to index
        %get3A_536 = arith.index_cast %add3A_533 : i32 to index
        %get3A_537 = tpu.vector_load %arg16[%get3A_535, %get3A_536] {strides = array<i32>} : memref<2x8192xf32, #tpu.memory_space<vmem>>, vector<1x16xf32>,
        %get3A_538 = vector.shape_cast %get3A_537 : vector<1x16xf32> to vector<16xf32>
        %exp3A_539 = math.exp %get3A_538 : vector<16xf32>
        %add3A_540 = arith.addf %scan3A_492, %exp3A_539 : vector<16xf32>
        %add3A_541 = arith.constant 80 : i32
        %add3A_542 = arith.addi %mul3A_497, %add3A_541 : i32
        %get3A_543 = arith.constant 1 : i32
        %get3A_544 = arith.index_cast %get3A_543 : i32 to index
        %get3A_545 = arith.index_cast %add3A_542 : i32 to index
        %get3A_546 = tpu.vector_load %arg16[%get3A_544, %get3A_545] {strides = array<i32>} : memref<2x8192xf32, #tpu.memory_space<vmem>>, vector<1x16xf32>,
        %get3A_547 = vector.shape_cast %get3A_546 : vector<1x16xf32> to vector<16xf32>
        %exp3A_548 = math.exp %get3A_547 : vector<16xf32>
        %add3A_549 = arith.addf %scan3A_493, %exp3A_548 : vector<16xf32>
        %add3A_550 = arith.constant 96 : i32
        %add3A_551 = arith.addi %mul3A_497, %add3A_550 : i32
        %get3A_552 = arith.constant 1 : i32
        %get3A_553 = arith.index_cast %get3A_552 : i32 to index
        %get3A_554 = arith.index_cast %add3A_551 : i32 to index
        %get3A_555 = tpu.vector_load %arg16[%get3A_553, %get3A_554] {strides = array<i32>} : memref<2x8192xf32, #tpu.memory_space<vmem>>, vector<1x16xf32>,
        %get3A_556 = vector.shape_cast %get3A_555 : vector<1x16xf32> to vector<16xf32>
        %exp3A_557 = math.exp %get3A_556 : vector<16xf32>
        %add3A_558 = arith.addf %scan3A_494, %exp3A_557 : vector<16xf32>
        %add3A_559 = arith.constant 112 : i32
        %add3A_560 = arith.addi %mul3A_497, %add3A_559 : i32
        %get3A_561 = arith.constant 1 : i32
        %get3A_562 = arith.index_cast %get3A_561 : i32 to index
        %get3A_563 = arith.index_cast %add3A_560 : i32 to index
        %get3A_564 = tpu.vector_load %arg16[%get3A_562, %get3A_563] {strides = array<i32>} : memref<2x8192xf32, #tpu.memory_space<vmem>>, vector<1x16xf32>,
        %get3A_565 = vector.shape_cast %get3A_564 : vector<1x16xf32> to vector<16xf32>
        %exp3A_566 = math.exp %get3A_565 : vector<16xf32>
        %add3A_567 = arith.addf %scan3A_495, %exp3A_566 : vector<16xf32>
        scf.yield %add3A_504, %add3A_513, %add3A_522, %add3A_531, %add3A_540, %add3A_549, %add3A_558, %add3A_567 : vector<16xf32>, vector<16xf32>, vector<16xf32>, vector<16xf32>, vector<16xf32>, vector<16xf32>, vector<16xf32>, vector<16xf32>
      }
      %scan3A_451 = arith.constant 64 : i32
      %add3A_452 = arith.addf %scan3A_450#0, %scan3A_450#1 : vector<16xf32>
      %add3A_453 = arith.addf %add3A_452, %scan3A_450#2 : vector<16xf32>
      %add3A_454 = arith.addf %add3A_453, %scan3A_450#3 : vector<16xf32>
      %add3A_455 = arith.addf %add3A_454, %scan3A_450#4 : vector<16xf32>
      %add3A_456 = arith.addf %add3A_455, %scan3A_450#5 : vector<16xf32>
      %add3A_457 = arith.addf %add3A_456, %scan3A_450#6 : vector<16xf32>
      %add3A_458 = arith.addf %add3A_457, %scan3A_450#7 : vector<16xf32>
      %mul3A_459 = arith.constant 2 : i32
      %mul3A_460 = arith.muli %add3A_385, %mul3A_459 : i32
      %add3A_461 = arith.constant 1 : i32
      %add3A_462 = arith.addi %mul3A_460, %add3A_461 : i32
      %swap3A_463 = arith.index_cast %add3A_462 : i32 to index
      %swap3A_464 = arith.constant 0 : index
      %swap3A_465 = tpu.vector_load %arg12[%swap3A_463, %swap3A_464] {strides = array<i32>} : memref<256x16xf32, #tpu.memory_space<vmem>>, vector<1x16xf32>,
      %swap3A_466 = vector.shape_cast %swap3A_465 : vector<1x16xf32> to vector<16xf32>
      %swap3A_467 = vector.shape_cast %add3A_458 : vector<16xf32> to vector<1x16xf32>
      tpu.vector_store %arg12[%swap3A_463, %swap3A_464], %swap3A_467 {strides = array<i32>} : memref<256x16xf32, #tpu.memory_space<vmem>>, vector<1x16xf32>,
      %mul3A_468 = arith.constant 2 : i32
      %mul3A_469 = arith.muli %add3A_385, %mul3A_468 : i32
      %add3A_470 = arith.addi %mul3A_2, %mul3A_469 : i32
      %dma_start3A_471 = arith.constant 0 : i32
      %dma_start3A_472 = tpu.memref_slice %arg6[%add3A_470, %dma_start3A_471] : memref<8192x8192xf32, #tpu.memory_space<hbm>> -> memref<2x8192xf32, #tpu.memory_space<hbm>>
      %dma_start3A_473 = arith.constant 0 : i32
      %dma_start3A_474 = tpu.memref_slice %arg6[%add3A_470, %dma_start3A_473] : memref<8192x8192xf32, #tpu.memory_space<hbm>> -> memref<2x8192xf32, #tpu.memory_space<hbm>>
      tpu.enqueue_dma source(%arg16 : memref<2x8192xf32, #tpu.memory_space<vmem>>) target(%dma_start3A_474 : memref<2x8192xf32, #tpu.memory_space<hbm>>) target_semaphore(%arg24 : memref<!tpu.dma_semaphore, #tpu.memory_space<semaphore_mem>>)
      %ge3A_475 = arith.constant 2 : i32
      %ge3A_476 = arith.cmpi sge, %add3A_385, %ge3A_475 : i32
      %convert_element_type3A_477 = arith.extui %ge3A_476 : i1 to i32
      %cond3A_478 = arith.constant 0 : i32
      %cond3A_479 = arith.cmpi ne, %convert_element_type3A_477, %cond3A_478 : i32
      scf.if %cond3A_479 {
        %dma_wait3A_487 = arith.constant 0 : i32
        %dma_wait3A_488 = arith.constant 0 : i32
        %dma_wait3A_489 = tpu.memref_slice %arg6[%dma_wait3A_487, %dma_wait3A_488] : memref<8192x8192xf32, #tpu.memory_space<hbm>> -> memref<2x8192xf32, #tpu.memory_space<hbm>>
        %dma_wait3A_490 = arith.constant 0 : i32
        %dma_wait3A_491 = arith.constant 0 : i32
        %dma_wait3A_492 = tpu.memref_slice %arg6[%dma_wait3A_490, %dma_wait3A_491] : memref<8192x8192xf32, #tpu.memory_space<hbm>> -> memref<2x8192xf32, #tpu.memory_space<hbm>>
        tpu.wait_dma2 semaphore(%arg22 : memref<!tpu.dma_semaphore, #tpu.memory_space<semaphore_mem>>) src(%arg14 : memref<2x8192xf32, #tpu.memory_space<vmem>>) dst(%dma_wait3A_492 : memref<2x8192xf32, #tpu.memory_space<hbm>>)
      } else {
      }
      %add3A_480 = arith.constant 2 : i32
      %add3A_481 = arith.addi %add3A_385, %add3A_480 : i32
      %lt3A_482 = arith.constant 128 : i32
      %lt3A_483 = arith.cmpi slt, %add3A_481, %lt3A_482 : i32
      %convert_element_type3A_484 = arith.extui %lt3A_483 : i1 to i32
      %cond3A_485 = arith.constant 0 : i32
      %cond3A_486 = arith.cmpi ne, %convert_element_type3A_484, %cond3A_485 : i32
      scf.if %cond3A_486 {
        %add3A_487 = arith.constant 2 : i32
        %add3A_488 = arith.addi %add3A_385, %add3A_487 : i32
        %dma_start3A_489 = arith.constant 0 : i32
        %dma_start3A_490 = tpu.memref_slice %arg9[%add3A_488, %dma_start3A_489] : memref<128x2xi32, #tpu.memory_space<vmem>> -> memref<1x2xi32, #tpu.memory_space<vmem>>
        %dma_start3A_491 = tpu.memref_squeeze %dma_start3A_490 : memref<1x2xi32, #tpu.memory_space<vmem>> -> memref<2xi32, #tpu.memory_space<vmem>>
        %dma_start3A_492 = arith.constant 0 : i32
        %dma_start3A_493 = arith.constant 0 : i32
        %dma_start3A_494 = tpu.memref_slice %arg2[%dma_start3A_492, %dma_start3A_493] : memref<8192x8192xf32, #tpu.memory_space<hbm>> -> memref<8192x8192xf32, #tpu.memory_space<hbm>>
        tpu.enqueue_indirect_dma source(%dma_start3A_494 : memref<8192x8192xf32, #tpu.memory_space<hbm>>) target(%arg14 : memref<2x8192xf32, #tpu.memory_space<vmem>>) offsets(%dma_start3A_491 : memref<2xi32, #tpu.memory_space<vmem>>) semaphore(%arg18 : memref<!tpu.dma_semaphore, #tpu.memory_space<semaphore_mem>>)
      } else {
      }
    }
    %scan3A_40 = arith.constant 32 : i32
    %dma_wait3A = arith.constant 0 : i32
    %dma_wait3A_41 = arith.constant 0 : i32
    %dma_wait3A_42 = tpu.memref_slice %arg6[%dma_wait3A, %dma_wait3A_41] : memref<8192x8192xf32, #tpu.memory_space<hbm>> -> memref<2x8192xf32, #tpu.memory_space<hbm>>
    %dma_wait3A_43 = arith.constant 0 : i32
    %dma_wait3A_44 = arith.constant 0 : i32
    %dma_wait3A_45 = tpu.memref_slice %arg6[%dma_wait3A_43, %dma_wait3A_44] : memref<8192x8192xf32, #tpu.memory_space<hbm>> -> memref<2x8192xf32, #tpu.memory_space<hbm>>
    tpu.wait_dma2 semaphore(%arg23 : memref<!tpu.dma_semaphore, #tpu.memory_space<semaphore_mem>>) src(%arg15 : memref<2x8192xf32, #tpu.memory_space<vmem>>) dst(%dma_wait3A_45 : memref<2x8192xf32, #tpu.memory_space<hbm>>)
    %dma_wait3A_46 = arith.constant 0 : i32
    %dma_wait3A_47 = arith.constant 0 : i32
    %dma_wait3A_48 = tpu.memref_slice %arg6[%dma_wait3A_46, %dma_wait3A_47] : memref<8192x8192xf32, #tpu.memory_space<hbm>> -> memref<2x8192xf32, #tpu.memory_space<hbm>>
    %dma_wait3A_49 = arith.constant 0 : i32
    %dma_wait3A_50 = arith.constant 0 : i32
    %dma_wait3A_51 = tpu.memref_slice %arg6[%dma_wait3A_49, %dma_wait3A_50] : memref<8192x8192xf32, #tpu.memory_space<hbm>> -> memref<2x8192xf32, #tpu.memory_space<hbm>>
    tpu.wait_dma2 semaphore(%arg24 : memref<!tpu.dma_semaphore, #tpu.memory_space<semaphore_mem>>) src(%arg16 : memref<2x8192xf32, #tpu.memory_space<vmem>>) dst(%dma_wait3A_51 : memref<2x8192xf32, #tpu.memory_space<hbm>>)
    %dma_wait3A_52 = arith.constant 0 : i32
    %dma_wait3A_53 = arith.constant 0 : i32
    %dma_wait3A_54 = arith.constant 0 : i32
    %dma_wait3A_55 = tpu.memref_slice %arg11[%dma_wait3A_53, %dma_wait3A_54] : memref<2x128xf32, #tpu.memory_space<vmem>> -> memref<1x128xf32, #tpu.memory_space<vmem>>
    %dma_wait3A_56 = tpu.memref_squeeze %dma_wait3A_55 : memref<1x128xf32, #tpu.memory_space<vmem>> -> memref<128xf32, #tpu.memory_space<vmem>>
    %dma_wait3A_57 = arith.constant 0 : i32
    %dma_wait3A_58 = tpu.memref_slice %arg10[%dma_wait3A_52, %dma_wait3A_57] : memref<2x128xi32, #tpu.memory_space<vmem>> -> memref<1x128xi32, #tpu.memory_space<vmem>>
    %dma_wait3A_59 = tpu.memref_squeeze %dma_wait3A_58 : memref<1x128xi32, #tpu.memory_space<vmem>> -> memref<128xi32, #tpu.memory_space<vmem>>
    %dma_wait3A_60 = arith.constant 0 : i32
    %dma_wait3A_61 = tpu.memref_slice %arg3[%dma_wait3A_60] : memref<67108864xf32, #tpu.memory_space<hbm>> -> memref<67108864xf32, #tpu.memory_space<hbm>>
    tpu.wait_indirect_dma semaphore(%arg25 : memref<!tpu.dma_semaphore, #tpu.memory_space<semaphore_mem>>) src(%dma_wait3A_61 : memref<67108864xf32, #tpu.memory_space<hbm>>) dst(%dma_wait3A_56 : memref<128xf32, #tpu.memory_space<vmem>>)
    %dma_wait3A_62 = arith.constant 1 : i32
    %dma_wait3A_63 = arith.constant 1 : i32
    %dma_wait3A_64 = arith.constant 0 : i32
    %dma_wait3A_65 = tpu.memref_slice %arg11[%dma_wait3A_63, %dma_wait3A_64] : memref<2x128xf32, #tpu.memory_space<vmem>> -> memref<1x128xf32, #tpu.memory_space<vmem>>
    %dma_wait3A_66 = tpu.memref_squeeze %dma_wait3A_65 : memref<1x128xf32, #tpu.memory_space<vmem>> -> memref<128xf32, #tpu.memory_space<vmem>>
    %dma_wait3A_67 = arith.constant 0 : i32
    %dma_wait3A_68 = tpu.memref_slice %arg10[%dma_wait3A_62, %dma_wait3A_67] : memref<2x128xi32, #tpu.memory_space<vmem>> -> memref<1x128xi32, #tpu.memory_space<vmem>>
    %dma_wait3A_69 = tpu.memref_squeeze %dma_wait3A_68 : memref<1x128xi32, #tpu.memory_space<vmem>> -> memref<128xi32, #tpu.memory_space<vmem>>
    %dma_wait3A_70 = arith.constant 0 : i32
    %dma_wait3A_71 = tpu.memref_slice %arg3[%dma_wait3A_70] : memref<67108864xf32, #tpu.memory_space<hbm>> -> memref<67108864xf32, #tpu.memory_space<hbm>>
    tpu.wait_indirect_dma semaphore(%arg25 : memref<!tpu.dma_semaphore, #tpu.memory_space<semaphore_mem>>) src(%dma_wait3A_71 : memref<67108864xf32, #tpu.memory_space<hbm>>) dst(%dma_wait3A_66 : memref<128xf32, #tpu.memory_space<vmem>>)
    "tpu.region"() ({
      %run_scoped3A = tpu.sem_alloc : memref<!tpu.dma_semaphore, #tpu.memory_space<semaphore_mem>>
      %dma_start3A_72 = arith.constant 0 : i32
      %dma_start3A_73 = tpu.memref_slice %arg7[%mul3A_2, %dma_start3A_72] : memref<8192x16xf32, #tpu.memory_space<hbm>> -> memref<256x16xf32, #tpu.memory_space<hbm>>
      %dma_start3A_74 = arith.constant 0 : i32
      %dma_start3A_75 = tpu.memref_slice %arg7[%mul3A_2, %dma_start3A_74] : memref<8192x16xf32, #tpu.memory_space<hbm>> -> memref<256x16xf32, #tpu.memory_space<hbm>>
      tpu.enqueue_dma source(%arg12 : memref<256x16xf32, #tpu.memory_space<vmem>>) target(%dma_start3A_75 : memref<256x16xf32, #tpu.memory_space<hbm>>) target_semaphore(%run_scoped3A : memref<!tpu.dma_semaphore, #tpu.memory_space<semaphore_mem>>)
      %dma_wait3A_76 = arith.constant 0 : i32
      %dma_wait3A_77 = tpu.memref_slice %arg7[%mul3A_2, %dma_wait3A_76] : memref<8192x16xf32, #tpu.memory_space<hbm>> -> memref<256x16xf32, #tpu.memory_space<hbm>>
      %dma_wait3A_78 = arith.constant 0 : i32
      %dma_wait3A_79 = tpu.memref_slice %arg7[%mul3A_2, %dma_wait3A_78] : memref<8192x16xf32, #tpu.memory_space<hbm>> -> memref<256x16xf32, #tpu.memory_space<hbm>>
      tpu.wait_dma2 semaphore(%run_scoped3A : memref<!tpu.dma_semaphore, #tpu.memory_space<semaphore_mem>>) src(%arg12 : memref<256x16xf32, #tpu.memory_space<vmem>>) dst(%dma_wait3A_79 : memref<256x16xf32, #tpu.memory_space<hbm>>)
      tpu.yield
    }) : () -> ()
    "tpu.region"() ({
      %run_scoped3A = tpu.sem_alloc : memref<!tpu.dma_semaphore, #tpu.memory_space<semaphore_mem>>
      %dma_start3A_72 = arith.constant 0 : i32
      %dma_start3A_73 = arith.constant 0 : i32
      %dma_start3A_74 = tpu.memref_slice %arg8[%add3A, %dma_start3A_72, %dma_start3A_73] : memref<32x2x128xf32, #tpu.memory_space<hbm>> -> memref<1x2x128xf32, #tpu.memory_space<hbm>>
      %dma_start3A_75 = tpu.memref_squeeze %dma_start3A_74 : memref<1x2x128xf32, #tpu.memory_space<hbm>> -> memref<2x128xf32, #tpu.memory_space<hbm>>
      %dma_start3A_76 = arith.constant 0 : i32
      %dma_start3A_77 = arith.constant 0 : i32
      %dma_start3A_78 = tpu.memref_slice %arg8[%add3A, %dma_start3A_76, %dma_start3A_77] : memref<32x2x128xf32, #tpu.memory_space<hbm>> -> memref<1x2x128xf32, #tpu.memory_space<hbm>>
      %dma_start3A_79 = tpu.memref_squeeze %dma_start3A_78 : memref<1x2x128xf32, #tpu.memory_space<hbm>> -> memref<2x128xf32, #tpu.memory_space<hbm>>
      tpu.enqueue_dma source(%arg11 : memref<2x128xf32, #tpu.memory_space<vmem>>) target(%dma_start3A_79 : memref<2x128xf32, #tpu.memory_space<hbm>>) target_semaphore(%run_scoped3A : memref<!tpu.dma_semaphore, #tpu.memory_space<semaphore_mem>>)
      %dma_wait3A_80 = arith.constant 0 : i32
      %dma_wait3A_81 = arith.constant 0 : i32
      %dma_wait3A_82 = tpu.memref_slice %arg8[%add3A, %dma_wait3A_80, %dma_wait3A_81] : memref<32x2x128xf32, #tpu.memory_space<hbm>> -> memref<1x2x128xf32, #tpu.memory_space<hbm>>
      %dma_wait3A_83 = tpu.memref_squeeze %dma_wait3A_82 : memref<1x2x128xf32, #tpu.memory_space<hbm>> -> memref<2x128xf32, #tpu.memory_space<hbm>>
      %dma_wait3A_84 = arith.constant 0 : i32
      %dma_wait3A_85 = arith.constant 0 : i32
      %dma_wait3A_86 = tpu.memref_slice %arg8[%add3A, %dma_wait3A_84, %dma_wait3A_85] : memref<32x2x128xf32, #tpu.memory_space<hbm>> -> memref<1x2x128xf32, #tpu.memory_space<hbm>>
      %dma_wait3A_87 = tpu.memref_squeeze %dma_wait3A_86 : memref<1x2x128xf32, #tpu.memory_space<hbm>> -> memref<2x128xf32, #tpu.memory_space<hbm>>
      tpu.wait_dma2 semaphore(%run_scoped3A : memref<!tpu.dma_semaphore, #tpu.memory_space<semaphore_mem>>) src(%arg11 : memref<2x128xf32, #tpu.memory_space<vmem>>) dst(%dma_wait3A_87 : memref<2x128xf32, #tpu.memory_space<hbm>>)
      tpu.yield
    }) : () -> ()
    return
  }
}

module attributes {stable_mosaic.version = 14 : i64} {
  func.func @_loss_body(%arg0: memref<8192x16xf32, #tpu.memory_space<vmem>>, %arg1: memref<64x128xf32, #tpu.memory_space<vmem>>, %arg2: memref<1x1xf32, #tpu.memory_space<vmem>>) attributes {dimension_semantics = [], scalar_prefetch = 0 : i64, scratch_operands = 0 : i64, tpu.core_type = #tpu.core_type<tc>} {
    %get3A = arith.constant 0 : index
    %get3A_0 = arith.constant 0 : index
    %get3A_1 = vector.load %arg0[%get3A, %get3A_0] : memref<8192x16xf32, #tpu.memory_space<vmem>>, vector<8192x16xf32>
    %reduce_sum3A = arith.constant dense<0.000000e+00> : vector<8192xf32>
    %reduce_sum3A_2 = vector.multi_reduction <add>, %get3A_1, %reduce_sum3A [1] : vector<8192x16xf32> to vector<8192xf32>
    %log3A = math.log %reduce_sum3A_2 : vector<8192xf32>
    %reduce_sum3A_3 = vector.shape_cast %log3A : vector<8192xf32> to vector<1x8192xf32>
    %reduce_sum3A_4 = arith.constant dense<0.000000e+00> : vector<1xf32>
    %reduce_sum3A_5 = vector.multi_reduction <add>, %reduce_sum3A_3, %reduce_sum3A_4 [1] : vector<1x8192xf32> to vector<1xf32>
    %reduce_sum3A_6 = vector.shape_cast %reduce_sum3A_5 : vector<1xf32> to vector<1x1xf32>
    %reduce_sum3A_7 = vector.extract %reduce_sum3A_6[0, 0] : f32 from vector<1x1xf32>
    %div3A = arith.constant 8.192000e+03 : f32
    %div3A_8 = arith.divf %reduce_sum3A_7, %div3A : f32
    %get3A_9 = arith.constant 0 : index
    %get3A_10 = arith.constant 0 : index
    %get3A_11 = vector.load %arg1[%get3A_9, %get3A_10] : memref<64x128xf32, #tpu.memory_space<vmem>>, vector<64x128xf32>
    %reduce_sum3A_12 = vector.shape_cast %get3A_11 : vector<64x128xf32> to vector<1x64x128xf32>
    %reduce_sum3A_13 = arith.constant dense<0.000000e+00> : vector<1xf32>
    %reduce_sum3A_14 = vector.multi_reduction <add>, %reduce_sum3A_12, %reduce_sum3A_13 [1, 2] : vector<1x64x128xf32> to vector<1xf32>
    %reduce_sum3A_15 = vector.shape_cast %reduce_sum3A_14 : vector<1xf32> to vector<1x1x1xf32>
    %reduce_sum3A_16 = vector.extract %reduce_sum3A_15[0, 0, 0] : f32 from vector<1x1x1xf32>
    %div3A_17 = arith.constant 8.192000e+03 : f32
    %div3A_18 = arith.divf %reduce_sum3A_16, %div3A_17 : f32
    %sub3A = arith.subf %div3A_8, %div3A_18 : f32
    %reshape3A = vector.broadcast %sub3A : f32 to vector<1x1xf32>
    %swap3A = arith.constant 0 : index
    %swap3A_19 = arith.constant 0 : index
    %swap3A_20 = vector.load %arg2[%swap3A, %swap3A_19] : memref<1x1xf32, #tpu.memory_space<vmem>>, vector<1x1xf32>
    tpu.vector_store %arg2[%swap3A, %swap3A_19], %reshape3A {strides = array<i32>} : memref<1x1xf32, #tpu.memory_space<vmem>>, vector<1x1xf32>,
    return
  }
}

</mosaic_0001>

<sc_bundles>
// kernel: kernel.4.cloned.1.call-start
scs
__scs_entry_jumppad:
0x0: {  	(pc) =	sbr.rel $0x88, $3  }
0x1: {  	(tag) =	ssettag $0x0;
	lr =	simm.s32 $0x1  }
0x2: {  	[smem:$0x3F9E] =	sst lr;
	_ =	strace $0xD0000000  }
0x3: {  	_ = 	snop  }
0x4: {  	_ = 	snop  }
0x5: {  	_ = 	snop  }
0x6: {  	_ = 	snop  }
0x7: {  	_ = 	snop  }
__scs_overlays_trampoline_lowered:
0x8: {  	[smem:$0x3FAD] =	sst s0  }
0x9: {  	[smem:$0x3FAE] =	sst s1  }
0xa: {  	[smem:$0x3FAF] =	sst s2  }
0xb: {  	[smem:$0x3FB0] =	sst s3  }
0xc: {  	[smem:$0x3FB1] =	sst s4  }
0xd: {  	[smem:$0x3FB2] =	sst s5  }
0xe: {  	[smem:$0x3FB3] =	sst s6  }
0xf: {  	[smem:$0x3FB4] =	sst s7  }
0x10: {  	[smem:$0x3FB5] =	sst s8  }
0x11: {  	[smem:$0x3FB6] =	sst s9;
	s0 =	simm.s32 @!p0 $0x0  }
0x12: {  	s1 =	sld [smem:$0x3F9C];
	s0 =	simm.s32 @p0 $0x1  }
0x13: {  	[smem:$0x3FB7] =	sst s0;
	s0 =	simm.s32 @!p1 $0x0  }
0x14: {  	s2 =	sld [smem:$0x3F9B];
	s0 =	simm.s32 @p1 $0x1  }
0x15: {  	[smem:$0x3FB8] =	sst s0;
	s0 =	simm.s32 @!p2 $0x0  }
0x16: {  	s3 =	sld [smem:$0x3FDB];
	s0 =	simm.s32 @p2 $0x1  }
0x17: {  	s4 =	simm.s32 $0x1BF5;
	[smem:$0x3FBA] =	sst s0  }
0x18: {  	s0 =	sld [smem:$0x3F9D];
	_ =	swait.ge [sflag:s4], $0x0  }
0x19: {  	s7 =	sld [smem:$0x3F9E]  }
0x1a: {  	s8 =	sadd.s32 $0xFFFFE003, lr  }
0x1b: {  	s9 =	sadd.s32 $0xFFFFFEF7, lr;
	s5 =	simm.s32 $0xFFFFFFFF;
	p2 =	slt.u32 s8, $0xFFFFF086  }
0x1c: {  	p1 =	slt.u32 s9, $0xF7A;
	s5 =	simm.s32 @!p2 $0x0  }
0x1d: {  	s5 =	simm.s32 @p1 $0x1;
	p0 =	seq.s32 s7, s2  }
0x1e: {  	s7 =	smul.u32 @!p0 $0xF7A, s2;
	p2 =	seq.s32 @!p0 s5, $0x0  }
0x1f: {  	s9 =	smul.u32 $0xF7A, s1;
	s8 =	simm.s32 @!p0 $0x1BF5;
	p2 =	por !p2, p0  }
0x20: {  	[sflag:s8] =	ssyncset.s32 @!p0 $0xFFFFF086;
	s6 =	sadd.s32 @!p0 s3, s7;
	s7 =	simm.s32 @!p0 $0x108  }
0x21: {  	s3 =	sadd.s32 s3, s9;
	s6 =	sadd.s32 @!p0 $0x88, s6;
	s7 =	simm.s32 @p2 $0x1082  }
0x22: {  	[simem:s7], [sflag:s8] =	dma.local @!p0 [hbm:s6], $0xF7A  }
0x23: {  	s9 =	sor.u32 $0xD0000000, s2;
	s6 =	simm.s32 $0x108;
	_ =	swait.ge @!p0 [sflag:s8], $0x0  }
0x24: {  	s3 =	sadd.s32 $0x88, s3;
	s6 =	simm.s32 @!p1 $0x1082;
	[sflag:s4] =	ssyncset.s32 $0xFFFFF086  }
0x25: {  	[simem:s6], [sflag:s4] =	dma.local [hbm:s3], $0xF7A  }
0x26: {  	[smem:$0x3F9E] =	sst s1;
	(tag) =	ssettag s2;
	_ =	strace s9  }
0x27: {  	s1 =	sld [smem:$0x3FAE]  }
0x28: {  	s2 =	sld [smem:$0x3FAF]  }
0x29: {  	s4 =	sld [smem:$0x3FB1]  }
0x2a: {  	p0 =	seq.s32 s5, $0x0;
	s5 =	sld [smem:$0x3FB2]  }
0x2b: {  	s6 =	sld [smem:$0x3FB3]  }
0x2c: {  	s7 =	sld [smem:$0x3FB4]  }
0x2d: {  	s3 =	simm.s32 $0x108;
	s8 =	sld [smem:$0x3FB5]  }
0x2e: {  	s3 =	simm.s32 @!p0 $0x1082;
	s9 =	sld [smem:$0x3FB6]  }
0x2f: {  	lr =	sadd.s32 s0, s3;
	s0 =	sld [smem:$0x3FAD]  }
0x30: {  	s3 =	sld [smem:$0x3FB0]  }
0x31: {  	[smem:$0x3FB9] =	sst s10  }
0x32: {  	s10 =	sld [smem:$0x3FB7];
	_ =	sdelay $0x3  }
0x33: {  	p0 =	seq.s32 s10, $0x1;
	s10 =	sld [smem:$0x3FB9];
	_ =	sdelay $0x3  }
0x34: {  	[smem:$0x3FB9] =	sst s10  }
0x35: {  	s10 =	sld [smem:$0x3FB8];
	_ =	sdelay $0x3  }
0x36: {  	p1 =	seq.s32 s10, $0x1;
	s10 =	sld [smem:$0x3FB9];
	_ =	sdelay $0x3  }
0x37: {  	[smem:$0x3FB9] =	sst s10  }
0x38: {  	s10 =	sld [smem:$0x3FBA]  }
0x39: {  	_ = 	snop;
	(pc) =	sbr.ind lr, $3  }
0x3a: {  	_ = 	snop  }
0x3b: {  	_ = 	snop  }
0x3c: {  	p2 =	seq.s32 s10, $0x1;
	s10 =	sld [smem:$0x3FB9]  }
0x3d: {  	_ =	shalt  }
0x3e: {  	_ =	shalt  }
0x3f: {  	_ =	shalt  }
0x40: {  	_ =	shalt  }
0x41: {  	_ =	shalt  }
0x42: {  	_ =	shalt  }
0x43: {  	_ =	shalt  }
0x44: {  	_ =	shalt  }
0x45: {  	_ =	shalt  }
0x46: {  	_ =	shalt  }
0x47: {  	_ =	shalt  }
0x48: {  	_ =	shalt  }
0x49: {  	_ =	shalt  }
0x4a: {  	_ =	shalt  }
0x4b: {  	_ =	shalt  }
0x4c: {  	_ =	shalt  }
0x4d: {  	_ =	shalt  }
0x4e: {  	_ =	shalt  }
0x4f: {  	_ =	shalt  }
0x50: {  	_ =	shalt  }
0x51: {  	_ =	shalt  }
0x52: {  	_ =	shalt  }
0x53: {  	_ =	shalt  }
0x54: {  	_ =	shalt  }
0x55: {  	_ =	shalt  }
0x56: {  	_ =	shalt  }
0x57: {  	_ =	shalt  }
0x58: {  	_ =	shalt  }
0x59: {  	_ =	shalt  }
0x5a: {  	_ =	shalt  }
0x5b: {  	_ =	shalt  }
0x5c: {  	_ =	shalt  }
0x5d: {  	_ =	shalt  }
0x5e: {  	_ =	shalt  }
0x5f: {  	_ =	shalt  }
0x60: {  	_ =	shalt  }
0x61: {  	_ =	shalt  }
0x62: {  	_ =	shalt  }
0x63: {  	_ =	shalt  }
0x64: {  	_ =	shalt  }
0x65: {  	_ =	shalt  }
0x66: {  	_ =	shalt  }
0x67: {  	_ =	shalt  }
0x68: {  	_ =	shalt  }
0x69: {  	_ =	shalt  }
0x6a: {  	_ =	shalt  }
0x6b: {  	_ =	shalt  }
0x6c: {  	_ =	shalt  }
0x6d: {  	_ =	shalt  }
0x6e: {  	_ =	shalt  }
0x6f: {  	_ =	shalt  }
0x70: {  	_ =	shalt  }
0x71: {  	_ =	shalt  }
0x72: {  	_ =	shalt  }
0x73: {  	_ =	shalt  }
0x74: {  	_ =	shalt  }
0x75: {  	_ =	shalt  }
0x76: {  	_ =	shalt  }
0x77: {  	_ =	shalt  }
0x78: {  	_ =	shalt  }
0x79: {  	_ =	shalt  }
0x7a: {  	_ =	shalt  }
0x7b: {  	_ =	shalt  }
0x7c: {  	_ =	shalt  }
0x7d: {  	_ =	shalt  }
0x7e: {  	_ =	shalt  }
0x7f: {  	_ =	shalt  }
0x80: {  	_ =	shalt  }
0x81: {  	_ =	shalt  }
0x82: {  	_ =	shalt  }
0x83: {  	_ =	shalt  }
0x84: {  	_ =	shalt  }
0x85: {  	_ =	shalt  }
0x86: {  	_ =	shalt  }
0x87: {  	_ =	shalt  }
.Lfunc_end0:
.L_simem_size_0:
called_computation.1_lowered:
.L_overlay_start_0:
0x88: {  	s2 =	sld [smem:$0x3FD9]  }
0x89: {  	s3 =	sld [smem:$0x3FFE];
	_ =	sdelay $0x1  }
0x8a: {  	s1 =	srdreg.scid  }
0x8b: {  	s0 =	sand.u32 $0x1, s1  }
0x8c: {  	s14 =	sshll.u32 s0, $0xA;
	s2 =	sadd.s32 s3, s2  }
0x8d: {  	s2 =	sadd.s32 s2, s14  }
0x8e: {  	[smem:$0x3FC5] =	sst s2  }
0x8f: {  	_ = 	snop  }
0x90: {  	s2 =	sld [smem:$0x3FD0];
	_ =	sdelay $0x2  }
0x91: {  	s4 =	simm.s32 $0xA;
	s5 =	simm.s32 $0x10;
	s15 =	sld [smem:$0x3FC7]  }
0x92: {  	[smem:s5], [sflag:s4] =	dma.local [hbm:s2], $0x1  }
0x93: {  	_ =	swait.eq [sflag:s4], $0x1  }
0x94: {  	[sflag:s4] =	ssyncset.done $0x0  }
0x95: {  	[sflag:s4] =	ssyncadd.s32 $0xFFFFFFFF  }
0x96: {  	s16 =	sld [smem:$0x10];
	(tm) =	ssettm $0x1  }
0x97: {  	s17 =	sld [smem:$0x3FFB];
	_ =	sdelay $0x3  }
0x98: {  	_ =	strace s17  }
0x99: {  	s4 =	sld [smem:$0x3FFC];
	_ =	sdelay $0x3  }
0x9a: {  	_ =	strace s4  }
0x9b: {  	s4 =	sld [smem:$0x3FFD];
	_ =	sdelay $0x3  }
0x9c: {  	_ =	strace s4  }
0x9d: {  	_ =	strace $0x8FFFFFFF  }
0x9e: {  	s18 =	sld [smem:$0x3FDB];
	_ =	sdelay $0x1  }
0x9f: {  	s19 =	simm.s32 $_scs_section_size  }
0xa0: {  	s6 =	simm.s32 $_size__tile_overlayer_lowered;
	s7 =	simm.s32 $_tile_overlayer_lowered  }
0xa1: {  	s22 =	simm.s32 $0x1BFF;
	s21 =	sshll.u32 s7, $0x1;
	s4 =	sadd.s32 s19, s18  }
0xa2: {  	s8 =	simm.s32 $0x0;
	s20 =	sshll.u32 s6, $0x1;
	s6 =	sadd.s32 s21, s4  }
0xa3: {  	[timem:s8], [sflag:s22] =	dma.local [hbm:s6], s20  }
0xa4: {  	_ =	swait.ge [sflag:s22], s20  }
0xa5: {  	s5 =	ssub.s32 $0x0, s20;
	[sflag:s22] =	ssyncset.done $0x0  }
0xa6: {  	[sflag:s22] =	ssyncadd.s32 s5;
	_ =	sdelay $0x1  }
0xa7: {  	s23 =	simm.s32 $0x1B8B  }
0xa8: {  	_ =	swait.ge [sflag:s23], $0x1  }
0xa9: {  	[sflag:s23] =	ssyncset.done $0x0  }
0xaa: {  	s25 =	simm.s32 $0x1B8E;
	s24 =	sld [smem:$0x3FFE];
	[sflag:s23] =	ssyncadd.s32 $0xFFFFFFFF  }
0xab: {  	s26 =	simm.s32 $execute0_lowered;
	[smem:$0x3FD2] =	sst s25  }
0xac: {  	s6 =	sshll.u32 s26, $0x1;
	_ =	strace $0x80000049;
	[dreg:$0x1] =	wrdreg $0xFFFFFFFF  }
0xad: {  	s28 =	simm.s32 $_size_execute0_lowered;
	s4 =	sadd.s32 s4, s6;
	[dreg:$0x0] =	wrdreg $0x0  }
0xae: {  	s6 =	sshll.u32 s28, $0x1;
	[dreg:$0x2] =	wrdreg s4  }
0xaf: {  	[dreg:$0x3] =	wrdreg s6  }
0xb0: {  	[dreg:$0x4] =	wrdreg $0xC0  }
0xb1: {  	_ =	task [dreg:s8], $0x5FFFF  }
0xb2: {  	[dreg:$0x1] =	wrdreg $0xFFFFFFFF  }
0xb3: {  	[dreg:$0x0] =	wrdreg $0x60  }
0xb4: {  	[dreg:$0x2] =	wrdreg s15  }
0xb5: {  	[dreg:$0x3] =	wrdreg s24  }
0xb6: {  	[dreg:$0x4] =	wrdreg s16  }
0xb7: {  	[dreg:$0x5] =	wrdreg $0x9  }
0xb8: {  	_ =	task.clear_ibuf [dreg:s8], $0x6FFFF;
	_ =	strace $0x90000049  }
0xb9: {  	s29 =	simm.s32 $0x9;
	_ =	strace $0x8000004B  }
0xba: {  	_ =	swait.ge [sflag:s29], $0x1  }
0xbb: {  	[sflag:s29] =	ssyncadd.s32 $0xFFFFFFFF  }
0xbc: {  	_ =	strace $0x9000004B  }
0xbd: {  	_ =	sfence  }
0xbe: {  	s30 =	sld [smem:$0x0];
	_ =	sdelay $0x2  }
0xbf: {  	s31 =	sshll.u32 s1, $0xD;
	s1 =	sshrl.u32 s1, $0x2  }
0xc0: {  	s3 =	sand.u32 $0x4000, s31;
	s1 =	sadd.s32 s1, s30  }
0xc1: {  	s0 =	sor.u32 s3, s0;
	s1 =	sshll.u32 s1, $0x11  }
0xc2: {  	s0 =	sor.u32 s1, s0  }
0xc3: {  	s0 =	sadd.s32 $0x8F2B, s0  }
0xc4: {  	[sflag:s0] =	ssyncadd.remote.s32 $0x1  }
0xc5: {  	_ =	sfence.sel $0xFFFF  }
0xc6: {  	[dreg:$0x0] =	wrdreg $0xFFFFFFFF;
	(pc) =	sbr.abs _section_cstart, $3  }
0xc7: {  	[dreg:$0x1] =	wrdreg $0xFFFFFFFF  }
0xc8: {  	_ =	task.clear_ibuf [dreg:s8], $0x2FFFF;
	_ =	strace $0x9FFFFFFF  }
0xc9: {  	(tm) =	ssettm $0x7FFFFFFF  }
tec
execute0_lowered:
.L_overlay_start_1:
0x0: {  	(tag) =	ssettag $0x1  }
0x1: {  	s1 =	rddreg [dreg:$0x0]  }
0x2: {  	s0 =	rddreg [dreg:$0x1]  }
0x3: {  	s15 =	rddreg [dreg:$0x2]  }
0x4: {  	s2 =	srdreg.scid;
	s3 =	stileid.u32  }
0x5: {  	s4 =	simm.s32 $0x0;
	s21 =	simm.s32 $0x4100;
	s31 =	simm.s32 $0x10200  }
0x6: {  	s19 =	simm.s32 $0x14200;
	s28 =	simm.s32 $0x18200;
	s30 =	simm.s32 $0x6  }
0x7: {  	s20 =	simm.s32 $0x0;
	s2 =	sand.u32 $0x1, s2;
	s3 =	sshll.u32 s3, $0x1  }
0x8: {  	[smem:$0x7FF] =	sst s4;
	s5 =	sadd.s32 $0x1400, s0;
	s9 =	sadd.s32 $0x800, s1  }
0x9: {  	s10 =	sadd.s32 $0xC00, s1;
	s11 =	sadd.s32 $0x1000, s1;
	s12 =	sadd.s32 $0x1400, s1  }
0xa: {  	s13 =	sadd.s32 $0x1800, s1;
	s14 =	sadd.s32 $0x1C00, s1;
	s16 =	sadd.s32 $0x20, s15  }
0xb: {  	s17 =	sadd.s32 $0x40, s15;
	s18 =	sadd.s32 $0x60, s15;
	s15 =	simm.s32 $0xA  }
0xc: {  	s3 =	sor.u32 s2, s3;
	_ =	strace $0x8000004A;
	[dreg:$0x4] =	wrdreg s5  }
0xd: {  	s2 =	ssub.s32 $0x2, s2;
	s24 =	sshll.u32 s3, $0xB;
	s6 =	sshll.u32 s3, $0xC  }
0xe: {  	s7 =	sshll.u32 s3, $0x5;
	s8 =	sshrl.u32 s2, $0x1;
	s3 =	sshll.u32 s3, $0x12  }
0xf: {  	s5 =	sadd.s32 s24, s0;
	s6 =	sadd.s32 s6, s0;
	s0 =	sadd.s32 s7, s0  }
0x10: {  	s2 =	ssub.s32 s2, s8;
	[dreg:$0x7] =	wrdreg s3;
	s5 =	sadd.s32 $0x801400, s5  }
0x11: {  	s8 =	sadd.s32 $0x400, s1;
	s25 =	sadd.s32 $0x811400, s0;
	[dreg:$0x5] =	wrdreg s5  }
.Ltmp0:
0x12: {  	s26 =	sadd.s32 $0x811800, s6;
	[dreg:$0x6] =	wrdreg s25;
	(pc) =	sbr.rel .LBB2_1-.Ltmp0, $4  }
0x13: {  	s7 =	simm.s32 $0x400;
	s0 =	sadd.s32 $0x831800, s0;
	[dreg:$0x8] =	wrdreg s26  }
0x14: {  	v0 =	vlaneseq.u32;
	s3 =	simm.s32 $0x3;
	s29 =	smax.u32 s2, $0x1;
	[dreg:$0x9] =	wrdreg s0  }
0x15: {  	v1 =	vshrl.u32 v0, $0x1;
	s6 =	simm.s32 $0x100;
	s2 =	simm.s32 $0x4;
	[dreg:$0xa] =	wrdreg s29  }
0x16: {  	vm0 =	vmmov $0xffff;
	v0 =	vand.u32 $0x1, v0;
	v1 =	vmul.u32 $0x8, v1;
	s25 =	simm.s32 $0x1;
	s26 =	simm.s32 $0x2;
	s0 =	simm.s32 $0x5  }
.LBB2_20:
0x17: {  	s5 =	simm.s32 $0x7  }
0x18: {  	_ =	swait.ge [sflag:s5], $0x4000  }
0x19: {  	[sflag:s5] =	ssyncset.done $0x0  }
0x1a: {  	s21 =	simm.s32 $0x8;
	[sflag:s5] =	ssyncadd.s32 $0xFFFFC000  }
0x1b: {  	_ =	swait.ge [sflag:s21], $0x4000  }
0x1c: {  	[sflag:s21] =	ssyncset.done $0x0  }
0x1d: {  	s22 =	simm.s32 $0x9;
	[sflag:s21] =	ssyncadd.s32 $0xFFFFC000  }
0x1e: {  	_ =	swait.ge [sflag:s22], $0x80  }
0x1f: {  	[sflag:s22] =	ssyncset.done $0x0  }
0x20: {  	[sflag:s22] =	ssyncadd.s32 $0xFFFFFF80  }
0x21: {  	_ =	swait.ge [sflag:s22], $0x80  }
0x22: {  	[sflag:s22] =	ssyncset.done $0x0  }
0x23: {  	s15 =	simm.s32 $0x4200;
	s23 =	rddreg [dreg:$0x8];
	[sflag:s22] =	ssyncadd.s32 $0xFFFFFF80  }
0x24: {  	[hbm4b:s23+s4] =	stream.linear.scatter [tilespmem:s15], [sflag:$0xA], $0x8000, $0x38;
	[tilespmem:$0x1C200] =	vst v63  }
0x25: {  	s15 =	simm.s32 $0xA  }
0x26: {  	_ =	swait.ge [sflag:s15], $0x8000  }
0x27: {  	[sflag:s15] =	ssyncset.done $0x0  }
0x28: {  	s21 =	simm.s32 $0x4100;
	s24 =	rddreg [dreg:$0x9];
	[sflag:s15] =	ssyncadd.s32 $0xFFFF8000  }
0x29: {  	[hbm4b:s24+s4] =	stream.linear.scatter [tilespmem:s21], [sflag:$0xA], $0x100, $0x38;
	[tilespmem:$0x1C200] =	vst v63  }
0x2a: {  	_ =	swait.ge [sflag:s15], $0x100  }
0x2b: {  	s20 =	rddreg [dreg:$0xb]  }
0x2c: {  	s29 =	rddreg [dreg:$0xa];
	s20 =	sadd.s32 $0x1, s20  }
0x2d: {  	p0 =	sne.s32 s20, s29  }
.Ltmp1:
0x2e: {  	_ = 	snop;
	(pc) =	sbr.rel @!p0 .LBB2_21-.Ltmp1, $3  }
0x2f: {  	_ =	sdelay $0x1  }
0x30: {  	[sflag:s15] =	ssyncset.done $0x0  }
0x31: {  	[sflag:s15] =	ssyncadd.s32 $0xFFFFFF00  }
.LBB2_1:
0x32: {  	[dreg:$0xb] =	wrdreg s20  }
0x33: {  	s5 =	rddreg [dreg:$0x5]  }
0x34: {  	[tilespmem:s4], [sflag:$0xA] =	stream.linear.gather [hbm4b:s5+s4], $0x4000, $0x38;
	[tilespmem:$0x1C200] =	vst v63  }
0x35: {  	_ =	swait.ge [sflag:s15], $0x4000  }
0x36: {  	[sflag:s15] =	ssyncset.done $0x0  }
0x37: {  	s29 =	simm.s32 $0x4000;
	s24 =	rddreg [dreg:$0x6];
	[sflag:s15] =	ssyncadd.s32 $0xFFFFC000  }
0x38: {  	[tilespmem:s29], [sflag:$0xA] =	stream.linear.gather [hbm4b:s24+s4], $0x100, $0x38;
	[tilespmem:$0x1C200] =	vst v63  }
0x39: {  	_ =	swait.ge [sflag:s15], $0x100  }
0x3a: {  	[sflag:s15] =	ssyncset.done $0x0  }
0x3b: {  	s22 =	simm.s32 $0x80;
	[sflag:s15] =	ssyncadd.s32 $0xFFFFFF00;
	s15 =	rddreg [dreg:$0x4]  }
0x3c: {  	[tilespmem:s21], [sflag:$0x9] =	stream.indirect.gather [hbm4b:s15+s22], $0x1, s29, s22, $0xb8;
	[tilespmem:$0x1C200] =	vst v63  }
0x3d: {  	s23 =	simm.s32 $0x4080;
	s24 =	simm.s32 $0x4180  }
0x3e: {  	[tilespmem:s24], [sflag:$0x9] =	stream.indirect.gather [hbm4b:s15+s22], $0x1, s23, s22, $0xb8;
	[tilespmem:$0x1C200] =	vst v63  }
0x3f: {  	v2 =	vld.msk [tilespmem:$0x0], $0x3;
	_ =	sdelay $0x4  }
0x40: {  	v3 =	vshll.u32 v2, $0x6  }
0x41: {  	v2 =	vand.u32 $0x7, v2;
	v3 =	vand.u32 $0xFFFFFE00, v3  }
0x42: {  	v2 =	vor.u32 v2, v3  }
0x43: {  	v2 =	vperm.xlane v2, v0;
	_ =	sdelay $0x1  }
0x44: {  	v2 =	vadd.s32 v1, v2;
	_ =	sdelay $0x3  }
0x45: {  	s29 =	simm.s32 $0xC200  }
0x46: {  	[tilespmem:s29], [sflag:$0x1] =	stream.indirect_vreg.gather [hbm4b:s1+s4], $0x80, v2, vm0, $0xb8;
	[tilespmem:$0x1C200] =	vst v63  }
0x47: {  	s15 =	simm.s32 $0xCA00  }
0x48: {  	[tilespmem:s15], [sflag:$0x1] =	stream.indirect_vreg.gather [hbm4b:s8+s4], $0x80, v2, vm0, $0xb8;
	[tilespmem:$0x1C200] =	vst v63  }
0x49: {  	s20 =	simm.s32 $0xD200  }
0x4a: {  	[tilespmem:s20], [sflag:$0x1] =	stream.indirect_vreg.gather [hbm4b:s9+s4], $0x80, v2, vm0, $0xb8;
	[tilespmem:$0x1C200] =	vst v63  }
0x4b: {  	s21 =	simm.s32 $0xDA00  }
0x4c: {  	[tilespmem:s21], [sflag:$0x1] =	stream.indirect_vreg.gather [hbm4b:s10+s4], $0x80, v2, vm0, $0xb8;
	[tilespmem:$0x1C200] =	vst v63  }
0x4d: {  	s22 =	simm.s32 $0xE200  }
0x4e: {  	[tilespmem:s22], [sflag:$0x1] =	stream.indirect_vreg.gather [hbm4b:s11+s4], $0x80, v2, vm0, $0xb8;
	[tilespmem:$0x1C200] =	vst v63  }
0x4f: {  	s23 =	simm.s32 $0xEA00  }
0x50: {  	[tilespmem:s23], [sflag:$0x1] =	stream.indirect_vreg.gather [hbm4b:s12+s4], $0x80, v2, vm0, $0xb8;
	[tilespmem:$0x1C200] =	vst v63  }
0x51: {  	s24 =	simm.s32 $0xF200  }
0x52: {  	[tilespmem:s24], [sflag:$0x1] =	stream.indirect_vreg.gather [hbm4b:s13+s4], $0x80, v2, vm0, $0xb8;
	[tilespmem:$0x1C200] =	vst v63  }
0x53: {  	s29 =	simm.s32 $0xFA00  }
0x54: {  	[tilespmem:s29], [sflag:$0x1] =	stream.indirect_vreg.gather [hbm4b:s14+s4], $0x80, v2, vm0, $0xb8;
	[tilespmem:$0x1C200] =	vst v63  }
0x55: {  	v2 =	vld.msk [tilespmem:$0x80], $0x3;
	_ =	sdelay $0x4  }
0x56: {  	v3 =	vshll.u32 v2, $0x6  }
0x57: {  	v2 =	vand.u32 $0x7, v2;
	v3 =	vand.u32 $0xFFFFFE00, v3  }
0x58: {  	v2 =	vor.u32 v2, v3  }
0x59: {  	v2 =	vperm.xlane v2, v0;
	_ =	sdelay $0x1  }
0x5a: {  	v2 =	vadd.s32 v1, v2;
	_ =	sdelay $0x4  }
0x5b: {  	[tilespmem:s31], [sflag:$0x2] =	stream.indirect_vreg.gather [hbm4b:s1+s4], $0x80, v2, vm0, $0xb8;
	[tilespmem:$0x1C200] =	vst v63  }
0x5c: {  	s15 =	simm.s32 $0x10A00  }
0x5d: {  	[tilespmem:s15], [sflag:$0x2] =	stream.indirect_vreg.gather [hbm4b:s8+s4], $0x80, v2, vm0, $0xb8;
	[tilespmem:$0x1C200] =	vst v63  }
0x5e: {  	s20 =	simm.s32 $0x11200  }
0x5f: {  	[tilespmem:s20], [sflag:$0x2] =	stream.indirect_vreg.gather [hbm4b:s9+s4], $0x80, v2, vm0, $0xb8;
	[tilespmem:$0x1C200] =	vst v63  }
0x60: {  	s21 =	simm.s32 $0x11A00  }
0x61: {  	[tilespmem:s21], [sflag:$0x2] =	stream.indirect_vreg.gather [hbm4b:s10+s4], $0x80, v2, vm0, $0xb8;
	[tilespmem:$0x1C200] =	vst v63  }
0x62: {  	s22 =	simm.s32 $0x12200  }
0x63: {  	[tilespmem:s22], [sflag:$0x2] =	stream.indirect_vreg.gather [hbm4b:s11+s4], $0x80, v2, vm0, $0xb8;
	[tilespmem:$0x1C200] =	vst v63  }
0x64: {  	s23 =	simm.s32 $0x12A00  }
0x65: {  	[tilespmem:s23], [sflag:$0x2] =	stream.indirect_vreg.gather [hbm4b:s12+s4], $0x80, v2, vm0, $0xb8;
	[tilespmem:$0x1C200] =	vst v63  }
0x66: {  	s24 =	simm.s32 $0x13200  }
0x67: {  	[tilespmem:s24], [sflag:$0x2] =	stream.indirect_vreg.gather [hbm4b:s13+s4], $0x80, v2, vm0, $0xb8;
	[tilespmem:$0x1C200] =	vst v63  }
0x68: {  	s29 =	simm.s32 $0x13A00;
	s23 =	simm.s32 $0x0  }
0x69: {  	[tilespmem:s29], [sflag:$0x2] =	stream.indirect_vreg.gather [hbm4b:s14+s4], $0x80, v2, vm0, $0xb8;
	[tilespmem:$0x1C200] =	vst v63  }
.LBB2_2:
0x6a: {  	_ =	swait.ge [sflag:s25], $0x4000  }
0x6b: {  	[sflag:s25] =	ssyncset.done $0x0  }
0x6c: {  	s5 =	simm.s32 $0x0;
	[sflag:s25] =	ssyncadd.s32 $0xFFFFC000  }
0x6d: {  	v2 =	vld [tilespmem:s5+$0xC270]  }
0x6e: {  	v3 =	vld [tilespmem:s5+$0xC200]  }
0x6f: {  	v4 =	vld [tilespmem:s5+$0xC210]  }
0x70: {  	v5 =	vld [tilespmem:s5+$0xC220]  }
0x71: {  	v6 =	vld [tilespmem:s5+$0xC230]  }
0x72: {  	v7 =	vld [tilespmem:s5+$0xC240]  }
0x73: {  	v8 =	vld [tilespmem:s5+$0xC250];
	v2 =	vmul.f32 $1.442695020e+00, v2  }
0x74: {  	s20 =	simm.s32 $0x100;
	v9 =	vld [tilespmem:s5+$0xC260];
	v3 =	vmul.f32 $1.442695020e+00, v3;
	v4 =	vmul.f32 $1.442695020e+00, v4  }
0x75: {  	v5 =	vmul.f32 $1.442695020e+00, v5;
	(erf) = vpow2.f32 v2;
	v2 =	vld [tilespmem:s20+$0xC270]  }
0x76: {  	v6 =	vmul.f32 $1.442695020e+00, v6;
	(erf) = vpow2.f32 v3;
	v3 =	vld [tilespmem:s20+$0xC200]  }
0x77: {  	v7 =	vmul.f32 $1.442695020e+00, v7;
	(erf) = vpow2.f32 v4;
	v4 =	vld [tilespmem:s20+$0xC210]  }
0x78: {  	v8 =	vmul.f32 $1.442695020e+00, v8;
	(erf) = vpow2.f32 v5;
	v5 =	vld [tilespmem:s20+$0xC220]  }
0x79: {  	v9 =	vmul.f32 $1.442695020e+00, v9;
	(erf) = vpow2.f32 v6  }
0x7a: {  	v6 =	vld [tilespmem:s20+$0xC230];
	(erf) = vpow2.f32 v7;
	v2 =	vmul.f32 $1.442695020e+00, v2  }
0x7b: {  	v7 =	vld [tilespmem:s20+$0xC240];
	(erf) = vpow2.f32 v8;
	v8 =	vmul.f32 $1.442695020e+00, v3  }
0x7c: {  	v11 =	vld [tilespmem:s20+$0xC250];
	(erf) = vpow2.f32 v9;
	v4 =	vmul.f32 $1.442695020e+00, v4  }
0x7d: {  	s21 =	simm.s32 $0x200;
	v9 =	vld [tilespmem:s20+$0xC260];
	(erf) = vpow2.f32 v2;
	v5 =	vmul.f32 $1.442695020e+00, v5  }
0x7e: {  	v13 =	vld [tilespmem:s21+$0xC270];
	(erf) = vpow2.f32 v8  }
0x7f: {  	v2 =	vpop (erf);
	v6 =	vmul.f32 $1.442695020e+00, v6;
	(erf) = vpow2.f32 v4  }
0x80: {  	v8 =	vld [tilespmem:s21+$0xC200];
	v12 =	vmul.f32 $1.442695020e+00, v7;
	v4 =	vpop (erf);
	(erf) = vpow2.f32 v5  }
0x81: {  	v14 =	vld [tilespmem:s21+$0xC210];
	v15 =	vmul.f32 $1.442695020e+00, v11;
	v3 =	vimm.f32 $0.0e+00;
	v5 =	vpop (erf);
	(erf) = vpow2.f32 v6  }
0x82: {  	v10 =	vld [tilespmem:s21+$0xC220];
	v17 =	vmul.f32 $1.442695020e+00, v9;
	v7 =	vadd.f32 v5, v3;
	v5 =	vpop (erf);
	(erf) = vpow2.f32 v12  }
0x83: {  	v11 =	vld [tilespmem:s21+$0xC230];
	v18 =	vmul.f32 $1.442695020e+00, v13;
	v9 =	vadd.f32 v5, v3;
	v5 =	vpop (erf);
	(erf) = vpow2.f32 v15  }
0x84: {  	v2 =	vadd.f32 v2, v3;
	v12 =	vld [tilespmem:s21+$0xC240];
	v6 =	vadd.f32 v5, v3;
	v5 =	vpop (erf);
	(erf) = vpow2.f32 v17  }
0x85: {  	v13 =	vld [tilespmem:s21+$0xC250];
	v4 =	vadd.f32 v4, v3;
	v16 =	vmul.f32 $1.442695020e+00, v8;
	v8 =	vpop (erf);
	(erf) = vpow2.f32 v18  }
0x86: {  	s5 =	simm.s32 $0x300;
	s20 =	simm.s32 $0x1000;
	v15 =	vld [tilespmem:s21+$0xC260];
	v17 =	vmul.f32 $1.442695020e+00, v14;
	v5 =	vadd.f32 v5, v3;
	v8 =	vadd.f32 v8, v3;
	v14 =	vpop (erf)  }
.LBB2_3:
0x87: {  	p0 =	sne.s32 s20, $0xFC00;
	v18 =	vld [tilespmem:s5+$0xC270];
	v10 =	vmul.f32 $1.442695020e+00, v10;
	(erf) = vpow2.f32 v16;
	v16 =	vpop (erf);
	v3 =	vadd.f32 v14, v3  }
0x88: {  	v14 =	vld [tilespmem:s5+$0xC200];
	v11 =	vmul.f32 $1.442695020e+00, v11;
	(erf) = vpow2.f32 v17;
	v2 =	vadd.f32 v16, v2;
	v16 =	vpop (erf)  }
0x89: {  	v17 =	vld [tilespmem:s5+$0xC210];
	v12 =	vmul.f32 $1.442695020e+00, v12;
	(erf) = vpow2.f32 v10;
	v4 =	vadd.f32 v16, v4;
	v16 =	vpop (erf)  }
.Ltmp2:
0x8a: {  	v10 =	vld [tilespmem:s5+$0xC220];
	v13 =	vmul.f32 $1.442695020e+00, v13;
	(erf) = vpow2.f32 v11;
	v7 =	vadd.f32 v16, v7;
	v16 =	vpop (erf);
	(pc) =	sbr.rel @p0 .LBB2_3-.Ltmp2, $4  }
0x8b: {  	v11 =	vld [tilespmem:s5+$0xC230];
	v15 =	vmul.f32 $1.442695020e+00, v15;
	(erf) = vpow2.f32 v12;
	v9 =	vadd.f32 v16, v9;
	v16 =	vpop (erf)  }
0x8c: {  	v12 =	vld [tilespmem:s5+$0xC240];
	v18 =	vmul.f32 $1.442695020e+00, v18;
	(erf) = vpow2.f32 v13;
	v6 =	vadd.f32 v16, v6;
	v19 =	vpop (erf)  }
0x8d: {  	v16 =	vmul.f32 $1.442695020e+00, v14;
	v13 =	vld [tilespmem:s5+$0xC250];
	(erf) = vpow2.f32 v15;
	v5 =	vadd.f32 v19, v5;
	v14 =	vpop (erf)  }
0x8e: {  	v17 =	vmul.f32 $1.442695020e+00, v17;
	v15 =	vld [tilespmem:s5+$0xC260];
	s5 =	sshra.s32 s20, $0x2;
	s20 =	sadd.s32 $0x400, s20;
	(erf) = vpow2.f32 v18;
	v8 =	vadd.f32 v14, v8;
	v14 =	vpop (erf)  }
0x8f: {  	v18 =	vld [tilespmem:s5+$0xC270];
	v10 =	vmul.f32 $1.442695020e+00, v10  }
0x90: {  	v19 =	vld [tilespmem:s5+$0xC200];
	v11 =	vmul.f32 $1.442695020e+00, v11  }
0x91: {  	(erf) = vpow2.f32 v16;
	v16 =	vpop (erf);
	v12 =	vmul.f32 $1.442695020e+00, v12  }
0x92: {  	(erf) = vpow2.f32 v17;
	v17 =	vpop (erf);
	v13 =	vmul.f32 $1.442695020e+00, v13  }
0x93: {  	v20 =	vld [tilespmem:s5+$0xC210];
	(erf) = vpow2.f32 v10;
	v10 =	vpop (erf);
	v15 =	vmul.f32 $1.442695020e+00, v15  }
0x94: {  	v21 =	vld [tilespmem:s5+$0xC220];
	(erf) = vpow2.f32 v11;
	v11 =	vpop (erf);
	v18 =	vmul.f32 $1.442695020e+00, v18  }
0x95: {  	(erf) = vpow2.f32 v12;
	v19 =	vmul.f32 $1.442695020e+00, v19;
	v12 =	vpop (erf)  }
0x96: {  	v22 =	vld [tilespmem:s5+$0xC230];
	(erf) = vpow2.f32 v13;
	v13 =	vpop (erf)  }
0x97: {  	(erf) = vpow2.f32 v15;
	v15 =	vpop (erf)  }
0x98: {  	v23 =	vld [tilespmem:s5+$0xC240];
	v20 =	vmul.f32 $1.442695020e+00, v20;
	(erf) = vpow2.f32 v18;
	v18 =	vpop (erf)  }
0x99: {  	v24 =	vld [tilespmem:s5+$0xC250];
	v21 =	vmul.f32 $1.442695020e+00, v21;
	(erf) = vpow2.f32 v19;
	v19 =	vpop (erf)  }
0x9a: {  	(erf) = vpow2.f32 v20;
	v60 =	vpop (erf)  }
0x9b: {  	v22 =	vmul.f32 $1.442695020e+00, v22;
	v25 =	vpop (erf);
	(erf) = vpow2.f32 v21  }
0x9c: {  	v26 =	vld [tilespmem:s5+$0xC260];
	v61 =	vpop (erf)  }
0x9d: {  	v23 =	vmul.f32 $1.442695020e+00, v23;
	v27 =	vpop (erf);
	(erf) = vpow2.f32 v22  }
0x9e: {  	v7 =	vadd.f32 v10, v7;
	v10 =	vmul.f32 $1.442695020e+00, v24;
	v62 =	vpop (erf)  }
0x9f: {  	v3 =	vadd.f32 v14, v3;
	v14 =	vpop (erf);
	(erf) = vpow2.f32 v23  }
0xa0: {  	v4 =	vadd.f32 v17, v4;
	v17 =	vpop (erf)  }
0xa1: {  	v63 =	vmul.f32 $1.442695020e+00, v26;
	v9 =	vadd.f32 v11, v9;
	v6 =	vadd.f32 v12, v6;
	v11 =	vpop (erf)  }
0xa2: {  	v4 =	vadd.f32 v60, v4;
	v7 =	vadd.f32 v25, v7;
	(erf) = vpow2.f32 v10;
	v10 =	vpop (erf)  }
0xa3: {  	v5 =	vadd.f32 v13, v5;
	v9 =	vadd.f32 v61, v9;
	v12 =	vpop (erf)  }
0xa4: {  	(erf) = vpow2.f32 v63;
	v4 =	vadd.f32 v10, v4;
	v7 =	vadd.f32 v12, v7;
	v10 =	vpop (erf)  }
0xa5: {  	v6 =	vadd.f32 v27, v6;
	v9 =	vadd.f32 v10, v9  }
0xa6: {  	v4 =	vadd.f32 v7, v4;
	v7 =	vadd.f32 v15, v8;
	v8 =	vpop (erf)  }
0xa7: {  	v5 =	vadd.f32 v62, v5;
	v6 =	vadd.f32 v8, v6  }
0xa8: {  	v4 =	vadd.f32 v9, v4;
	v8 =	vpop (erf)  }
0xa9: {  	v3 =	vadd.f32 v18, v3;
	v5 =	vadd.f32 v8, v5  }
0xaa: {  	v7 =	vadd.f32 v14, v7;
	v4 =	vadd.f32 v6, v4  }
0xab: {  	v2 =	vadd.f32 v16, v2;
	v3 =	vadd.f32 v17, v3;
	v6 =	vpop (erf)  }
0xac: {  	v6 =	vadd.f32 v6, v7;
	v4 =	vadd.f32 v5, v4  }
0xad: {  	v2 =	vadd.f32 v19, v2;
	v5 =	vpop (erf)  }
0xae: {  	v3 =	vadd.f32 v5, v3;
	v4 =	vadd.f32 v6, v4;
	_ =	sdelay $0x1  }
0xaf: {  	v2 =	vadd.f32 v11, v2;
	v3 =	vadd.f32 v3, v4;
	_ =	sdelay $0x1  }
0xb0: {  	s24 =	sshll.u32 s23, $0xA;
	v2 =	vadd.f32 v2, v3  }
0xb1: {  	s20 =	sand.u32 $0x3FFFFC00, s24  }
0xb2: {  	s29 =	simm.s32 $0x0;
	[tilespmem:s20+$0x4200] =	vst v2  }
0xb3: {  	v2 =	vld [tilespmem:s29+$0xC2F0]  }
0xb4: {  	v3 =	vld [tilespmem:s29+$0xC280]  }
0xb5: {  	v4 =	vld [tilespmem:s29+$0xC290]  }
0xb6: {  	v5 =	vld [tilespmem:s29+$0xC2A0]  }
0xb7: {  	v6 =	vld [tilespmem:s29+$0xC2B0]  }
0xb8: {  	v7 =	vld [tilespmem:s29+$0xC2C0]  }
0xb9: {  	v8 =	vld [tilespmem:s29+$0xC2D0];
	v2 =	vmul.f32 $1.442695020e+00, v2  }
0xba: {  	s21 =	simm.s32 $0x100;
	v9 =	vld [tilespmem:s29+$0xC2E0];
	v3 =	vmul.f32 $1.442695020e+00, v3;
	v4 =	vmul.f32 $1.442695020e+00, v4  }
0xbb: {  	v5 =	vmul.f32 $1.442695020e+00, v5;
	(erf) = vpow2.f32 v2;
	v2 =	vld [tilespmem:s21+$0xC2F0]  }
0xbc: {  	v6 =	vmul.f32 $1.442695020e+00, v6;
	(erf) = vpow2.f32 v3;
	v3 =	vld [tilespmem:s21+$0xC280]  }
0xbd: {  	v7 =	vmul.f32 $1.442695020e+00, v7;
	(erf) = vpow2.f32 v4;
	v4 =	vld [tilespmem:s21+$0xC290]  }
0xbe: {  	v8 =	vmul.f32 $1.442695020e+00, v8;
	(erf) = vpow2.f32 v5;
	v5 =	vld [tilespmem:s21+$0xC2A0]  }
0xbf: {  	v9 =	vmul.f32 $1.442695020e+00, v9;
	(erf) = vpow2.f32 v6  }
0xc0: {  	v6 =	vld [tilespmem:s21+$0xC2B0];
	(erf) = vpow2.f32 v7;
	v2 =	vmul.f32 $1.442695020e+00, v2  }
0xc1: {  	v7 =	vld [tilespmem:s21+$0xC2C0];
	(erf) = vpow2.f32 v8;
	v8 =	vmul.f32 $1.442695020e+00, v3  }
0xc2: {  	v11 =	vld [tilespmem:s21+$0xC2D0];
	(erf) = vpow2.f32 v9;
	v4 =	vmul.f32 $1.442695020e+00, v4  }
0xc3: {  	s22 =	simm.s32 $0x200;
	v9 =	vld [tilespmem:s21+$0xC2E0];
	(erf) = vpow2.f32 v2;
	v5 =	vmul.f32 $1.442695020e+00, v5  }
0xc4: {  	v13 =	vld [tilespmem:s22+$0xC2F0];
	(erf) = vpow2.f32 v8  }
0xc5: {  	v2 =	vpop (erf);
	v6 =	vmul.f32 $1.442695020e+00, v6;
	(erf) = vpow2.f32 v4  }
0xc6: {  	v8 =	vld [tilespmem:s22+$0xC280];
	v12 =	vmul.f32 $1.442695020e+00, v7;
	v4 =	vpop (erf);
	(erf) = vpow2.f32 v5  }
0xc7: {  	v14 =	vld [tilespmem:s22+$0xC290];
	v15 =	vmul.f32 $1.442695020e+00, v11;
	v3 =	vimm.f32 $0.0e+00;
	v5 =	vpop (erf);
	(erf) = vpow2.f32 v6  }
0xc8: {  	v10 =	vld [tilespmem:s22+$0xC2A0];
	v17 =	vmul.f32 $1.442695020e+00, v9;
	v7 =	vadd.f32 v5, v3;
	v5 =	vpop (erf);
	(erf) = vpow2.f32 v12  }
0xc9: {  	v11 =	vld [tilespmem:s22+$0xC2B0];
	v18 =	vmul.f32 $1.442695020e+00, v13;
	v9 =	vadd.f32 v5, v3;
	v5 =	vpop (erf);
	(erf) = vpow2.f32 v15  }
0xca: {  	v2 =	vadd.f32 v2, v3;
	v12 =	vld [tilespmem:s22+$0xC2C0];
	v6 =	vadd.f32 v5, v3;
	v5 =	vpop (erf);
	(erf) = vpow2.f32 v17  }
0xcb: {  	v13 =	vld [tilespmem:s22+$0xC2D0];
	v4 =	vadd.f32 v4, v3;
	v16 =	vmul.f32 $1.442695020e+00, v8;
	v8 =	vpop (erf);
	(erf) = vpow2.f32 v18  }
0xcc: {  	s5 =	simm.s32 $0x300;
	s21 =	simm.s32 $0x1000;
	v15 =	vld [tilespmem:s22+$0xC2E0];
	v17 =	vmul.f32 $1.442695020e+00, v14;
	v5 =	vadd.f32 v5, v3;
	v8 =	vadd.f32 v8, v3;
	v14 =	vpop (erf)  }
.LBB2_5:
0xcd: {  	p0 =	sne.s32 s21, $0xFC00;
	v18 =	vld [tilespmem:s5+$0xC2F0];
	v10 =	vmul.f32 $1.442695020e+00, v10;
	(erf) = vpow2.f32 v16;
	v16 =	vpop (erf);
	v3 =	vadd.f32 v14, v3  }
0xce: {  	v14 =	vld [tilespmem:s5+$0xC280];
	v11 =	vmul.f32 $1.442695020e+00, v11;
	(erf) = vpow2.f32 v17;
	v2 =	vadd.f32 v16, v2;
	v16 =	vpop (erf)  }
0xcf: {  	v17 =	vld [tilespmem:s5+$0xC290];
	v12 =	vmul.f32 $1.442695020e+00, v12;
	(erf) = vpow2.f32 v10;
	v4 =	vadd.f32 v16, v4;
	v16 =	vpop (erf)  }
.Ltmp3:
0xd0: {  	v10 =	vld [tilespmem:s5+$0xC2A0];
	v13 =	vmul.f32 $1.442695020e+00, v13;
	(erf) = vpow2.f32 v11;
	v7 =	vadd.f32 v16, v7;
	v16 =	vpop (erf);
	(pc) =	sbr.rel @p0 .LBB2_5-.Ltmp3, $4  }
0xd1: {  	v11 =	vld [tilespmem:s5+$0xC2B0];
	v15 =	vmul.f32 $1.442695020e+00, v15;
	(erf) = vpow2.f32 v12;
	v9 =	vadd.f32 v16, v9;
	v16 =	vpop (erf)  }
0xd2: {  	v12 =	vld [tilespmem:s5+$0xC2C0];
	v18 =	vmul.f32 $1.442695020e+00, v18;
	(erf) = vpow2.f32 v13;
	v6 =	vadd.f32 v16, v6;
	v19 =	vpop (erf)  }
0xd3: {  	v16 =	vmul.f32 $1.442695020e+00, v14;
	v13 =	vld [tilespmem:s5+$0xC2D0];
	(erf) = vpow2.f32 v15;
	v5 =	vadd.f32 v19, v5;
	v14 =	vpop (erf)  }
0xd4: {  	v17 =	vmul.f32 $1.442695020e+00, v17;
	v15 =	vld [tilespmem:s5+$0xC2E0];
	s5 =	sshra.s32 s21, $0x2;
	s21 =	sadd.s32 $0x400, s21;
	(erf) = vpow2.f32 v18;
	v8 =	vadd.f32 v14, v8;
	v14 =	vpop (erf)  }
0xd5: {  	v18 =	vld [tilespmem:s5+$0xC2F0];
	v10 =	vmul.f32 $1.442695020e+00, v10  }
0xd6: {  	v19 =	vld [tilespmem:s5+$0xC280];
	v11 =	vmul.f32 $1.442695020e+00, v11  }
0xd7: {  	(erf) = vpow2.f32 v16;
	v16 =	vpop (erf);
	v12 =	vmul.f32 $1.442695020e+00, v12  }
0xd8: {  	(erf) = vpow2.f32 v17;
	v17 =	vpop (erf);
	v13 =	vmul.f32 $1.442695020e+00, v13  }
0xd9: {  	v20 =	vld [tilespmem:s5+$0xC290];
	(erf) = vpow2.f32 v10;
	v10 =	vpop (erf);
	v15 =	vmul.f32 $1.442695020e+00, v15  }
0xda: {  	v21 =	vld [tilespmem:s5+$0xC2A0];
	(erf) = vpow2.f32 v11;
	v11 =	vpop (erf);
	v18 =	vmul.f32 $1.442695020e+00, v18  }
0xdb: {  	(erf) = vpow2.f32 v12;
	v19 =	vmul.f32 $1.442695020e+00, v19;
	v12 =	vpop (erf)  }
0xdc: {  	v22 =	vld [tilespmem:s5+$0xC2B0];
	(erf) = vpow2.f32 v13;
	v13 =	vpop (erf)  }
0xdd: {  	(erf) = vpow2.f32 v15;
	v15 =	vpop (erf)  }
0xde: {  	v23 =	vld [tilespmem:s5+$0xC2C0];
	v20 =	vmul.f32 $1.442695020e+00, v20;
	(erf) = vpow2.f32 v18;
	v18 =	vpop (erf)  }
0xdf: {  	v24 =	vld [tilespmem:s5+$0xC2D0];
	v21 =	vmul.f32 $1.442695020e+00, v21;
	(erf) = vpow2.f32 v19;
	v19 =	vpop (erf)  }
0xe0: {  	(erf) = vpow2.f32 v20;
	v60 =	vpop (erf)  }
0xe1: {  	v22 =	vmul.f32 $1.442695020e+00, v22;
	v25 =	vpop (erf);
	(erf) = vpow2.f32 v21  }
0xe2: {  	v26 =	vld [tilespmem:s5+$0xC2E0];
	v61 =	vpop (erf)  }
0xe3: {  	v23 =	vmul.f32 $1.442695020e+00, v23;
	v27 =	vpop (erf);
	(erf) = vpow2.f32 v22  }
0xe4: {  	v7 =	vadd.f32 v10, v7;
	v10 =	vmul.f32 $1.442695020e+00, v24;
	v62 =	vpop (erf)  }
0xe5: {  	v3 =	vadd.f32 v14, v3;
	v14 =	vpop (erf);
	(erf) = vpow2.f32 v23  }
0xe6: {  	v4 =	vadd.f32 v17, v4;
	v17 =	vpop (erf)  }
0xe7: {  	v63 =	vmul.f32 $1.442695020e+00, v26;
	v9 =	vadd.f32 v11, v9;
	v6 =	vadd.f32 v12, v6;
	v11 =	vpop (erf)  }
0xe8: {  	v4 =	vadd.f32 v60, v4;
	v7 =	vadd.f32 v25, v7;
	(erf) = vpow2.f32 v10;
	v10 =	vpop (erf)  }
0xe9: {  	v5 =	vadd.f32 v13, v5;
	v9 =	vadd.f32 v61, v9;
	v12 =	vpop (erf)  }
0xea: {  	(erf) = vpow2.f32 v63;
	v4 =	vadd.f32 v10, v4;
	v7 =	vadd.f32 v12, v7;
	v10 =	vpop (erf)  }
0xeb: {  	v6 =	vadd.f32 v27, v6;
	v9 =	vadd.f32 v10, v9  }
0xec: {  	v4 =	vadd.f32 v7, v4;
	v7 =	vadd.f32 v15, v8;
	v8 =	vpop (erf)  }
0xed: {  	v5 =	vadd.f32 v62, v5;
	v6 =	vadd.f32 v8, v6  }
0xee: {  	v4 =	vadd.f32 v9, v4;
	v8 =	vpop (erf)  }
0xef: {  	v3 =	vadd.f32 v18, v3;
	v5 =	vadd.f32 v8, v5  }
0xf0: {  	v7 =	vadd.f32 v14, v7;
	v4 =	vadd.f32 v6, v4  }
0xf1: {  	v2 =	vadd.f32 v16, v2;
	v3 =	vadd.f32 v17, v3;
	v6 =	vpop (erf)  }
0xf2: {  	v6 =	vadd.f32 v6, v7;
	v4 =	vadd.f32 v5, v4  }
0xf3: {  	v2 =	vadd.f32 v19, v2;
	v5 =	vpop (erf)  }
0xf4: {  	v3 =	vadd.f32 v5, v3;
	v4 =	vadd.f32 v6, v4;
	_ =	sdelay $0x1  }
0xf5: {  	v2 =	vadd.f32 v11, v2;
	v3 =	vadd.f32 v3, v4;
	_ =	sdelay $0x1  }
0xf6: {  	s24 =	sshll.u32 s23, $0xD;
	s15 =	rddreg [dreg:$0x7];
	v2 =	vadd.f32 v2, v3  }
0xf7: {  	s21 =	rddreg [dreg:$0x2];
	s24 =	sadd.s32 s15, s24  }
0xf8: {  	s22 =	simm.s32 $0xC200;
	p0 =	seq.s32 s23, $0x0;
	s5 =	sadd.s32 s21, s24;
	[tilespmem:s20+$0x4280] =	vst v2  }
0xf9: {  	[hbm4b:s5+s6] =	stream.strided.scatter [tilespmem:s22], [sflag:$0x5], $0x4000, s7, s6, $0x38;
	[tilespmem:$0x1C200] =	vst v63  }
0xfa: {  	s5 =	sshll.u32 s23, $0x2;
	s22 =	simm.s32 @!p0 $0x7  }
0xfb: {  	_ =	swait.ge @!p0 [sflag:s22], $0x4000;
	s21 =	sor.u32 $0x2, s5  }
0xfc: {  	[sflag:s22] =	ssyncset.done @!p0 $0x0;
	s29 =	sshll.u32 s21, $0x7  }
0xfd: {  	[sflag:s22] =	ssyncadd.s32 @!p0 $0xFFFFC000;
	s15 =	sand.u32 $0x3FFFFF80, s29  }
0xfe: {  	v2 =	vld.msk [tilespmem:s15+$0x0], $0x3;
	_ =	sdelay $0x4  }
0xff: {  	v3 =	vshll.u32 v2, $0x6  }
0x100: {  	v2 =	vand.u32 $0x7, v2;
	v3 =	vand.u32 $0xFFFFFE00, v3  }
0x101: {  	v2 =	vor.u32 v2, v3  }
0x102: {  	v2 =	vperm.xlane v2, v0;
	_ =	sdelay $0x1  }
0x103: {  	v2 =	vadd.s32 v1, v2;
	_ =	sdelay $0x3  }
0x104: {  	s22 =	simm.s32 $0x0  }
0x105: {  	[tilespmem:s19], [sflag:$0x3] =	stream.indirect_vreg.gather [hbm4b:s1+s22], $0x80, v2, vm0, $0xb8;
	[tilespmem:$0x1C200] =	vst v63  }
0x106: {  	s15 =	simm.s32 $0x14A00  }
0x107: {  	[tilespmem:s15], [sflag:$0x3] =	stream.indirect_vreg.gather [hbm4b:s8+s22], $0x80, v2, vm0, $0xb8;
	[tilespmem:$0x1C200] =	vst v63  }
0x108: {  	s15 =	simm.s32 $0x15200  }
0x109: {  	[tilespmem:s15], [sflag:$0x3] =	stream.indirect_vreg.gather [hbm4b:s9+s22], $0x80, v2, vm0, $0xb8;
	[tilespmem:$0x1C200] =	vst v63  }
0x10a: {  	s15 =	simm.s32 $0x15A00  }
0x10b: {  	[tilespmem:s15], [sflag:$0x3] =	stream.indirect_vreg.gather [hbm4b:s10+s22], $0x80, v2, vm0, $0xb8;
	[tilespmem:$0x1C200] =	vst v63  }
0x10c: {  	s15 =	simm.s32 $0x16200  }
0x10d: {  	[tilespmem:s15], [sflag:$0x3] =	stream.indirect_vreg.gather [hbm4b:s11+s22], $0x80, v2, vm0, $0xb8;
	[tilespmem:$0x1C200] =	vst v63  }
0x10e: {  	s15 =	simm.s32 $0x16A00  }
0x10f: {  	[tilespmem:s15], [sflag:$0x3] =	stream.indirect_vreg.gather [hbm4b:s12+s22], $0x80, v2, vm0, $0xb8;
	[tilespmem:$0x1C200] =	vst v63  }
0x110: {  	s15 =	simm.s32 $0x17200  }
0x111: {  	[tilespmem:s15], [sflag:$0x3] =	stream.indirect_vreg.gather [hbm4b:s13+s22], $0x80, v2, vm0, $0xb8;
	[tilespmem:$0x1C200] =	vst v63  }
0x112: {  	s15 =	simm.s32 $0x17A00  }
0x113: {  	[tilespmem:s15], [sflag:$0x3] =	stream.indirect_vreg.gather [hbm4b:s14+s22], $0x80, v2, vm0, $0xb8;
	[tilespmem:$0x1C200] =	vst v63  }
0x114: {  	_ =	swait.ge [sflag:s26], $0x4000  }
0x115: {  	[sflag:s26] =	ssyncset.done $0x0  }
0x116: {  	s15 =	simm.s32 $0x0;
	[sflag:s26] =	ssyncadd.s32 $0xFFFFC000  }
0x117: {  	v2 =	vld [tilespmem:s15+$0x10270]  }
0x118: {  	v3 =	vld [tilespmem:s15+$0x10200]  }
0x119: {  	v4 =	vld [tilespmem:s15+$0x10210]  }
0x11a: {  	v5 =	vld [tilespmem:s15+$0x10220]  }
0x11b: {  	v6 =	vld [tilespmem:s15+$0x10230]  }
0x11c: {  	v7 =	vld [tilespmem:s15+$0x10240]  }
0x11d: {  	v8 =	vld [tilespmem:s15+$0x10250];
	v2 =	vmul.f32 $1.442695020e+00, v2  }
0x11e: {  	s29 =	simm.s32 $0x100;
	v9 =	vld [tilespmem:s15+$0x10260];
	v3 =	vmul.f32 $1.442695020e+00, v3;
	v4 =	vmul.f32 $1.442695020e+00, v4  }
0x11f: {  	v5 =	vmul.f32 $1.442695020e+00, v5;
	(erf) = vpow2.f32 v2;
	v2 =	vld [tilespmem:s29+$0x10270]  }
0x120: {  	v6 =	vmul.f32 $1.442695020e+00, v6;
	(erf) = vpow2.f32 v3;
	v3 =	vld [tilespmem:s29+$0x10200]  }
0x121: {  	v7 =	vmul.f32 $1.442695020e+00, v7;
	(erf) = vpow2.f32 v4;
	v4 =	vld [tilespmem:s29+$0x10210]  }
0x122: {  	v8 =	vmul.f32 $1.442695020e+00, v8;
	(erf) = vpow2.f32 v5;
	v5 =	vld [tilespmem:s29+$0x10220]  }
0x123: {  	v9 =	vmul.f32 $1.442695020e+00, v9;
	(erf) = vpow2.f32 v6  }
0x124: {  	v6 =	vld [tilespmem:s29+$0x10230];
	(erf) = vpow2.f32 v7;
	v2 =	vmul.f32 $1.442695020e+00, v2  }
0x125: {  	v7 =	vld [tilespmem:s29+$0x10240];
	(erf) = vpow2.f32 v8;
	v8 =	vmul.f32 $1.442695020e+00, v3  }
0x126: {  	v11 =	vld [tilespmem:s29+$0x10250];
	(erf) = vpow2.f32 v9;
	v4 =	vmul.f32 $1.442695020e+00, v4  }
0x127: {  	s15 =	simm.s32 $0x200;
	v9 =	vld [tilespmem:s29+$0x10260];
	(erf) = vpow2.f32 v2;
	v5 =	vmul.f32 $1.442695020e+00, v5  }
0x128: {  	v13 =	vld [tilespmem:s15+$0x10270];
	(erf) = vpow2.f32 v8  }
0x129: {  	v2 =	vpop (erf);
	v6 =	vmul.f32 $1.442695020e+00, v6;
	(erf) = vpow2.f32 v4  }
0x12a: {  	v8 =	vld [tilespmem:s15+$0x10200];
	v12 =	vmul.f32 $1.442695020e+00, v7;
	v4 =	vpop (erf);
	(erf) = vpow2.f32 v5  }
0x12b: {  	v15 =	vld [tilespmem:s15+$0x10210];
	v14 =	vmul.f32 $1.442695020e+00, v11;
	v3 =	vimm.f32 $0.0e+00;
	v5 =	vpop (erf);
	(erf) = vpow2.f32 v6  }
0x12c: {  	v10 =	vld [tilespmem:s15+$0x10220];
	v17 =	vmul.f32 $1.442695020e+00, v9;
	v7 =	vadd.f32 v5, v3;
	v5 =	vpop (erf);
	(erf) = vpow2.f32 v12  }
0x12d: {  	v11 =	vld [tilespmem:s15+$0x10230];
	v18 =	vmul.f32 $1.442695020e+00, v13;
	v9 =	vadd.f32 v5, v3;
	v5 =	vpop (erf);
	(erf) = vpow2.f32 v14  }
0x12e: {  	v2 =	vadd.f32 v2, v3;
	v12 =	vld [tilespmem:s15+$0x10240];
	v6 =	vadd.f32 v5, v3;
	v5 =	vpop (erf);
	(erf) = vpow2.f32 v17  }
0x12f: {  	v13 =	vld [tilespmem:s15+$0x10250];
	v4 =	vadd.f32 v4, v3;
	v16 =	vmul.f32 $1.442695020e+00, v8;
	v8 =	vpop (erf);
	(erf) = vpow2.f32 v18  }
0x130: {  	s22 =	simm.s32 $0x300;
	s29 =	simm.s32 $0x1000;
	v14 =	vld [tilespmem:s15+$0x10260];
	v17 =	vmul.f32 $1.442695020e+00, v15;
	v5 =	vadd.f32 v5, v3;
	v8 =	vadd.f32 v8, v3;
	v15 =	vpop (erf)  }
.LBB2_7:
0x131: {  	p1 =	sne.s32 s29, $0xFC00;
	v18 =	vld [tilespmem:s22+$0x10270];
	v10 =	vmul.f32 $1.442695020e+00, v10;
	(erf) = vpow2.f32 v16;
	v16 =	vpop (erf);
	v3 =	vadd.f32 v15, v3  }
0x132: {  	v15 =	vld [tilespmem:s22+$0x10200];
	v11 =	vmul.f32 $1.442695020e+00, v11;
	(erf) = vpow2.f32 v17;
	v2 =	vadd.f32 v16, v2;
	v16 =	vpop (erf)  }
0x133: {  	v17 =	vld [tilespmem:s22+$0x10210];
	v12 =	vmul.f32 $1.442695020e+00, v12;
	(erf) = vpow2.f32 v10;
	v4 =	vadd.f32 v16, v4;
	v16 =	vpop (erf)  }
.Ltmp4:
0x134: {  	v10 =	vld [tilespmem:s22+$0x10220];
	v13 =	vmul.f32 $1.442695020e+00, v13;
	(erf) = vpow2.f32 v11;
	v7 =	vadd.f32 v16, v7;
	v16 =	vpop (erf);
	(pc) =	sbr.rel @p1 .LBB2_7-.Ltmp4, $4  }
0x135: {  	v11 =	vld [tilespmem:s22+$0x10230];
	v14 =	vmul.f32 $1.442695020e+00, v14;
	(erf) = vpow2.f32 v12;
	v9 =	vadd.f32 v16, v9;
	v16 =	vpop (erf)  }
0x136: {  	v12 =	vld [tilespmem:s22+$0x10240];
	v18 =	vmul.f32 $1.442695020e+00, v18;
	(erf) = vpow2.f32 v13;
	v6 =	vadd.f32 v16, v6;
	v19 =	vpop (erf)  }
0x137: {  	v16 =	vmul.f32 $1.442695020e+00, v15;
	v13 =	vld [tilespmem:s22+$0x10250];
	(erf) = vpow2.f32 v14;
	v5 =	vadd.f32 v19, v5;
	v15 =	vpop (erf)  }
0x138: {  	v17 =	vmul.f32 $1.442695020e+00, v17;
	v14 =	vld [tilespmem:s22+$0x10260];
	s22 =	sshra.s32 s29, $0x2;
	s29 =	sadd.s32 $0x400, s29;
	(erf) = vpow2.f32 v18;
	v8 =	vadd.f32 v15, v8;
	v15 =	vpop (erf)  }
0x139: {  	v18 =	vld [tilespmem:s22+$0x10270];
	v10 =	vmul.f32 $1.442695020e+00, v10  }
0x13a: {  	v19 =	vld [tilespmem:s22+$0x10200];
	v11 =	vmul.f32 $1.442695020e+00, v11  }
0x13b: {  	(erf) = vpow2.f32 v16;
	v16 =	vpop (erf);
	v12 =	vmul.f32 $1.442695020e+00, v12  }
0x13c: {  	(erf) = vpow2.f32 v17;
	v17 =	vpop (erf);
	v13 =	vmul.f32 $1.442695020e+00, v13  }
0x13d: {  	v20 =	vld [tilespmem:s22+$0x10210];
	(erf) = vpow2.f32 v10;
	v10 =	vpop (erf);
	v14 =	vmul.f32 $1.442695020e+00, v14  }
0x13e: {  	v21 =	vld [tilespmem:s22+$0x10220];
	(erf) = vpow2.f32 v11;
	v11 =	vpop (erf);
	v18 =	vmul.f32 $1.442695020e+00, v18  }
0x13f: {  	(erf) = vpow2.f32 v12;
	v19 =	vmul.f32 $1.442695020e+00, v19;
	v12 =	vpop (erf)  }
0x140: {  	v22 =	vld [tilespmem:s22+$0x10230];
	(erf) = vpow2.f32 v13;
	v13 =	vpop (erf)  }
0x141: {  	(erf) = vpow2.f32 v14;
	v14 =	vpop (erf)  }
0x142: {  	v23 =	vld [tilespmem:s22+$0x10240];
	v20 =	vmul.f32 $1.442695020e+00, v20;
	(erf) = vpow2.f32 v18;
	v18 =	vpop (erf)  }
0x143: {  	v24 =	vld [tilespmem:s22+$0x10250];
	v21 =	vmul.f32 $1.442695020e+00, v21;
	(erf) = vpow2.f32 v19;
	v19 =	vpop (erf)  }
0x144: {  	(erf) = vpow2.f32 v20;
	v60 =	vpop (erf)  }
0x145: {  	v22 =	vmul.f32 $1.442695020e+00, v22;
	v25 =	vpop (erf);
	(erf) = vpow2.f32 v21  }
0x146: {  	v26 =	vld [tilespmem:s22+$0x10260];
	v61 =	vpop (erf)  }
0x147: {  	v23 =	vmul.f32 $1.442695020e+00, v23;
	v27 =	vpop (erf);
	(erf) = vpow2.f32 v22  }
0x148: {  	v7 =	vadd.f32 v10, v7;
	v10 =	vmul.f32 $1.442695020e+00, v24;
	v62 =	vpop (erf)  }
0x149: {  	v3 =	vadd.f32 v15, v3;
	v15 =	vpop (erf);
	(erf) = vpow2.f32 v23  }
0x14a: {  	v4 =	vadd.f32 v17, v4;
	v17 =	vpop (erf)  }
0x14b: {  	v63 =	vmul.f32 $1.442695020e+00, v26;
	v9 =	vadd.f32 v11, v9;
	v6 =	vadd.f32 v12, v6;
	v11 =	vpop (erf)  }
0x14c: {  	v4 =	vadd.f32 v60, v4;
	v7 =	vadd.f32 v25, v7;
	(erf) = vpow2.f32 v10;
	v10 =	vpop (erf)  }
0x14d: {  	v5 =	vadd.f32 v13, v5;
	v9 =	vadd.f32 v61, v9;
	v12 =	vpop (erf)  }
0x14e: {  	(erf) = vpow2.f32 v63;
	v4 =	vadd.f32 v10, v4;
	v7 =	vadd.f32 v12, v7;
	v10 =	vpop (erf)  }
0x14f: {  	v6 =	vadd.f32 v27, v6;
	v9 =	vadd.f32 v10, v9  }
0x150: {  	v4 =	vadd.f32 v7, v4;
	v7 =	vadd.f32 v14, v8;
	v8 =	vpop (erf)  }
0x151: {  	v5 =	vadd.f32 v62, v5;
	v6 =	vadd.f32 v8, v6  }
0x152: {  	v4 =	vadd.f32 v9, v4;
	v8 =	vpop (erf)  }
0x153: {  	v3 =	vadd.f32 v18, v3;
	v5 =	vadd.f32 v8, v5  }
0x154: {  	v7 =	vadd.f32 v15, v7;
	v4 =	vadd.f32 v6, v4  }
0x155: {  	v2 =	vadd.f32 v16, v2;
	v3 =	vadd.f32 v17, v3;
	v6 =	vpop (erf)  }
0x156: {  	v6 =	vadd.f32 v6, v7;
	v4 =	vadd.f32 v5, v4  }
0x157: {  	v2 =	vadd.f32 v19, v2;
	v5 =	vpop (erf)  }
0x158: {  	v3 =	vadd.f32 v5, v3;
	v4 =	vadd.f32 v6, v4;
	_ =	sdelay $0x1  }
0x159: {  	v2 =	vadd.f32 v11, v2;
	v3 =	vadd.f32 v3, v4;
	_ =	sdelay $0x1  }
0x15a: {  	v2 =	vadd.f32 v2, v3;
	_ =	sdelay $0x1  }
0x15b: {  	s15 =	simm.s32 $0x0;
	[tilespmem:s20+$0x4300] =	vst v2  }
0x15c: {  	v2 =	vld [tilespmem:s15+$0x102F0]  }
0x15d: {  	v3 =	vld [tilespmem:s15+$0x10280]  }
0x15e: {  	v4 =	vld [tilespmem:s15+$0x10290]  }
0x15f: {  	v5 =	vld [tilespmem:s15+$0x102A0]  }
0x160: {  	v6 =	vld [tilespmem:s15+$0x102B0]  }
0x161: {  	v7 =	vld [tilespmem:s15+$0x102C0]  }
0x162: {  	v8 =	vld [tilespmem:s15+$0x102D0];
	v2 =	vmul.f32 $1.442695020e+00, v2  }
0x163: {  	s22 =	simm.s32 $0x100;
	v9 =	vld [tilespmem:s15+$0x102E0];
	v3 =	vmul.f32 $1.442695020e+00, v3;
	v4 =	vmul.f32 $1.442695020e+00, v4  }
0x164: {  	v5 =	vmul.f32 $1.442695020e+00, v5;
	(erf) = vpow2.f32 v2;
	v2 =	vld [tilespmem:s22+$0x102F0]  }
0x165: {  	v6 =	vmul.f32 $1.442695020e+00, v6;
	(erf) = vpow2.f32 v3;
	v3 =	vld [tilespmem:s22+$0x10280]  }
0x166: {  	v7 =	vmul.f32 $1.442695020e+00, v7;
	(erf) = vpow2.f32 v4;
	v4 =	vld [tilespmem:s22+$0x10290]  }
0x167: {  	v8 =	vmul.f32 $1.442695020e+00, v8;
	(erf) = vpow2.f32 v5;
	v5 =	vld [tilespmem:s22+$0x102A0]  }
0x168: {  	v9 =	vmul.f32 $1.442695020e+00, v9;
	(erf) = vpow2.f32 v6  }
0x169: {  	v6 =	vld [tilespmem:s22+$0x102B0];
	(erf) = vpow2.f32 v7;
	v2 =	vmul.f32 $1.442695020e+00, v2  }
0x16a: {  	v7 =	vld [tilespmem:s22+$0x102C0];
	(erf) = vpow2.f32 v8;
	v8 =	vmul.f32 $1.442695020e+00, v3  }
0x16b: {  	v11 =	vld [tilespmem:s22+$0x102D0];
	(erf) = vpow2.f32 v9;
	v4 =	vmul.f32 $1.442695020e+00, v4  }
0x16c: {  	s15 =	simm.s32 $0x200;
	v9 =	vld [tilespmem:s22+$0x102E0];
	(erf) = vpow2.f32 v2;
	v5 =	vmul.f32 $1.442695020e+00, v5  }
0x16d: {  	v13 =	vld [tilespmem:s15+$0x102F0];
	(erf) = vpow2.f32 v8  }
0x16e: {  	v2 =	vpop (erf);
	v6 =	vmul.f32 $1.442695020e+00, v6;
	(erf) = vpow2.f32 v4  }
0x16f: {  	v8 =	vld [tilespmem:s15+$0x10280];
	v12 =	vmul.f32 $1.442695020e+00, v7;
	v4 =	vpop (erf);
	(erf) = vpow2.f32 v5  }
0x170: {  	v14 =	vld [tilespmem:s15+$0x10290];
	v15 =	vmul.f32 $1.442695020e+00, v11;
	v3 =	vimm.f32 $0.0e+00;
	v5 =	vpop (erf);
	(erf) = vpow2.f32 v6  }
0x171: {  	v10 =	vld [tilespmem:s15+$0x102A0];
	v17 =	vmul.f32 $1.442695020e+00, v9;
	v7 =	vadd.f32 v5, v3;
	v5 =	vpop (erf);
	(erf) = vpow2.f32 v12  }
0x172: {  	v11 =	vld [tilespmem:s15+$0x102B0];
	v18 =	vmul.f32 $1.442695020e+00, v13;
	v9 =	vadd.f32 v5, v3;
	v5 =	vpop (erf);
	(erf) = vpow2.f32 v15  }
0x173: {  	v2 =	vadd.f32 v2, v3;
	v12 =	vld [tilespmem:s15+$0x102C0];
	v6 =	vadd.f32 v5, v3;
	v5 =	vpop (erf);
	(erf) = vpow2.f32 v17  }
0x174: {  	v13 =	vld [tilespmem:s15+$0x102D0];
	v4 =	vadd.f32 v4, v3;
	v16 =	vmul.f32 $1.442695020e+00, v8;
	v8 =	vpop (erf);
	(erf) = vpow2.f32 v18  }
0x175: {  	s29 =	simm.s32 $0x1000;
	s22 =	simm.s32 $0x300;
	v15 =	vld [tilespmem:s15+$0x102E0];
	v17 =	vmul.f32 $1.442695020e+00, v14;
	v5 =	vadd.f32 v5, v3;
	v8 =	vadd.f32 v8, v3;
	v14 =	vpop (erf)  }
.LBB2_9:
0x176: {  	p1 =	sne.s32 s29, $0xFC00;
	v18 =	vld [tilespmem:s22+$0x102F0];
	v10 =	vmul.f32 $1.442695020e+00, v10;
	(erf) = vpow2.f32 v16;
	v16 =	vpop (erf);
	v3 =	vadd.f32 v14, v3  }
0x177: {  	v14 =	vld [tilespmem:s22+$0x10280];
	v11 =	vmul.f32 $1.442695020e+00, v11;
	(erf) = vpow2.f32 v17;
	v2 =	vadd.f32 v16, v2;
	v16 =	vpop (erf)  }
0x178: {  	v17 =	vld [tilespmem:s22+$0x10290];
	v12 =	vmul.f32 $1.442695020e+00, v12;
	(erf) = vpow2.f32 v10;
	v4 =	vadd.f32 v16, v4;
	v16 =	vpop (erf)  }
.Ltmp5:
0x179: {  	v10 =	vld [tilespmem:s22+$0x102A0];
	v13 =	vmul.f32 $1.442695020e+00, v13;
	(erf) = vpow2.f32 v11;
	v7 =	vadd.f32 v16, v7;
	v16 =	vpop (erf);
	(pc) =	sbr.rel @p1 .LBB2_9-.Ltmp5, $4  }
0x17a: {  	v11 =	vld [tilespmem:s22+$0x102B0];
	v15 =	vmul.f32 $1.442695020e+00, v15;
	(erf) = vpow2.f32 v12;
	v9 =	vadd.f32 v16, v9;
	v16 =	vpop (erf)  }
0x17b: {  	v12 =	vld [tilespmem:s22+$0x102C0];
	v18 =	vmul.f32 $1.442695020e+00, v18;
	(erf) = vpow2.f32 v13;
	v6 =	vadd.f32 v16, v6;
	v19 =	vpop (erf)  }
0x17c: {  	v16 =	vmul.f32 $1.442695020e+00, v14;
	v13 =	vld [tilespmem:s22+$0x102D0];
	(erf) = vpow2.f32 v15;
	v5 =	vadd.f32 v19, v5;
	v14 =	vpop (erf)  }
0x17d: {  	v17 =	vmul.f32 $1.442695020e+00, v17;
	v15 =	vld [tilespmem:s22+$0x102E0];
	s22 =	sshra.s32 s29, $0x2;
	s29 =	sadd.s32 $0x400, s29;
	(erf) = vpow2.f32 v18;
	v8 =	vadd.f32 v14, v8;
	v14 =	vpop (erf)  }
0x17e: {  	v18 =	vld [tilespmem:s22+$0x102F0];
	v10 =	vmul.f32 $1.442695020e+00, v10  }
0x17f: {  	v19 =	vld [tilespmem:s22+$0x10280];
	v11 =	vmul.f32 $1.442695020e+00, v11  }
0x180: {  	(erf) = vpow2.f32 v16;
	v16 =	vpop (erf);
	v12 =	vmul.f32 $1.442695020e+00, v12  }
0x181: {  	(erf) = vpow2.f32 v17;
	v17 =	vpop (erf);
	v13 =	vmul.f32 $1.442695020e+00, v13  }
0x182: {  	v20 =	vld [tilespmem:s22+$0x10290];
	(erf) = vpow2.f32 v10;
	v10 =	vpop (erf);
	v15 =	vmul.f32 $1.442695020e+00, v15  }
0x183: {  	v21 =	vld [tilespmem:s22+$0x102A0];
	(erf) = vpow2.f32 v11;
	v11 =	vpop (erf);
	v18 =	vmul.f32 $1.442695020e+00, v18  }
0x184: {  	(erf) = vpow2.f32 v12;
	v19 =	vmul.f32 $1.442695020e+00, v19;
	v12 =	vpop (erf)  }
0x185: {  	v22 =	vld [tilespmem:s22+$0x102B0];
	(erf) = vpow2.f32 v13;
	v13 =	vpop (erf)  }
0x186: {  	(erf) = vpow2.f32 v15;
	v15 =	vpop (erf)  }
0x187: {  	v23 =	vld [tilespmem:s22+$0x102C0];
	v20 =	vmul.f32 $1.442695020e+00, v20;
	(erf) = vpow2.f32 v18;
	v18 =	vpop (erf)  }
0x188: {  	v24 =	vld [tilespmem:s22+$0x102D0];
	v21 =	vmul.f32 $1.442695020e+00, v21;
	(erf) = vpow2.f32 v19;
	v19 =	vpop (erf)  }
0x189: {  	(erf) = vpow2.f32 v20;
	v60 =	vpop (erf)  }
0x18a: {  	v22 =	vmul.f32 $1.442695020e+00, v22;
	v25 =	vpop (erf);
	(erf) = vpow2.f32 v21  }
0x18b: {  	v26 =	vld [tilespmem:s22+$0x102E0];
	v61 =	vpop (erf)  }
0x18c: {  	v23 =	vmul.f32 $1.442695020e+00, v23;
	v27 =	vpop (erf);
	(erf) = vpow2.f32 v22  }
0x18d: {  	v7 =	vadd.f32 v10, v7;
	v10 =	vmul.f32 $1.442695020e+00, v24;
	v62 =	vpop (erf)  }
0x18e: {  	v3 =	vadd.f32 v14, v3;
	v14 =	vpop (erf);
	(erf) = vpow2.f32 v23  }
0x18f: {  	v4 =	vadd.f32 v17, v4;
	v17 =	vpop (erf)  }
0x190: {  	v63 =	vmul.f32 $1.442695020e+00, v26;
	v9 =	vadd.f32 v11, v9;
	v6 =	vadd.f32 v12, v6;
	v11 =	vpop (erf)  }
0x191: {  	v4 =	vadd.f32 v60, v4;
	v7 =	vadd.f32 v25, v7;
	(erf) = vpow2.f32 v10;
	v10 =	vpop (erf)  }
0x192: {  	v5 =	vadd.f32 v13, v5;
	v9 =	vadd.f32 v61, v9;
	v12 =	vpop (erf)  }
0x193: {  	(erf) = vpow2.f32 v63;
	v4 =	vadd.f32 v10, v4;
	v7 =	vadd.f32 v12, v7;
	v10 =	vpop (erf)  }
0x194: {  	v6 =	vadd.f32 v27, v6;
	v9 =	vadd.f32 v10, v9  }
0x195: {  	v4 =	vadd.f32 v7, v4;
	v7 =	vadd.f32 v15, v8;
	v8 =	vpop (erf)  }
0x196: {  	v5 =	vadd.f32 v62, v5;
	v6 =	vadd.f32 v8, v6  }
0x197: {  	v4 =	vadd.f32 v9, v4;
	v8 =	vpop (erf)  }
0x198: {  	v3 =	vadd.f32 v18, v3;
	v5 =	vadd.f32 v8, v5  }
0x199: {  	v7 =	vadd.f32 v14, v7;
	v4 =	vadd.f32 v6, v4  }
0x19a: {  	v2 =	vadd.f32 v16, v2;
	v3 =	vadd.f32 v17, v3;
	v6 =	vpop (erf)  }
0x19b: {  	v6 =	vadd.f32 v6, v7;
	v4 =	vadd.f32 v5, v4  }
0x19c: {  	v2 =	vadd.f32 v19, v2;
	v5 =	vpop (erf)  }
0x19d: {  	v3 =	vadd.f32 v5, v3;
	v4 =	vadd.f32 v6, v4;
	_ =	sdelay $0x1  }
0x19e: {  	v2 =	vadd.f32 v11, v2;
	v3 =	vadd.f32 v3, v4;
	_ =	sdelay $0x1  }
0x19f: {  	v2 =	vadd.f32 v2, v3;
	_ =	sdelay $0x1  }
0x1a0: {  	s15 =	sadd.s32 s24, s16;
	[tilespmem:s20+$0x4380] =	vst v2  }
0x1a1: {  	[hbm4b:s15+s6] =	stream.strided.scatter [tilespmem:s31], [sflag:$0x6], $0x4000, s7, s6, $0x38;
	[tilespmem:$0x1C200] =	vst v63  }
0x1a2: {  	s15 =	simm.s32 @!p0 $0x8  }
0x1a3: {  	s20 =	sor.u32 $0x3, s5;
	_ =	swait.ge @!p0 [sflag:s15], $0x4000  }
0x1a4: {  	s5 =	sshll.u32 s20, $0x7;
	[sflag:s15] =	ssyncset.done @!p0 $0x0  }
0x1a5: {  	s5 =	sand.u32 $0x3FFFFF80, s5;
	[sflag:s15] =	ssyncadd.s32 @!p0 $0xFFFFC000  }
0x1a6: {  	v2 =	vld.msk [tilespmem:s5+$0x0], $0x3;
	_ =	sdelay $0x4  }
0x1a7: {  	v3 =	vshll.u32 v2, $0x6  }
0x1a8: {  	v2 =	vand.u32 $0x7, v2;
	v3 =	vand.u32 $0xFFFFFE00, v3  }
0x1a9: {  	v2 =	vor.u32 v2, v3  }
0x1aa: {  	v2 =	vperm.xlane v2, v0;
	_ =	sdelay $0x1  }
0x1ab: {  	v2 =	vadd.s32 v1, v2;
	_ =	sdelay $0x3  }
0x1ac: {  	s5 =	simm.s32 $0x0  }
0x1ad: {  	[tilespmem:s28], [sflag:$0x4] =	stream.indirect_vreg.gather [hbm4b:s1+s5], $0x80, v2, vm0, $0xb8;
	[tilespmem:$0x1C200] =	vst v63  }
0x1ae: {  	s29 =	simm.s32 $0x18A00  }
0x1af: {  	[tilespmem:s29], [sflag:$0x4] =	stream.indirect_vreg.gather [hbm4b:s8+s5], $0x80, v2, vm0, $0xb8;
	[tilespmem:$0x1C200] =	vst v63  }
0x1b0: {  	s22 =	simm.s32 $0x19200  }
0x1b1: {  	[tilespmem:s22], [sflag:$0x4] =	stream.indirect_vreg.gather [hbm4b:s9+s5], $0x80, v2, vm0, $0xb8;
	[tilespmem:$0x1C200] =	vst v63  }
0x1b2: {  	s29 =	simm.s32 $0x19A00  }
0x1b3: {  	[tilespmem:s29], [sflag:$0x4] =	stream.indirect_vreg.gather [hbm4b:s10+s5], $0x80, v2, vm0, $0xb8;
	[tilespmem:$0x1C200] =	vst v63  }
0x1b4: {  	s22 =	simm.s32 $0x1A200  }
0x1b5: {  	[tilespmem:s22], [sflag:$0x4] =	stream.indirect_vreg.gather [hbm4b:s11+s5], $0x80, v2, vm0, $0xb8;
	[tilespmem:$0x1C200] =	vst v63  }
0x1b6: {  	s29 =	simm.s32 $0x1AA00  }
0x1b7: {  	[tilespmem:s29], [sflag:$0x4] =	stream.indirect_vreg.gather [hbm4b:s12+s5], $0x80, v2, vm0, $0xb8;
	[tilespmem:$0x1C200] =	vst v63  }
0x1b8: {  	s22 =	simm.s32 $0x1B200  }
0x1b9: {  	[tilespmem:s22], [sflag:$0x4] =	stream.indirect_vreg.gather [hbm4b:s13+s5], $0x80, v2, vm0, $0xb8;
	[tilespmem:$0x1C200] =	vst v63  }
0x1ba: {  	s29 =	simm.s32 $0x1BA00  }
0x1bb: {  	[tilespmem:s29], [sflag:$0x4] =	stream.indirect_vreg.gather [hbm4b:s14+s5], $0x80, v2, vm0, $0xb8;
	[tilespmem:$0x1C200] =	vst v63  }
0x1bc: {  	_ =	swait.ge [sflag:s3], $0x4000  }
0x1bd: {  	[sflag:s3] =	ssyncset.done $0x0  }
0x1be: {  	s15 =	simm.s32 $0x0;
	[sflag:s3] =	ssyncadd.s32 $0xFFFFC000  }
0x1bf: {  	v2 =	vld [tilespmem:s15+$0x14270]  }
0x1c0: {  	v3 =	vld [tilespmem:s15+$0x14200]  }
0x1c1: {  	v4 =	vld [tilespmem:s15+$0x14210]  }
0x1c2: {  	v5 =	vld [tilespmem:s15+$0x14220]  }
0x1c3: {  	v6 =	vld [tilespmem:s15+$0x14230]  }
0x1c4: {  	v7 =	vld [tilespmem:s15+$0x14240]  }
0x1c5: {  	v8 =	vld [tilespmem:s15+$0x14250];
	v2 =	vmul.f32 $1.442695020e+00, v2  }
0x1c6: {  	s22 =	simm.s32 $0x100;
	v9 =	vld [tilespmem:s15+$0x14260];
	v3 =	vmul.f32 $1.442695020e+00, v3;
	v4 =	vmul.f32 $1.442695020e+00, v4  }
0x1c7: {  	v5 =	vmul.f32 $1.442695020e+00, v5;
	(erf) = vpow2.f32 v2;
	v2 =	vld [tilespmem:s22+$0x14270]  }
0x1c8: {  	v6 =	vmul.f32 $1.442695020e+00, v6;
	(erf) = vpow2.f32 v3;
	v3 =	vld [tilespmem:s22+$0x14200]  }
0x1c9: {  	v7 =	vmul.f32 $1.442695020e+00, v7;
	(erf) = vpow2.f32 v4;
	v4 =	vld [tilespmem:s22+$0x14210]  }
0x1ca: {  	v8 =	vmul.f32 $1.442695020e+00, v8;
	(erf) = vpow2.f32 v5;
	v5 =	vld [tilespmem:s22+$0x14220]  }
0x1cb: {  	v9 =	vmul.f32 $1.442695020e+00, v9;
	(erf) = vpow2.f32 v6  }
0x1cc: {  	v6 =	vld [tilespmem:s22+$0x14230];
	(erf) = vpow2.f32 v7;
	v2 =	vmul.f32 $1.442695020e+00, v2  }
0x1cd: {  	v7 =	vld [tilespmem:s22+$0x14240];
	(erf) = vpow2.f32 v8;
	v8 =	vmul.f32 $1.442695020e+00, v3  }
0x1ce: {  	v11 =	vld [tilespmem:s22+$0x14250];
	(erf) = vpow2.f32 v9;
	v4 =	vmul.f32 $1.442695020e+00, v4  }
0x1cf: {  	s29 =	simm.s32 $0x200;
	v9 =	vld [tilespmem:s22+$0x14260];
	(erf) = vpow2.f32 v2;
	v5 =	vmul.f32 $1.442695020e+00, v5  }
0x1d0: {  	v13 =	vld [tilespmem:s29+$0x14270];
	(erf) = vpow2.f32 v8  }
0x1d1: {  	v2 =	vpop (erf);
	v6 =	vmul.f32 $1.442695020e+00, v6;
	(erf) = vpow2.f32 v4  }
0x1d2: {  	v8 =	vld [tilespmem:s29+$0x14200];
	v12 =	vmul.f32 $1.442695020e+00, v7;
	v4 =	vpop (erf);
	(erf) = vpow2.f32 v5  }
0x1d3: {  	v14 =	vld [tilespmem:s29+$0x14210];
	v15 =	vmul.f32 $1.442695020e+00, v11;
	v3 =	vimm.f32 $0.0e+00;
	v5 =	vpop (erf);
	(erf) = vpow2.f32 v6  }
0x1d4: {  	v10 =	vld [tilespmem:s29+$0x14220];
	v17 =	vmul.f32 $1.442695020e+00, v9;
	v7 =	vadd.f32 v5, v3;
	v5 =	vpop (erf);
	(erf) = vpow2.f32 v12  }
0x1d5: {  	v11 =	vld [tilespmem:s29+$0x14230];
	v18 =	vmul.f32 $1.442695020e+00, v13;
	v9 =	vadd.f32 v5, v3;
	v5 =	vpop (erf);
	(erf) = vpow2.f32 v15  }
0x1d6: {  	v2 =	vadd.f32 v2, v3;
	v12 =	vld [tilespmem:s29+$0x14240];
	v6 =	vadd.f32 v5, v3;
	v5 =	vpop (erf);
	(erf) = vpow2.f32 v17  }
0x1d7: {  	v13 =	vld [tilespmem:s29+$0x14250];
	v4 =	vadd.f32 v4, v3;
	v16 =	vmul.f32 $1.442695020e+00, v8;
	v8 =	vpop (erf);
	(erf) = vpow2.f32 v18  }
0x1d8: {  	s5 =	simm.s32 $0x300;
	s22 =	simm.s32 $0x1000;
	v15 =	vld [tilespmem:s29+$0x14260];
	v17 =	vmul.f32 $1.442695020e+00, v14;
	v5 =	vadd.f32 v5, v3;
	v8 =	vadd.f32 v8, v3;
	v14 =	vpop (erf)  }
.LBB2_11:
0x1d9: {  	p0 =	sne.s32 s22, $0xFC00;
	v18 =	vld [tilespmem:s5+$0x14270];
	v10 =	vmul.f32 $1.442695020e+00, v10;
	(erf) = vpow2.f32 v16;
	v16 =	vpop (erf);
	v3 =	vadd.f32 v14, v3  }
0x1da: {  	v14 =	vld [tilespmem:s5+$0x14200];
	v11 =	vmul.f32 $1.442695020e+00, v11;
	(erf) = vpow2.f32 v17;
	v2 =	vadd.f32 v16, v2;
	v16 =	vpop (erf)  }
0x1db: {  	v17 =	vld [tilespmem:s5+$0x14210];
	v12 =	vmul.f32 $1.442695020e+00, v12;
	(erf) = vpow2.f32 v10;
	v4 =	vadd.f32 v16, v4;
	v16 =	vpop (erf)  }
.Ltmp6:
0x1dc: {  	v10 =	vld [tilespmem:s5+$0x14220];
	v13 =	vmul.f32 $1.442695020e+00, v13;
	(erf) = vpow2.f32 v11;
	v7 =	vadd.f32 v16, v7;
	v16 =	vpop (erf);
	(pc) =	sbr.rel @p0 .LBB2_11-.Ltmp6, $4  }
0x1dd: {  	v11 =	vld [tilespmem:s5+$0x14230];
	v15 =	vmul.f32 $1.442695020e+00, v15;
	(erf) = vpow2.f32 v12;
	v9 =	vadd.f32 v16, v9;
	v16 =	vpop (erf)  }
0x1de: {  	v12 =	vld [tilespmem:s5+$0x14240];
	v18 =	vmul.f32 $1.442695020e+00, v18;
	(erf) = vpow2.f32 v13;
	v6 =	vadd.f32 v16, v6;
	v19 =	vpop (erf)  }
0x1df: {  	v16 =	vmul.f32 $1.442695020e+00, v14;
	v13 =	vld [tilespmem:s5+$0x14250];
	(erf) = vpow2.f32 v15;
	v5 =	vadd.f32 v19, v5;
	v14 =	vpop (erf)  }
0x1e0: {  	v17 =	vmul.f32 $1.442695020e+00, v17;
	v15 =	vld [tilespmem:s5+$0x14260];
	s5 =	sshra.s32 s22, $0x2;
	s22 =	sadd.s32 $0x400, s22;
	(erf) = vpow2.f32 v18;
	v8 =	vadd.f32 v14, v8;
	v14 =	vpop (erf)  }
0x1e1: {  	v18 =	vld [tilespmem:s5+$0x14270];
	v10 =	vmul.f32 $1.442695020e+00, v10  }
0x1e2: {  	v19 =	vld [tilespmem:s5+$0x14200];
	v11 =	vmul.f32 $1.442695020e+00, v11  }
0x1e3: {  	(erf) = vpow2.f32 v16;
	v16 =	vpop (erf);
	v12 =	vmul.f32 $1.442695020e+00, v12  }
0x1e4: {  	(erf) = vpow2.f32 v17;
	v17 =	vpop (erf);
	v13 =	vmul.f32 $1.442695020e+00, v13  }
0x1e5: {  	v20 =	vld [tilespmem:s5+$0x14210];
	(erf) = vpow2.f32 v10;
	v10 =	vpop (erf);
	v15 =	vmul.f32 $1.442695020e+00, v15  }
0x1e6: {  	v21 =	vld [tilespmem:s5+$0x14220];
	(erf) = vpow2.f32 v11;
	v11 =	vpop (erf);
	v18 =	vmul.f32 $1.442695020e+00, v18  }
0x1e7: {  	(erf) = vpow2.f32 v12;
	v19 =	vmul.f32 $1.442695020e+00, v19;
	v12 =	vpop (erf)  }
0x1e8: {  	v22 =	vld [tilespmem:s5+$0x14230];
	(erf) = vpow2.f32 v13;
	v13 =	vpop (erf)  }
0x1e9: {  	(erf) = vpow2.f32 v15;
	v15 =	vpop (erf)  }
0x1ea: {  	v23 =	vld [tilespmem:s5+$0x14240];
	v20 =	vmul.f32 $1.442695020e+00, v20;
	(erf) = vpow2.f32 v18;
	v18 =	vpop (erf)  }
0x1eb: {  	v24 =	vld [tilespmem:s5+$0x14250];
	v21 =	vmul.f32 $1.442695020e+00, v21;
	(erf) = vpow2.f32 v19;
	v19 =	vpop (erf)  }
0x1ec: {  	(erf) = vpow2.f32 v20;
	v60 =	vpop (erf)  }
0x1ed: {  	v22 =	vmul.f32 $1.442695020e+00, v22;
	v25 =	vpop (erf);
	(erf) = vpow2.f32 v21  }
0x1ee: {  	v26 =	vld [tilespmem:s5+$0x14260];
	v61 =	vpop (erf)  }
0x1ef: {  	v23 =	vmul.f32 $1.442695020e+00, v23;
	v27 =	vpop (erf);
	(erf) = vpow2.f32 v22  }
0x1f0: {  	v7 =	vadd.f32 v10, v7;
	v10 =	vmul.f32 $1.442695020e+00, v24;
	v62 =	vpop (erf)  }
0x1f1: {  	v3 =	vadd.f32 v14, v3;
	v14 =	vpop (erf);
	(erf) = vpow2.f32 v23  }
0x1f2: {  	v4 =	vadd.f32 v17, v4;
	v17 =	vpop (erf)  }
0x1f3: {  	v63 =	vmul.f32 $1.442695020e+00, v26;
	v9 =	vadd.f32 v11, v9;
	v6 =	vadd.f32 v12, v6;
	v11 =	vpop (erf)  }
0x1f4: {  	v4 =	vadd.f32 v60, v4;
	v7 =	vadd.f32 v25, v7;
	(erf) = vpow2.f32 v10;
	v10 =	vpop (erf)  }
0x1f5: {  	v5 =	vadd.f32 v13, v5;
	v9 =	vadd.f32 v61, v9;
	v12 =	vpop (erf)  }
0x1f6: {  	(erf) = vpow2.f32 v63;
	v4 =	vadd.f32 v10, v4;
	v7 =	vadd.f32 v12, v7;
	v10 =	vpop (erf)  }
0x1f7: {  	v6 =	vadd.f32 v27, v6;
	v9 =	vadd.f32 v10, v9  }
0x1f8: {  	v4 =	vadd.f32 v7, v4;
	v7 =	vadd.f32 v15, v8;
	v8 =	vpop (erf)  }
0x1f9: {  	v5 =	vadd.f32 v62, v5;
	v6 =	vadd.f32 v8, v6  }
0x1fa: {  	v4 =	vadd.f32 v9, v4;
	v8 =	vpop (erf)  }
0x1fb: {  	v3 =	vadd.f32 v18, v3;
	v5 =	vadd.f32 v8, v5  }
0x1fc: {  	v7 =	vadd.f32 v14, v7;
	v4 =	vadd.f32 v6, v4  }
0x1fd: {  	v2 =	vadd.f32 v16, v2;
	v3 =	vadd.f32 v17, v3;
	v6 =	vpop (erf)  }
0x1fe: {  	v6 =	vadd.f32 v6, v7;
	v4 =	vadd.f32 v5, v4  }
0x1ff: {  	v2 =	vadd.f32 v19, v2;
	v5 =	vpop (erf)  }
0x200: {  	v3 =	vadd.f32 v5, v3;
	v4 =	vadd.f32 v6, v4;
	_ =	sdelay $0x1  }
0x201: {  	v2 =	vadd.f32 v11, v2;
	v3 =	vadd.f32 v3, v4;
	_ =	sdelay $0x1  }
0x202: {  	s21 =	sshll.u32 s21, $0x8;
	v2 =	vadd.f32 v2, v3  }
0x203: {  	s5 =	sand.u32 $0x3FFFFF00, s21  }
0x204: {  	s15 =	simm.s32 $0x0;
	[tilespmem:s5+$0x4200] =	vst v2  }
0x205: {  	v2 =	vld [tilespmem:s15+$0x142F0]  }
0x206: {  	v3 =	vld [tilespmem:s15+$0x14280]  }
0x207: {  	v4 =	vld [tilespmem:s15+$0x14290]  }
0x208: {  	v5 =	vld [tilespmem:s15+$0x142A0]  }
0x209: {  	v6 =	vld [tilespmem:s15+$0x142B0]  }
0x20a: {  	v7 =	vld [tilespmem:s15+$0x142C0]  }
0x20b: {  	v8 =	vld [tilespmem:s15+$0x142D0];
	v2 =	vmul.f32 $1.442695020e+00, v2  }
0x20c: {  	s22 =	simm.s32 $0x100;
	v9 =	vld [tilespmem:s15+$0x142E0];
	v3 =	vmul.f32 $1.442695020e+00, v3;
	v4 =	vmul.f32 $1.442695020e+00, v4  }
0x20d: {  	v5 =	vmul.f32 $1.442695020e+00, v5;
	(erf) = vpow2.f32 v2;
	v2 =	vld [tilespmem:s22+$0x142F0]  }
0x20e: {  	v6 =	vmul.f32 $1.442695020e+00, v6;
	(erf) = vpow2.f32 v3;
	v3 =	vld [tilespmem:s22+$0x14280]  }
0x20f: {  	v7 =	vmul.f32 $1.442695020e+00, v7;
	(erf) = vpow2.f32 v4;
	v4 =	vld [tilespmem:s22+$0x14290]  }
0x210: {  	v8 =	vmul.f32 $1.442695020e+00, v8;
	(erf) = vpow2.f32 v5;
	v5 =	vld [tilespmem:s22+$0x142A0]  }
0x211: {  	v9 =	vmul.f32 $1.442695020e+00, v9;
	(erf) = vpow2.f32 v6  }
0x212: {  	v6 =	vld [tilespmem:s22+$0x142B0];
	(erf) = vpow2.f32 v7;
	v2 =	vmul.f32 $1.442695020e+00, v2  }
0x213: {  	v7 =	vld [tilespmem:s22+$0x142C0];
	(erf) = vpow2.f32 v8;
	v8 =	vmul.f32 $1.442695020e+00, v3  }
0x214: {  	v11 =	vld [tilespmem:s22+$0x142D0];
	(erf) = vpow2.f32 v9;
	v4 =	vmul.f32 $1.442695020e+00, v4  }
0x215: {  	s29 =	simm.s32 $0x200;
	v9 =	vld [tilespmem:s22+$0x142E0];
	(erf) = vpow2.f32 v2;
	v5 =	vmul.f32 $1.442695020e+00, v5  }
0x216: {  	v13 =	vld [tilespmem:s29+$0x142F0];
	(erf) = vpow2.f32 v8  }
0x217: {  	v2 =	vpop (erf);
	v6 =	vmul.f32 $1.442695020e+00, v6;
	(erf) = vpow2.f32 v4  }
0x218: {  	v8 =	vld [tilespmem:s29+$0x14280];
	v12 =	vmul.f32 $1.442695020e+00, v7;
	v4 =	vpop (erf);
	(erf) = vpow2.f32 v5  }
0x219: {  	v14 =	vld [tilespmem:s29+$0x14290];
	v15 =	vmul.f32 $1.442695020e+00, v11;
	v3 =	vimm.f32 $0.0e+00;
	v5 =	vpop (erf);
	(erf) = vpow2.f32 v6  }
0x21a: {  	v10 =	vld [tilespmem:s29+$0x142A0];
	v17 =	vmul.f32 $1.442695020e+00, v9;
	v7 =	vadd.f32 v5, v3;
	v5 =	vpop (erf);
	(erf) = vpow2.f32 v12  }
0x21b: {  	v11 =	vld [tilespmem:s29+$0x142B0];
	v18 =	vmul.f32 $1.442695020e+00, v13;
	v9 =	vadd.f32 v5, v3;
	v5 =	vpop (erf);
	(erf) = vpow2.f32 v15  }
0x21c: {  	v2 =	vadd.f32 v2, v3;
	v12 =	vld [tilespmem:s29+$0x142C0];
	v6 =	vadd.f32 v5, v3;
	v5 =	vpop (erf);
	(erf) = vpow2.f32 v17  }
0x21d: {  	v13 =	vld [tilespmem:s29+$0x142D0];
	v4 =	vadd.f32 v4, v3;
	v16 =	vmul.f32 $1.442695020e+00, v8;
	v8 =	vpop (erf);
	(erf) = vpow2.f32 v18  }
0x21e: {  	s21 =	simm.s32 $0x300;
	s22 =	simm.s32 $0x1000;
	v15 =	vld [tilespmem:s29+$0x142E0];
	v17 =	vmul.f32 $1.442695020e+00, v14;
	v5 =	vadd.f32 v5, v3;
	v8 =	vadd.f32 v8, v3;
	v14 =	vpop (erf)  }
.LBB2_13:
0x21f: {  	p0 =	sne.s32 s22, $0xFC00;
	v18 =	vld [tilespmem:s21+$0x142F0];
	v10 =	vmul.f32 $1.442695020e+00, v10;
	(erf) = vpow2.f32 v16;
	v16 =	vpop (erf);
	v3 =	vadd.f32 v14, v3  }
0x220: {  	v14 =	vld [tilespmem:s21+$0x14280];
	v11 =	vmul.f32 $1.442695020e+00, v11;
	(erf) = vpow2.f32 v17;
	v2 =	vadd.f32 v16, v2;
	v16 =	vpop (erf)  }
0x221: {  	v17 =	vld [tilespmem:s21+$0x14290];
	v12 =	vmul.f32 $1.442695020e+00, v12;
	(erf) = vpow2.f32 v10;
	v4 =	vadd.f32 v16, v4;
	v16 =	vpop (erf)  }
.Ltmp7:
0x222: {  	v10 =	vld [tilespmem:s21+$0x142A0];
	v13 =	vmul.f32 $1.442695020e+00, v13;
	(erf) = vpow2.f32 v11;
	v7 =	vadd.f32 v16, v7;
	v16 =	vpop (erf);
	(pc) =	sbr.rel @p0 .LBB2_13-.Ltmp7, $4  }
0x223: {  	v11 =	vld [tilespmem:s21+$0x142B0];
	v15 =	vmul.f32 $1.442695020e+00, v15;
	(erf) = vpow2.f32 v12;
	v9 =	vadd.f32 v16, v9;
	v16 =	vpop (erf)  }
0x224: {  	v12 =	vld [tilespmem:s21+$0x142C0];
	v18 =	vmul.f32 $1.442695020e+00, v18;
	(erf) = vpow2.f32 v13;
	v6 =	vadd.f32 v16, v6;
	v19 =	vpop (erf)  }
0x225: {  	v16 =	vmul.f32 $1.442695020e+00, v14;
	v13 =	vld [tilespmem:s21+$0x142D0];
	(erf) = vpow2.f32 v15;
	v5 =	vadd.f32 v19, v5;
	v14 =	vpop (erf)  }
0x226: {  	v17 =	vmul.f32 $1.442695020e+00, v17;
	v15 =	vld [tilespmem:s21+$0x142E0];
	s21 =	sshra.s32 s22, $0x2;
	s22 =	sadd.s32 $0x400, s22;
	(erf) = vpow2.f32 v18;
	v8 =	vadd.f32 v14, v8;
	v14 =	vpop (erf)  }
0x227: {  	v18 =	vld [tilespmem:s21+$0x142F0];
	v10 =	vmul.f32 $1.442695020e+00, v10  }
0x228: {  	v19 =	vld [tilespmem:s21+$0x14280];
	v11 =	vmul.f32 $1.442695020e+00, v11  }
0x229: {  	(erf) = vpow2.f32 v16;
	v16 =	vpop (erf);
	v12 =	vmul.f32 $1.442695020e+00, v12  }
0x22a: {  	(erf) = vpow2.f32 v17;
	v17 =	vpop (erf);
	v13 =	vmul.f32 $1.442695020e+00, v13  }
0x22b: {  	v20 =	vld [tilespmem:s21+$0x14290];
	(erf) = vpow2.f32 v10;
	v10 =	vpop (erf);
	v15 =	vmul.f32 $1.442695020e+00, v15  }
0x22c: {  	v21 =	vld [tilespmem:s21+$0x142A0];
	(erf) = vpow2.f32 v11;
	v11 =	vpop (erf);
	v18 =	vmul.f32 $1.442695020e+00, v18  }
0x22d: {  	(erf) = vpow2.f32 v12;
	v19 =	vmul.f32 $1.442695020e+00, v19;
	v12 =	vpop (erf)  }
0x22e: {  	v22 =	vld [tilespmem:s21+$0x142B0];
	(erf) = vpow2.f32 v13;
	v13 =	vpop (erf)  }
0x22f: {  	(erf) = vpow2.f32 v15;
	v15 =	vpop (erf)  }
0x230: {  	v23 =	vld [tilespmem:s21+$0x142C0];
	v20 =	vmul.f32 $1.442695020e+00, v20;
	(erf) = vpow2.f32 v18;
	v18 =	vpop (erf)  }
0x231: {  	v24 =	vld [tilespmem:s21+$0x142D0];
	v21 =	vmul.f32 $1.442695020e+00, v21;
	(erf) = vpow2.f32 v19;
	v19 =	vpop (erf)  }
0x232: {  	(erf) = vpow2.f32 v20;
	v60 =	vpop (erf)  }
0x233: {  	v22 =	vmul.f32 $1.442695020e+00, v22;
	v25 =	vpop (erf);
	(erf) = vpow2.f32 v21  }
0x234: {  	v26 =	vld [tilespmem:s21+$0x142E0];
	v61 =	vpop (erf)  }
0x235: {  	v23 =	vmul.f32 $1.442695020e+00, v23;
	v27 =	vpop (erf);
	(erf) = vpow2.f32 v22  }
0x236: {  	v7 =	vadd.f32 v10, v7;
	v10 =	vmul.f32 $1.442695020e+00, v24;
	v62 =	vpop (erf)  }
0x237: {  	v3 =	vadd.f32 v14, v3;
	v14 =	vpop (erf);
	(erf) = vpow2.f32 v23  }
0x238: {  	v4 =	vadd.f32 v17, v4;
	v17 =	vpop (erf)  }
0x239: {  	v63 =	vmul.f32 $1.442695020e+00, v26;
	v9 =	vadd.f32 v11, v9;
	v6 =	vadd.f32 v12, v6;
	v11 =	vpop (erf)  }
0x23a: {  	v4 =	vadd.f32 v60, v4;
	v7 =	vadd.f32 v25, v7;
	(erf) = vpow2.f32 v10;
	v10 =	vpop (erf)  }
0x23b: {  	v5 =	vadd.f32 v13, v5;
	v9 =	vadd.f32 v61, v9;
	v12 =	vpop (erf)  }
0x23c: {  	(erf) = vpow2.f32 v63;
	v4 =	vadd.f32 v10, v4;
	v7 =	vadd.f32 v12, v7;
	v10 =	vpop (erf)  }
0x23d: {  	v6 =	vadd.f32 v27, v6;
	v9 =	vadd.f32 v10, v9  }
0x23e: {  	v4 =	vadd.f32 v7, v4;
	v7 =	vadd.f32 v15, v8;
	v8 =	vpop (erf)  }
0x23f: {  	v5 =	vadd.f32 v62, v5;
	v6 =	vadd.f32 v8, v6  }
0x240: {  	v4 =	vadd.f32 v9, v4;
	v8 =	vpop (erf)  }
0x241: {  	v3 =	vadd.f32 v18, v3;
	v5 =	vadd.f32 v8, v5  }
0x242: {  	v7 =	vadd.f32 v14, v7;
	v4 =	vadd.f32 v6, v4  }
0x243: {  	v2 =	vadd.f32 v16, v2;
	v3 =	vadd.f32 v17, v3;
	v6 =	vpop (erf)  }
0x244: {  	v6 =	vadd.f32 v6, v7;
	v4 =	vadd.f32 v5, v4  }
0x245: {  	v2 =	vadd.f32 v19, v2;
	v5 =	vpop (erf)  }
0x246: {  	v3 =	vadd.f32 v5, v3;
	v4 =	vadd.f32 v6, v4;
	_ =	sdelay $0x1  }
0x247: {  	v2 =	vadd.f32 v11, v2;
	v3 =	vadd.f32 v3, v4;
	_ =	sdelay $0x1  }
0x248: {  	v2 =	vadd.f32 v2, v3;
	_ =	sdelay $0x1  }
0x249: {  	s21 =	sadd.s32 s24, s17;
	[tilespmem:s5+$0x4280] =	vst v2  }
0x24a: {  	[hbm4b:s21+s6] =	stream.strided.scatter [tilespmem:s19], [sflag:$0x7], $0x4000, s7, s6, $0x38;
	[tilespmem:$0x1C200] =	vst v63  }
0x24b: {  	p0 =	seq.s32 s23, $0x1F;
	_ =	swait.ge [sflag:s0], $0x4000  }
0x24c: {  	s5 =	sshll.u32 @!p0 s23, $0x9;
	[sflag:s0] =	ssyncset.done $0x0  }
0x24d: {  	s5 =	sand.u32 @!p0 $0x3FFFFE00, s5;
	[sflag:s0] =	ssyncadd.s32 $0xFFFFC000  }
0x24e: {  	v2 =	vld.msk @!p0 [tilespmem:s5+$0x200], $0x3;
	_ =	sdelay $0x4  }
0x24f: {  	v3 =	vshll.u32 @!p0 v2, $0x6  }
0x250: {  	v4 =	vlaneseq.u32 @!p0;
	v2 =	vand.u32 @!p0 $0x7, v2;
	v3 =	vand.u32 @!p0 $0xFFFFFE00, v3  }
0x251: {  	v2 =	vor.u32 @!p0 v2, v3;
	v3 =	vand.u32 @!p0 $0x1, v4;
	v4 =	vshrl.u32 @!p0 v4, $0x1  }
0x252: {  	v2 =	vperm.xlane @!p0 v2, v3;
	v3 =	vmul.u32 @!p0 $0x8, v4;
	_ =	sdelay $0x1  }
0x253: {  	v2 =	vadd.s32 @!p0 v3, v2;
	_ =	sdelay $0x3  }
0x254: {  	vm1 =	vmmov @!p0 $0xffff;
	s15 =	simm.s32 @!p0 $0xC200;
	s5 =	simm.s32 @!p0 $0x0  }
0x255: {  	[tilespmem:s15], [sflag:$0x1] =	stream.indirect_vreg.gather @!p0 [hbm4b:s1+s5], $0x80, v2, vm1, $0xb8;
	[tilespmem:$0x1C200] =	vst v63  }
0x256: {  	s15 =	simm.s32 @!p0 $0xCA00  }
0x257: {  	[tilespmem:s15], [sflag:$0x1] =	stream.indirect_vreg.gather @!p0 [hbm4b:s8+s5], $0x80, v2, vm1, $0xb8;
	[tilespmem:$0x1C200] =	vst v63  }
0x258: {  	s15 =	simm.s32 @!p0 $0xD200  }
0x259: {  	[tilespmem:s15], [sflag:$0x1] =	stream.indirect_vreg.gather @!p0 [hbm4b:s9+s5], $0x80, v2, vm1, $0xb8;
	[tilespmem:$0x1C200] =	vst v63  }
0x25a: {  	s15 =	simm.s32 @!p0 $0xDA00  }
0x25b: {  	[tilespmem:s15], [sflag:$0x1] =	stream.indirect_vreg.gather @!p0 [hbm4b:s10+s5], $0x80, v2, vm1, $0xb8;
	[tilespmem:$0x1C200] =	vst v63  }
0x25c: {  	s15 =	simm.s32 @!p0 $0xE200  }
0x25d: {  	[tilespmem:s15], [sflag:$0x1] =	stream.indirect_vreg.gather @!p0 [hbm4b:s11+s5], $0x80, v2, vm1, $0xb8;
	[tilespmem:$0x1C200] =	vst v63  }
0x25e: {  	s15 =	simm.s32 @!p0 $0xEA00  }
0x25f: {  	[tilespmem:s15], [sflag:$0x1] =	stream.indirect_vreg.gather @!p0 [hbm4b:s12+s5], $0x80, v2, vm1, $0xb8;
	[tilespmem:$0x1C200] =	vst v63  }
0x260: {  	s15 =	simm.s32 @!p0 $0xF200  }
0x261: {  	[tilespmem:s15], [sflag:$0x1] =	stream.indirect_vreg.gather @!p0 [hbm4b:s13+s5], $0x80, v2, vm1, $0xb8;
	[tilespmem:$0x1C200] =	vst v63  }
0x262: {  	s15 =	simm.s32 @!p0 $0xFA00  }
0x263: {  	[tilespmem:s15], [sflag:$0x1] =	stream.indirect_vreg.gather @!p0 [hbm4b:s14+s5], $0x80, v2, vm1, $0xb8;
	[tilespmem:$0x1C200] =	vst v63  }
0x264: {  	_ =	swait.ge [sflag:s2], $0x4000  }
0x265: {  	[sflag:s2] =	ssyncset.done $0x0  }
0x266: {  	s22 =	simm.s32 $0x0;
	[sflag:s2] =	ssyncadd.s32 $0xFFFFC000  }
0x267: {  	v2 =	vld [tilespmem:s22+$0x18270]  }
0x268: {  	v3 =	vld [tilespmem:s22+$0x18200]  }
0x269: {  	v4 =	vld [tilespmem:s22+$0x18210]  }
0x26a: {  	v5 =	vld [tilespmem:s22+$0x18220]  }
0x26b: {  	v6 =	vld [tilespmem:s22+$0x18230]  }
0x26c: {  	v7 =	vld [tilespmem:s22+$0x18240]  }
0x26d: {  	v8 =	vld [tilespmem:s22+$0x18250];
	v2 =	vmul.f32 $1.442695020e+00, v2  }
0x26e: {  	s29 =	simm.s32 $0x100;
	v9 =	vld [tilespmem:s22+$0x18260];
	v3 =	vmul.f32 $1.442695020e+00, v3;
	v4 =	vmul.f32 $1.442695020e+00, v4  }
0x26f: {  	v5 =	vmul.f32 $1.442695020e+00, v5;
	(erf) = vpow2.f32 v2;
	v2 =	vld [tilespmem:s29+$0x18270]  }
0x270: {  	v6 =	vmul.f32 $1.442695020e+00, v6;
	(erf) = vpow2.f32 v3;
	v3 =	vld [tilespmem:s29+$0x18200]  }
0x271: {  	v7 =	vmul.f32 $1.442695020e+00, v7;
	(erf) = vpow2.f32 v4;
	v4 =	vld [tilespmem:s29+$0x18210]  }
0x272: {  	v8 =	vmul.f32 $1.442695020e+00, v8;
	(erf) = vpow2.f32 v5;
	v5 =	vld [tilespmem:s29+$0x18220]  }
0x273: {  	v9 =	vmul.f32 $1.442695020e+00, v9;
	(erf) = vpow2.f32 v6  }
0x274: {  	v6 =	vld [tilespmem:s29+$0x18230];
	(erf) = vpow2.f32 v7;
	v2 =	vmul.f32 $1.442695020e+00, v2  }
0x275: {  	v7 =	vld [tilespmem:s29+$0x18240];
	(erf) = vpow2.f32 v8;
	v8 =	vmul.f32 $1.442695020e+00, v3  }
0x276: {  	v11 =	vld [tilespmem:s29+$0x18250];
	(erf) = vpow2.f32 v9;
	v4 =	vmul.f32 $1.442695020e+00, v4  }
0x277: {  	s22 =	simm.s32 $0x200;
	v9 =	vld [tilespmem:s29+$0x18260];
	(erf) = vpow2.f32 v2;
	v5 =	vmul.f32 $1.442695020e+00, v5  }
0x278: {  	v13 =	vld [tilespmem:s22+$0x18270];
	(erf) = vpow2.f32 v8  }
0x279: {  	v2 =	vpop (erf);
	v6 =	vmul.f32 $1.442695020e+00, v6;
	(erf) = vpow2.f32 v4  }
0x27a: {  	v8 =	vld [tilespmem:s22+$0x18200];
	v12 =	vmul.f32 $1.442695020e+00, v7;
	v4 =	vpop (erf);
	(erf) = vpow2.f32 v5  }
0x27b: {  	v14 =	vld [tilespmem:s22+$0x18210];
	v15 =	vmul.f32 $1.442695020e+00, v11;
	v3 =	vimm.f32 $0.0e+00;
	v5 =	vpop (erf);
	(erf) = vpow2.f32 v6  }
0x27c: {  	v10 =	vld [tilespmem:s22+$0x18220];
	v17 =	vmul.f32 $1.442695020e+00, v9;
	v7 =	vadd.f32 v5, v3;
	v5 =	vpop (erf);
	(erf) = vpow2.f32 v12  }
0x27d: {  	v11 =	vld [tilespmem:s22+$0x18230];
	v18 =	vmul.f32 $1.442695020e+00, v13;
	v9 =	vadd.f32 v5, v3;
	v5 =	vpop (erf);
	(erf) = vpow2.f32 v15  }
0x27e: {  	v2 =	vadd.f32 v2, v3;
	v12 =	vld [tilespmem:s22+$0x18240];
	v6 =	vadd.f32 v5, v3;
	v5 =	vpop (erf);
	(erf) = vpow2.f32 v17  }
0x27f: {  	v13 =	vld [tilespmem:s22+$0x18250];
	v4 =	vadd.f32 v4, v3;
	v16 =	vmul.f32 $1.442695020e+00, v8;
	v8 =	vpop (erf);
	(erf) = vpow2.f32 v18  }
0x280: {  	s21 =	simm.s32 $0x1000;
	s5 =	simm.s32 $0x300;
	v15 =	vld [tilespmem:s22+$0x18260];
	v17 =	vmul.f32 $1.442695020e+00, v14;
	v5 =	vadd.f32 v5, v3;
	v8 =	vadd.f32 v8, v3;
	v14 =	vpop (erf)  }
.LBB2_15:
0x281: {  	p1 =	sne.s32 s21, $0xFC00;
	v18 =	vld [tilespmem:s5+$0x18270];
	v10 =	vmul.f32 $1.442695020e+00, v10;
	(erf) = vpow2.f32 v16;
	v16 =	vpop (erf);
	v3 =	vadd.f32 v14, v3  }
0x282: {  	v14 =	vld [tilespmem:s5+$0x18200];
	v11 =	vmul.f32 $1.442695020e+00, v11;
	(erf) = vpow2.f32 v17;
	v2 =	vadd.f32 v16, v2;
	v16 =	vpop (erf)  }
0x283: {  	v17 =	vld [tilespmem:s5+$0x18210];
	v12 =	vmul.f32 $1.442695020e+00, v12;
	(erf) = vpow2.f32 v10;
	v4 =	vadd.f32 v16, v4;
	v16 =	vpop (erf)  }
.Ltmp8:
0x284: {  	v10 =	vld [tilespmem:s5+$0x18220];
	v13 =	vmul.f32 $1.442695020e+00, v13;
	(erf) = vpow2.f32 v11;
	v7 =	vadd.f32 v16, v7;
	v16 =	vpop (erf);
	(pc) =	sbr.rel @p1 .LBB2_15-.Ltmp8, $4  }
0x285: {  	v11 =	vld [tilespmem:s5+$0x18230];
	v15 =	vmul.f32 $1.442695020e+00, v15;
	(erf) = vpow2.f32 v12;
	v9 =	vadd.f32 v16, v9;
	v16 =	vpop (erf)  }
0x286: {  	v12 =	vld [tilespmem:s5+$0x18240];
	v18 =	vmul.f32 $1.442695020e+00, v18;
	(erf) = vpow2.f32 v13;
	v6 =	vadd.f32 v16, v6;
	v19 =	vpop (erf)  }
0x287: {  	v16 =	vmul.f32 $1.442695020e+00, v14;
	v13 =	vld [tilespmem:s5+$0x18250];
	(erf) = vpow2.f32 v15;
	v5 =	vadd.f32 v19, v5;
	v14 =	vpop (erf)  }
0x288: {  	v17 =	vmul.f32 $1.442695020e+00, v17;
	v15 =	vld [tilespmem:s5+$0x18260];
	s5 =	sshra.s32 s21, $0x2;
	s21 =	sadd.s32 $0x400, s21;
	(erf) = vpow2.f32 v18;
	v8 =	vadd.f32 v14, v8;
	v14 =	vpop (erf)  }
0x289: {  	v18 =	vld [tilespmem:s5+$0x18270];
	v10 =	vmul.f32 $1.442695020e+00, v10  }
0x28a: {  	v19 =	vld [tilespmem:s5+$0x18200];
	v11 =	vmul.f32 $1.442695020e+00, v11  }
0x28b: {  	(erf) = vpow2.f32 v16;
	v16 =	vpop (erf);
	v12 =	vmul.f32 $1.442695020e+00, v12  }
0x28c: {  	(erf) = vpow2.f32 v17;
	v17 =	vpop (erf);
	v13 =	vmul.f32 $1.442695020e+00, v13  }
0x28d: {  	v20 =	vld [tilespmem:s5+$0x18210];
	(erf) = vpow2.f32 v10;
	v10 =	vpop (erf);
	v15 =	vmul.f32 $1.442695020e+00, v15  }
0x28e: {  	v21 =	vld [tilespmem:s5+$0x18220];
	(erf) = vpow2.f32 v11;
	v11 =	vpop (erf);
	v18 =	vmul.f32 $1.442695020e+00, v18  }
0x28f: {  	(erf) = vpow2.f32 v12;
	v19 =	vmul.f32 $1.442695020e+00, v19;
	v12 =	vpop (erf)  }
0x290: {  	v22 =	vld [tilespmem:s5+$0x18230];
	(erf) = vpow2.f32 v13;
	v13 =	vpop (erf)  }
0x291: {  	(erf) = vpow2.f32 v15;
	v15 =	vpop (erf)  }
0x292: {  	v23 =	vld [tilespmem:s5+$0x18240];
	v20 =	vmul.f32 $1.442695020e+00, v20;
	(erf) = vpow2.f32 v18;
	v18 =	vpop (erf)  }
0x293: {  	v24 =	vld [tilespmem:s5+$0x18250];
	v21 =	vmul.f32 $1.442695020e+00, v21;
	(erf) = vpow2.f32 v19;
	v19 =	vpop (erf)  }
0x294: {  	(erf) = vpow2.f32 v20;
	v60 =	vpop (erf)  }
0x295: {  	v22 =	vmul.f32 $1.442695020e+00, v22;
	v25 =	vpop (erf);
	(erf) = vpow2.f32 v21  }
0x296: {  	v26 =	vld [tilespmem:s5+$0x18260];
	v61 =	vpop (erf)  }
0x297: {  	v23 =	vmul.f32 $1.442695020e+00, v23;
	v27 =	vpop (erf);
	(erf) = vpow2.f32 v22  }
0x298: {  	v7 =	vadd.f32 v10, v7;
	v10 =	vmul.f32 $1.442695020e+00, v24;
	v62 =	vpop (erf)  }
0x299: {  	v3 =	vadd.f32 v14, v3;
	v14 =	vpop (erf);
	(erf) = vpow2.f32 v23  }
0x29a: {  	v4 =	vadd.f32 v17, v4;
	v17 =	vpop (erf)  }
0x29b: {  	v63 =	vmul.f32 $1.442695020e+00, v26;
	v9 =	vadd.f32 v11, v9;
	v6 =	vadd.f32 v12, v6;
	v11 =	vpop (erf)  }
0x29c: {  	v4 =	vadd.f32 v60, v4;
	v7 =	vadd.f32 v25, v7;
	(erf) = vpow2.f32 v10;
	v10 =	vpop (erf)  }
0x29d: {  	v5 =	vadd.f32 v13, v5;
	v9 =	vadd.f32 v61, v9;
	v12 =	vpop (erf)  }
0x29e: {  	(erf) = vpow2.f32 v63;
	v4 =	vadd.f32 v10, v4;
	v7 =	vadd.f32 v12, v7;
	v10 =	vpop (erf)  }
0x29f: {  	v6 =	vadd.f32 v27, v6;
	v9 =	vadd.f32 v10, v9  }
0x2a0: {  	v4 =	vadd.f32 v7, v4;
	v7 =	vadd.f32 v15, v8;
	v8 =	vpop (erf)  }
0x2a1: {  	v5 =	vadd.f32 v62, v5;
	v6 =	vadd.f32 v8, v6  }
0x2a2: {  	v4 =	vadd.f32 v9, v4;
	v8 =	vpop (erf)  }
0x2a3: {  	v3 =	vadd.f32 v18, v3;
	v5 =	vadd.f32 v8, v5  }
0x2a4: {  	v7 =	vadd.f32 v14, v7;
	v4 =	vadd.f32 v6, v4  }
0x2a5: {  	v2 =	vadd.f32 v16, v2;
	v3 =	vadd.f32 v17, v3;
	v6 =	vpop (erf)  }
0x2a6: {  	v6 =	vadd.f32 v6, v7;
	v4 =	vadd.f32 v5, v4  }
0x2a7: {  	v2 =	vadd.f32 v19, v2;
	v5 =	vpop (erf)  }
0x2a8: {  	v3 =	vadd.f32 v5, v3;
	v4 =	vadd.f32 v6, v4;
	_ =	sdelay $0x1  }
0x2a9: {  	v2 =	vadd.f32 v11, v2;
	v3 =	vadd.f32 v3, v4;
	_ =	sdelay $0x1  }
0x2aa: {  	s21 =	sshll.u32 s20, $0x8;
	v2 =	vadd.f32 v2, v3  }
0x2ab: {  	s5 =	sand.u32 $0x3FFFFF00, s21  }
0x2ac: {  	s15 =	simm.s32 $0x0;
	[tilespmem:s5+$0x4200] =	vst v2  }
0x2ad: {  	v2 =	vld [tilespmem:s15+$0x182F0]  }
0x2ae: {  	v3 =	vld [tilespmem:s15+$0x18280]  }
0x2af: {  	v4 =	vld [tilespmem:s15+$0x18290]  }
0x2b0: {  	v5 =	vld [tilespmem:s15+$0x182A0]  }
0x2b1: {  	v6 =	vld [tilespmem:s15+$0x182B0]  }
0x2b2: {  	v7 =	vld [tilespmem:s15+$0x182C0]  }
0x2b3: {  	v8 =	vld [tilespmem:s15+$0x182D0];
	v2 =	vmul.f32 $1.442695020e+00, v2  }
0x2b4: {  	s22 =	simm.s32 $0x100;
	v9 =	vld [tilespmem:s15+$0x182E0];
	v3 =	vmul.f32 $1.442695020e+00, v3;
	v4 =	vmul.f32 $1.442695020e+00, v4  }
0x2b5: {  	v5 =	vmul.f32 $1.442695020e+00, v5;
	(erf) = vpow2.f32 v2;
	v2 =	vld [tilespmem:s22+$0x182F0]  }
0x2b6: {  	v6 =	vmul.f32 $1.442695020e+00, v6;
	(erf) = vpow2.f32 v3;
	v3 =	vld [tilespmem:s22+$0x18280]  }
0x2b7: {  	v7 =	vmul.f32 $1.442695020e+00, v7;
	(erf) = vpow2.f32 v4;
	v4 =	vld [tilespmem:s22+$0x18290]  }
0x2b8: {  	v8 =	vmul.f32 $1.442695020e+00, v8;
	(erf) = vpow2.f32 v5;
	v5 =	vld [tilespmem:s22+$0x182A0]  }
0x2b9: {  	v9 =	vmul.f32 $1.442695020e+00, v9;
	(erf) = vpow2.f32 v6  }
0x2ba: {  	v6 =	vld [tilespmem:s22+$0x182B0];
	(erf) = vpow2.f32 v7;
	v2 =	vmul.f32 $1.442695020e+00, v2  }
0x2bb: {  	v7 =	vld [tilespmem:s22+$0x182C0];
	(erf) = vpow2.f32 v8;
	v8 =	vmul.f32 $1.442695020e+00, v3  }
0x2bc: {  	v11 =	vld [tilespmem:s22+$0x182D0];
	(erf) = vpow2.f32 v9;
	v4 =	vmul.f32 $1.442695020e+00, v4  }
0x2bd: {  	s29 =	simm.s32 $0x200;
	v9 =	vld [tilespmem:s22+$0x182E0];
	(erf) = vpow2.f32 v2;
	v5 =	vmul.f32 $1.442695020e+00, v5  }
0x2be: {  	v13 =	vld [tilespmem:s29+$0x182F0];
	(erf) = vpow2.f32 v8  }
0x2bf: {  	v2 =	vpop (erf);
	v6 =	vmul.f32 $1.442695020e+00, v6;
	(erf) = vpow2.f32 v4  }
0x2c0: {  	v8 =	vld [tilespmem:s29+$0x18280];
	v12 =	vmul.f32 $1.442695020e+00, v7;
	v4 =	vpop (erf);
	(erf) = vpow2.f32 v5  }
0x2c1: {  	v14 =	vld [tilespmem:s29+$0x18290];
	v15 =	vmul.f32 $1.442695020e+00, v11;
	v3 =	vimm.f32 $0.0e+00;
	v5 =	vpop (erf);
	(erf) = vpow2.f32 v6  }
0x2c2: {  	v10 =	vld [tilespmem:s29+$0x182A0];
	v17 =	vmul.f32 $1.442695020e+00, v9;
	v7 =	vadd.f32 v5, v3;
	v5 =	vpop (erf);
	(erf) = vpow2.f32 v12  }
0x2c3: {  	v11 =	vld [tilespmem:s29+$0x182B0];
	v18 =	vmul.f32 $1.442695020e+00, v13;
	v9 =	vadd.f32 v5, v3;
	v5 =	vpop (erf);
	(erf) = vpow2.f32 v15  }
0x2c4: {  	v2 =	vadd.f32 v2, v3;
	v12 =	vld [tilespmem:s29+$0x182C0];
	v6 =	vadd.f32 v5, v3;
	v5 =	vpop (erf);
	(erf) = vpow2.f32 v17  }
0x2c5: {  	v13 =	vld [tilespmem:s29+$0x182D0];
	v4 =	vadd.f32 v4, v3;
	v16 =	vmul.f32 $1.442695020e+00, v8;
	v8 =	vpop (erf);
	(erf) = vpow2.f32 v18  }
0x2c6: {  	s20 =	simm.s32 $0x300;
	s21 =	simm.s32 $0x1000;
	v15 =	vld [tilespmem:s29+$0x182E0];
	v17 =	vmul.f32 $1.442695020e+00, v14;
	v5 =	vadd.f32 v5, v3;
	v8 =	vadd.f32 v8, v3;
	v14 =	vpop (erf)  }
.LBB2_17:
0x2c7: {  	p1 =	sne.s32 s21, $0xFC00;
	v18 =	vld [tilespmem:s20+$0x182F0];
	v10 =	vmul.f32 $1.442695020e+00, v10;
	(erf) = vpow2.f32 v16;
	v16 =	vpop (erf);
	v3 =	vadd.f32 v14, v3  }
0x2c8: {  	v14 =	vld [tilespmem:s20+$0x18280];
	v11 =	vmul.f32 $1.442695020e+00, v11;
	(erf) = vpow2.f32 v17;
	v2 =	vadd.f32 v16, v2;
	v16 =	vpop (erf)  }
0x2c9: {  	v17 =	vld [tilespmem:s20+$0x18290];
	v12 =	vmul.f32 $1.442695020e+00, v12;
	(erf) = vpow2.f32 v10;
	v4 =	vadd.f32 v16, v4;
	v16 =	vpop (erf)  }
.Ltmp9:
0x2ca: {  	v10 =	vld [tilespmem:s20+$0x182A0];
	v13 =	vmul.f32 $1.442695020e+00, v13;
	(erf) = vpow2.f32 v11;
	v7 =	vadd.f32 v16, v7;
	v16 =	vpop (erf);
	(pc) =	sbr.rel @p1 .LBB2_17-.Ltmp9, $4  }
0x2cb: {  	v11 =	vld [tilespmem:s20+$0x182B0];
	v15 =	vmul.f32 $1.442695020e+00, v15;
	(erf) = vpow2.f32 v12;
	v9 =	vadd.f32 v16, v9;
	v16 =	vpop (erf)  }
0x2cc: {  	v12 =	vld [tilespmem:s20+$0x182C0];
	v18 =	vmul.f32 $1.442695020e+00, v18;
	(erf) = vpow2.f32 v13;
	v6 =	vadd.f32 v16, v6;
	v19 =	vpop (erf)  }
0x2cd: {  	v16 =	vmul.f32 $1.442695020e+00, v14;
	v13 =	vld [tilespmem:s20+$0x182D0];
	(erf) = vpow2.f32 v15;
	v5 =	vadd.f32 v19, v5;
	v14 =	vpop (erf)  }
0x2ce: {  	v17 =	vmul.f32 $1.442695020e+00, v17;
	v15 =	vld [tilespmem:s20+$0x182E0];
	s20 =	sshra.s32 s21, $0x2;
	s21 =	sadd.s32 $0x400, s21;
	(erf) = vpow2.f32 v18;
	v8 =	vadd.f32 v14, v8;
	v14 =	vpop (erf)  }
0x2cf: {  	v18 =	vld [tilespmem:s20+$0x182F0];
	v10 =	vmul.f32 $1.442695020e+00, v10;
	(erf) = vpow2.f32 v16;
	v39 =	vpop (erf)  }
0x2d0: {  	v19 =	vld [tilespmem:s20+$0x18280];
	v11 =	vmul.f32 $1.442695020e+00, v11;
	(erf) = vpow2.f32 v17;
	v40 =	vpop (erf)  }
0x2d1: {  	v20 =	vld [tilespmem:s20+$0x18290];
	v12 =	vmul.f32 $1.442695020e+00, v12;
	(erf) = vpow2.f32 v10;
	v41 =	vpop (erf)  }
0x2d2: {  	v13 =	vmul.f32 $1.442695020e+00, v13;
	(erf) = vpow2.f32 v11;
	v42 =	vpop (erf)  }
0x2d3: {  	v21 =	vld [tilespmem:s20+$0x182A0];
	v15 =	vmul.f32 $1.442695020e+00, v15;
	(erf) = vpow2.f32 v12;
	v43 =	vpop (erf)  }
0x2d4: {  	v18 =	vmul.f32 $1.442695020e+00, v18;
	(erf) = vpow2.f32 v13;
	v44 =	vpop (erf)  }
0x2d5: {  	v22 =	vld [tilespmem:s20+$0x182B0];
	v19 =	vmul.f32 $1.442695020e+00, v19;
	(erf) = vpow2.f32 v15;
	v45 =	vpop (erf)  }
0x2d6: {  	v20 =	vmul.f32 $1.442695020e+00, v20;
	(erf) = vpow2.f32 v18;
	v46 =	vpop (erf)  }
0x2d7: {  	v23 =	vld [tilespmem:s20+$0x182C0];
	(erf) = vpow2.f32 v19;
	v47 =	vpop (erf)  }
0x2d8: {  	v21 =	vmul.f32 $1.442695020e+00, v21;
	(erf) = vpow2.f32 v20;
	v48 =	vpop (erf)  }
0x2d9: {  	v24 =	vld [tilespmem:s20+$0x182D0];
	v25 =	vpop (erf)  }
0x2da: {  	v26 =	vld [tilespmem:s20+$0x182E0];
	v22 =	vmul.f32 $1.442695020e+00, v22;
	(erf) = vpow2.f32 v21;
	v49 =	vpop (erf)  }
0x2db: {  	v27 =	vpop (erf)  }
0x2dc: {  	v23 =	vmul.f32 $1.442695020e+00, v23;
	(erf) = vpow2.f32 v22;
	v50 =	vpop (erf)  }
0x2dd: {  	v4 =	vadd.f32 v40, v4;
	v51 =	vpop (erf)  }
0x2de: {  	v7 =	vadd.f32 v41, v7;
	v52 =	vmul.f32 $1.442695020e+00, v24;
	(erf) = vpow2.f32 v23;
	v53 =	vpop (erf)  }
0x2df: {  	v3 =	vadd.f32 v14, v3;
	v9 =	vadd.f32 v42, v9;
	v55 =	vmul.f32 $1.442695020e+00, v26;
	v54 =	vpop (erf)  }
0x2e0: {  	v4 =	vadd.f32 v48, v4;
	v7 =	vadd.f32 v25, v7;
	(erf) = vpow2.f32 v52;
	v56 =	vpop (erf)  }
0x2e1: {  	v6 =	vadd.f32 v43, v6;
	v9 =	vadd.f32 v49, v9;
	v57 =	vpop (erf)  }
0x2e2: {  	(erf) = vpow2.f32 v55;
	v4 =	vadd.f32 v56, v4;
	v7 =	vadd.f32 v57, v7  }
0x2e3: {  	v5 =	vadd.f32 v44, v5;
	v6 =	vadd.f32 v27, v6;
	v58 =	vpop (erf)  }
0x2e4: {  	v9 =	vadd.f32 v58, v9;
	v4 =	vadd.f32 v7, v4  }
0x2e5: {  	v59 =	vadd.f32 v45, v8;
	v5 =	vadd.f32 v50, v5;
	v60 =	vpop (erf)  }
0x2e6: {  	v6 =	vadd.f32 v60, v6;
	v4 =	vadd.f32 v9, v4  }
0x2e7: {  	v3 =	vadd.f32 v46, v3;
	v7 =	vadd.f32 v51, v59;
	v61 =	vpop (erf)  }
0x2e8: {  	v5 =	vadd.f32 v61, v5;
	v4 =	vadd.f32 v6, v4  }
0x2e9: {  	v2 =	vadd.f32 v39, v2;
	v3 =	vadd.f32 v53, v3;
	v62 =	vpop (erf)  }
0x2ea: {  	v6 =	vadd.f32 v62, v7;
	v4 =	vadd.f32 v5, v4  }
0x2eb: {  	v2 =	vadd.f32 v47, v2;
	v63 =	vpop (erf)  }
0x2ec: {  	v3 =	vadd.f32 v63, v3;
	v4 =	vadd.f32 v6, v4;
	_ =	sdelay $0x1  }
0x2ed: {  	v2 =	vadd.f32 v54, v2;
	v3 =	vadd.f32 v3, v4;
	_ =	sdelay $0x1  }
0x2ee: {  	v2 =	vadd.f32 v2, v3;
	_ =	sdelay $0x1  }
.Ltmp10:
0x2ef: {  	s29 =	sadd.s32 s24, s18;
	[tilespmem:s5+$0x4280] =	vst v2;
	(pc) =	sbr.rel @p0 .LBB2_20-.Ltmp10, $4  }
0x2f0: {  	[hbm4b:s29+s6] =	stream.strided.scatter [tilespmem:s28], [sflag:$0x8], $0x4000, s7, s6, $0x38;
	[tilespmem:$0x1C200] =	vst v63  }
0x2f1: {  	_ =	swait.ge [sflag:s30], $0x4000  }
0x2f2: {  	[sflag:s30] =	ssyncset.done $0x0  }
0x2f3: {  	[sflag:s30] =	ssyncadd.s32 $0xFFFFC000  }
0x2f4: {  	s5 =	sshll.u32 s23, $0x9  }
0x2f5: {  	s5 =	sand.u32 $0x3FFFFE00, s5  }
0x2f6: {  	v2 =	vld.msk [tilespmem:s5+$0x280], $0x3;
	_ =	sdelay $0x4  }
0x2f7: {  	v3 =	vshll.u32 v2, $0x6  }
0x2f8: {  	v2 =	vand.u32 $0x7, v2;
	v3 =	vand.u32 $0xFFFFFE00, v3  }
0x2f9: {  	v2 =	vor.u32 v2, v3  }
0x2fa: {  	v2 =	vperm.xlane v2, v0;
	_ =	sdelay $0x1  }
0x2fb: {  	v2 =	vadd.s32 v1, v2;
	_ =	sdelay $0x4  }
0x2fc: {  	[tilespmem:s31], [sflag:$0x2] =	stream.indirect_vreg.gather [hbm4b:s1+s4], $0x80, v2, vm0, $0xb8;
	[tilespmem:$0x1C200] =	vst v63  }
0x2fd: {  	s29 =	simm.s32 $0x10A00  }
0x2fe: {  	[tilespmem:s29], [sflag:$0x2] =	stream.indirect_vreg.gather [hbm4b:s8+s4], $0x80, v2, vm0, $0xb8;
	[tilespmem:$0x1C200] =	vst v63  }
0x2ff: {  	s15 =	simm.s32 $0x11200  }
0x300: {  	[tilespmem:s15], [sflag:$0x2] =	stream.indirect_vreg.gather [hbm4b:s9+s4], $0x80, v2, vm0, $0xb8;
	[tilespmem:$0x1C200] =	vst v63  }
0x301: {  	s20 =	simm.s32 $0x11A00  }
0x302: {  	[tilespmem:s20], [sflag:$0x2] =	stream.indirect_vreg.gather [hbm4b:s10+s4], $0x80, v2, vm0, $0xb8;
	[tilespmem:$0x1C200] =	vst v63  }
0x303: {  	s21 =	simm.s32 $0x12200  }
0x304: {  	[tilespmem:s21], [sflag:$0x2] =	stream.indirect_vreg.gather [hbm4b:s11+s4], $0x80, v2, vm0, $0xb8;
	[tilespmem:$0x1C200] =	vst v63  }
0x305: {  	s22 =	simm.s32 $0x12A00  }
0x306: {  	[tilespmem:s22], [sflag:$0x2] =	stream.indirect_vreg.gather [hbm4b:s12+s4], $0x80, v2, vm0, $0xb8;
	[tilespmem:$0x1C200] =	vst v63  }
.Ltmp11:
0x307: {  	_ = 	snop;
	(pc) =	sbr.rel .LBB2_2-.Ltmp11, $4  }
0x308: {  	s24 =	simm.s32 $0x13200  }
0x309: {  	[tilespmem:s24], [sflag:$0x2] =	stream.indirect_vreg.gather [hbm4b:s13+s4], $0x80, v2, vm0, $0xb8;
	[tilespmem:$0x1C200] =	vst v63  }
0x30a: {  	s23 =	sadd.s32 $0x1, s23;
	s29 =	simm.s32 $0x13A00  }
0x30b: {  	[tilespmem:s29], [sflag:$0x2] =	stream.indirect_vreg.gather [hbm4b:s14+s4], $0x80, v2, vm0, $0xb8;
	[tilespmem:$0x1C200] =	vst v63  }
.LBB2_21:
0x30c: {  	_ =	sfence.sel $0x180000  }
0x30d: {  	[bflag:$0x0] =	sbarrier.arrive $0xFFFF  }
0x30e: {  	_ =	strace $0x9000004A  }
0x30f: {  	s0 =	stileid.u32;
	[bflag:$0x2] =	sbarrier.arrive $0xFFFF  }
0x310: {  	p0 =	sne.s32 s0, $0x0;
	s0 =	rddreg [dreg:$0x3]  }
0x311: {  	s0 =	sadd.s32 @!p0 $0x100000, s0  }
0x312: {  	[sflag:s0] =	ssyncadd.tile.s32 @!p0 $0x1;
	_ =	shalt  }
.Lfunc_end2:
_tile_overlayer_lowered:
.L_overlay_start_2:
0x313: {  	(tag) =	ssettag $0x2  }
0x314: {  	s0 =	rddreg [dreg:$0x0];
	s2 =	stileid.u32  }
0x315: {  	s1 =	rddreg [dreg:$0x1];
	p0 =	sne.s32 s2, $0x0  }
0x316: {  	s3 =	rddreg [dreg:$0x2];
	[bflag:$0x3] =	sbarrier.arrive $0xFFFF;
	s2 =	simm.s32 @!p0 $0x1C0A  }
0x317: {  	[timem:s3], [sflag:s2] =	dma.local @!p0 [hbm:s0], s1  }
0x318: {  	s0 =	simm.s32 @!p0 $0xA  }
0x319: {  	_ =	swait.ge @!p0 [sflag:s0], s1  }
0x31a: {  	s1 =	ssub.s32 @!p0 $0x0, s1;
	[sflag:s0] =	ssyncset.done @!p0 $0x0  }
0x31b: {  	[sflag:s0] =	ssyncadd.s32 @!p0 s1  }
0x31c: {  	[bflag:$0x3] =	sbarrier.arrive $0xFFFF  }
0x31d: {  	_ =	shalt  }

// kernel: sparse-core-data-format-call.cloned.1.call-start
scs
called_computation_lowered:
.L_overlay_start_0:
0x0: {  	s2 =	sld [smem:$0x3FD9]  }
0x1: {  	s3 =	sld [smem:$0x3FFE];
	_ =	sdelay $0x1  }
0x2: {  	s1 =	srdreg.scid  }
0x3: {  	s0 =	sand.u32 $0x1, s1  }
0x4: {  	s18 =	sshll.u32 s0, $0xA;
	s2 =	sadd.s32 s3, s2  }
0x5: {  	s2 =	sadd.s32 s2, s18  }
0x6: {  	[smem:$0x3FC5] =	sst s2  }
0x7: {  	_ = 	snop  }
0x8: {  	s2 =	sld [smem:$0x3FC7];
	(tm) =	ssettm $0x1  }
0x9: {  	s19 =	sld [smem:$0x3FFB];
	_ =	sdelay $0x3  }
0xa: {  	_ =	strace s19  }
0xb: {  	s3 =	sld [smem:$0x3FFC];
	_ =	sdelay $0x3  }
0xc: {  	_ =	strace s3  }
0xd: {  	s3 =	sld [smem:$0x3FFD];
	_ =	sdelay $0x3  }
0xe: {  	_ =	strace s3  }
0xf: {  	_ =	strace $0x8FFFFFFF  }
0x10: {  	s20 =	sld [smem:$0x3FDB];
	_ =	sdelay $0x1  }
0x11: {  	s4 =	simm.s32 $_scs_section_size  }
0x12: {  	s5 =	simm.s32 $_size__tile_overlayer_lowered;
	s6 =	simm.s32 $_tile_overlayer_lowered  }
0x13: {  	s23 =	simm.s32 $0x1BFF;
	s22 =	sshll.u32 s6, $0x1;
	s3 =	sadd.s32 s4, s20  }
0x14: {  	s7 =	simm.s32 $0x0;
	s21 =	sshll.u32 s5, $0x1;
	s5 =	sadd.s32 s22, s3  }
0x15: {  	[timem:s7], [sflag:s23] =	dma.local [hbm:s5], s21  }
0x16: {  	_ =	swait.ge [sflag:s23], s21  }
0x17: {  	s4 =	ssub.s32 $0x0, s21;
	[sflag:s23] =	ssyncset.done $0x0  }
0x18: {  	[sflag:s23] =	ssyncadd.s32 s4;
	_ =	sdelay $0x1  }
0x19: {  	s24 =	simm.s32 $0x1B8B  }
0x1a: {  	_ =	swait.ge [sflag:s24], $0x1  }
0x1b: {  	[sflag:s24] =	ssyncset.done $0x0  }
0x1c: {  	s26 =	simm.s32 $0x1B8E;
	s25 =	sld [smem:$0x3FFE];
	[sflag:s24] =	ssyncadd.s32 $0xFFFFFFFF  }
0x1d: {  	s27 =	simm.s32 $execute0_lowered;
	[smem:$0x3FD2] =	sst s26  }
0x1e: {  	s5 =	sshll.u32 s27, $0x1;
	_ =	strace $0x80000046;
	[dreg:$0x1] =	wrdreg $0xFFFFFFFF  }
0x1f: {  	s28 =	simm.s32 $_size_execute0_lowered;
	s3 =	sadd.s32 s3, s5;
	[dreg:$0x0] =	wrdreg $0x0  }
0x20: {  	s5 =	sshll.u32 s28, $0x1;
	[dreg:$0x2] =	wrdreg s3  }
0x21: {  	[dreg:$0x3] =	wrdreg s5  }
0x22: {  	[dreg:$0x4] =	wrdreg $0xC0  }
0x23: {  	_ =	task [dreg:s7], $0x5FFFF  }
0x24: {  	[dreg:$0x1] =	wrdreg $0xFFFFFFFF  }
0x25: {  	[dreg:$0x0] =	wrdreg $0x60  }
0x26: {  	[dreg:$0x2] =	wrdreg s2  }
0x27: {  	[dreg:$0x3] =	wrdreg s25  }
0x28: {  	[dreg:$0x4] =	wrdreg $0x9  }
0x29: {  	_ =	task.clear_ibuf [dreg:s7], $0x5FFFF;
	_ =	strace $0x90000046  }
0x2a: {  	s29 =	simm.s32 $0x9;
	_ =	strace $0x80000048  }
0x2b: {  	_ =	swait.ge [sflag:s29], $0x1  }
0x2c: {  	[sflag:s29] =	ssyncadd.s32 $0xFFFFFFFF  }
0x2d: {  	_ =	strace $0x90000048  }
0x2e: {  	_ =	sfence  }
0x2f: {  	s30 =	sld [smem:$0x0];
	_ =	sdelay $0x2  }
0x30: {  	s31 =	sshll.u32 s1, $0xD;
	s1 =	sshrl.u32 s1, $0x2  }
0x31: {  	s3 =	sand.u32 $0x4000, s31;
	s1 =	sadd.s32 s1, s30  }
0x32: {  	s0 =	sor.u32 s3, s0;
	s1 =	sshll.u32 s1, $0x11  }
0x33: {  	s0 =	sor.u32 s1, s0  }
0x34: {  	s0 =	sadd.s32 $0x8F2B, s0  }
0x35: {  	[sflag:s0] =	ssyncadd.remote.s32 $0x1  }
0x36: {  	_ =	sfence.sel $0xFFFF  }
0x37: {  	[dreg:$0x0] =	wrdreg $0xFFFFFFFF;
	(pc) =	sbr.abs _section_cstart, $3  }
0x38: {  	[dreg:$0x1] =	wrdreg $0xFFFFFFFF  }
0x39: {  	_ =	task.clear_ibuf [dreg:s7], $0x2FFFF;
	_ =	strace $0x9FFFFFFF  }
0x3a: {  	(tm) =	ssettm $0x7FFFFFFF  }
0x3b: {  	_ =	shalt  }
tec
execute0_lowered:
.L_overlay_start_1:
0x0: {  	(tag) =	ssettag $0x1  }
0x1: {  	s2 =	rddreg [dreg:$0x0]  }
0x2: {  	s1 =	rddreg [dreg:$0x1]  }
0x3: {  	s0 =	rddreg [dreg:$0x2];
	_ =	strace $0x80000047;
	s4 =	srdreg.scid  }
0x4: {  	s6 =	simm.s32 $0x2;
	s11 =	simm.s32 $0x0;
	p0 =	por $0x0, $0x0  }
.Ltmp0:
0x5: {  	s7 =	simm.s32 $0x2000;
	s12 =	simm.s32 $0x0;
	(pc) =	sbr.rel .LBB1_1-.Ltmp0, $4  }
0x6: {  	s9 =	simm.s32 $0x0;
	s3 =	sadd.s32 $0x1400, s1;
	s5 =	sshll.u32 s4, $0x4  }
0x7: {  	s1 =	stileid.u32;
	s4 =	simm.s32 $0x1;
	s5 =	sand.u32 $0x10, s5  }
0x8: {  	s8 =	simm.s32 $0x0;
	[sflag:s4] =	ssyncpa.u1 $0x0;
	s5 =	sor.u32 s1, s5  }
0x9: {  	[sflag:s6] =	ssyncpa.u1 $0x0;
	s6 =	simm.s32 $0x800;
	s10 =	smov.u32 s5  }
.LBB1_7:
0xa: {  	s13 =	sadd.s32 $0x10, s9  }
0xb: {  	s11 =	sadd.s32 $0x20, s10;
	s15 =	smov.u32 s10;
	p2 =	sgt.s32 s13, $0x3F  }
0xc: {  	p1 =	slt.u32 s8, $0x2;
	s15 =	smov.u32 @p2 s11  }
0xd: {  	s8 =	sadd.s32 $0x1, s8;
	s13 =	simm.s32 @p2 $0x0;
	p2 =	sgt.s32 s15, $0x3FF  }
0xe: {  	s15 =	smov.u32 @p2 s5;
	p2 =	sne.s32 s8, $0x82  }
.Ltmp1:
0xf: {  	_ = 	snop;
	(pc) =	sbr.rel @!p2 .LBB1_8-.Ltmp1, $4  }
0x10: {  	s14 =	simm.s32 @!p1 $0x2  }
0x11: {  	s12 =	smov.u32 s10;
	_ =	swait.ge @!p1 [sflag:s14], $0x4000  }
0x12: {  	p0 =	por !p0, !p0;
	s11 =	smov.u32 s9;
	[sflag:s14] =	ssyncset.done @!p1 $0x0  }
0x13: {  	s9 =	smov.u32 s13;
	[sflag:s14] =	ssyncadd.s32 @!p1 $0xFFFFC000;
	s10 =	smov.u32 s15  }
.LBB1_1:
0x14: {  	p1 =	sgt.u32 s8, $0x7F  }
0x15: {  	s13 =	sxor.u32 @!p1 $0xFFFFFFFF, s8;
	s14 =	sshll.u32 @!p1 s10, $0xD  }
0x16: {  	s15 =	sshll.u32 @!p1 s9, $0x7;
	s13 =	sshll.u32 @!p1 s13, $0xE;
	s14 =	sadd.s32 @!p1 s2, s14  }
0x17: {  	s13 =	sand.u32 @!p1 $0x4000, s13;
	s14 =	sadd.s32 @!p1 s15, s14;
	s15 =	simm.s32 @!p1 $0x0  }
0x18: {  	[tilespmem:s13], [sflag:$0x1] =	stream.linear.gather @!p1 [hbm4b:s14+s15], $0x4000, $0x38;
	[tilespmem:$0x10000] =	vst v63  }
0x19: {  	p1 =	seq.s32 s8, $0x0  }
0x1a: {  	p2 =	seq.s32 @!p1 s8, $0x81  }
0x1b: {  	p1 =	por p1, p2  }
.Ltmp2:
0x1c: {  	_ = 	snop;
	(pc) =	sbr.rel @p1 .LBB1_7-.Ltmp2, $1  }
0x1d: {  	_ =	sdelay $0x3  }
0x1e: {  	s13 =	simm.s32 $0x1;
	_ =	swait.ge [sflag:s4], $0x4000;
	s16 =	sshll.u32 s8, $0xE  }
0x1f: {  	s13 =	simm.s32 @!p0 $0x0;
	[sflag:s4] =	ssyncset.done $0x0;
	s31 =	sand.u32 $0x4000, s16  }
0x20: {  	s16 =	simm.s32 $0x0;
	s14 =	sshll.u32 s13, $0xE;
	[sflag:s4] =	ssyncadd.s32 $0xFFFFC000  }
0x21: {  	s13 =	sor.u32 $0x8040, s14;
	s15 =	sor.u32 $0x40, s14;
	s14 =	sor.u32 $0x8000, s31  }
.LBB1_3:
0x22: {  	v0 =	vmov s15;
	_ =	sdelay $0x3  }
0x23: {  	s18 =	simm.s32 $0x0  }
0x24: {  	v6 =	vld.idx.msk [tilespmem:v0+s18+$0x30 ss:$0x1], $0xffff  }
0x25: {  	v7 =	vld.idx.msk [tilespmem:v0+s18+$0xFFFFFFC0 ss:$0x1], $0xffff  }
0x26: {  	v5 =	vld.idx.msk [tilespmem:v0+s18+$0xFFFFFFD0 ss:$0x1], $0xffff  }
0x27: {  	v4 =	vld.idx.msk [tilespmem:v0+s18+$0xFFFFFFE0 ss:$0x1], $0xffff  }
0x28: {  	v3 =	vld.idx.msk [tilespmem:v0+s18+$0xFFFFFFF0 ss:$0x1], $0xffff  }
0x29: {  	v1 =	vld.idx.msk [tilespmem:v0+s18+$0x0 ss:$0x1], $0xffff  }
0x2a: {  	v2 =	vld.idx.msk [tilespmem:v0+s18+$0x10 ss:$0x1], $0xffff;
	[tilespmem:s13+$0x30] =	vst v6  }
0x2b: {  	s17 =	simm.s32 $0x80;
	s19 =	simm.s32 $0x400;
	[tilespmem:s13+$0xFFFFFFC0] =	vst v7;
	v6 =	vld.idx.msk [tilespmem:v0+s18+$0x20 ss:$0x1], $0xffff;
	s18 =	smov.u32 s13  }
.LBB1_4:
0x2c: {  	p1 =	sne.s32 s19, $0xE00;
	v7 =	vld.idx.msk [tilespmem:v0+s17+$0x30 ss:$0x1], $0xffff;
	[tilespmem:s18+$0xFFFFFFD0] =	vst v5  }
0x2d: {  	v8 =	vld.idx.msk [tilespmem:v0+s17+$0xFFFFFFC0 ss:$0x1], $0xffff;
	[tilespmem:s18+$0xFFFFFFE0] =	vst v4  }
0x2e: {  	v5 =	vld.idx.msk [tilespmem:v0+s17+$0xFFFFFFD0 ss:$0x1], $0xffff;
	[tilespmem:s18+$0xFFFFFFF0] =	vst v3  }
.Ltmp3:
0x2f: {  	v4 =	vld.idx.msk [tilespmem:v0+s17+$0xFFFFFFE0 ss:$0x1], $0xffff;
	[tilespmem:s18+$0x0] =	vst v1;
	(pc) =	sbr.rel @p1 .LBB1_4-.Ltmp3, $4  }
0x30: {  	v3 =	vld.idx.msk [tilespmem:v0+s17+$0xFFFFFFF0 ss:$0x1], $0xffff;
	[tilespmem:s18+$0x10] =	vst v2  }
0x31: {  	v1 =	vld.idx.msk [tilespmem:v0+s17+$0x0 ss:$0x1], $0xffff;
	[tilespmem:s18+$0x20] =	vst v6;
	s18 =	sadd.s32 $0x800, s18  }
0x32: {  	v2 =	vld.idx.msk [tilespmem:v0+s17+$0x10 ss:$0x1], $0xffff;
	[tilespmem:s18+$0x30] =	vst v7  }
0x33: {  	[tilespmem:s18+$0xFFFFFFC0] =	vst v8;
	v6 =	vld.idx.msk [tilespmem:v0+s17+$0x20 ss:$0x1], $0xffff;
	s17 =	sshra.s32 s19, $0x2;
	s19 =	sadd.s32 $0x200, s19  }
0x34: {  	_ =	sdelay $0x2  }
0x35: {  	[tilespmem:s18+$0xFFFFFFD0] =	vst v5  }
0x36: {  	v56 =	vld.idx.msk [tilespmem:v0+s17+$0x30 ss:$0x1], $0xffff;
	[tilespmem:s18+$0xFFFFFFE0] =	vst v4  }
0x37: {  	v57 =	vld.idx.msk [tilespmem:v0+s17+$0xFFFFFFC0 ss:$0x1], $0xffff;
	[tilespmem:s18+$0xFFFFFFF0] =	vst v3  }
0x38: {  	v58 =	vld.idx.msk [tilespmem:v0+s17+$0xFFFFFFD0 ss:$0x1], $0xffff;
	[tilespmem:s18+$0x0] =	vst v1  }
0x39: {  	v59 =	vld.idx.msk [tilespmem:v0+s17+$0xFFFFFFE0 ss:$0x1], $0xffff;
	[tilespmem:s18+$0x10] =	vst v2  }
0x3a: {  	v60 =	vld.idx.msk [tilespmem:v0+s17+$0xFFFFFFF0 ss:$0x1], $0xffff;
	s31 =	sadd.s32 $0x800, s18;
	[tilespmem:s18+$0x20] =	vst v6  }
0x3b: {  	v61 =	vld.idx.msk [tilespmem:v0+s17+$0x0 ss:$0x1], $0xffff;
	[tilespmem:s31+$0x30] =	vst v56  }
0x3c: {  	v62 =	vld.idx.msk [tilespmem:v0+s17+$0x10 ss:$0x1], $0xffff;
	s16 =	sadd.s32 $0x1, s16;
	[tilespmem:s31+$0xFFFFFFC0] =	vst v57  }
0x3d: {  	v63 =	vld.idx.msk [tilespmem:v0+s17+$0x20 ss:$0x1], $0xffff;
	p1 =	sne.s32 s16, $0x10;
	[tilespmem:s31+$0xFFFFFFD0] =	vst v58  }
.Ltmp4:
0x3e: {  	[tilespmem:s31+$0xFFFFFFE0] =	vst v59;
	(pc) =	sbr.rel @p1 .LBB1_3-.Ltmp4, $4  }
0x3f: {  	[tilespmem:s31+$0xFFFFFFF0] =	vst v60  }
0x40: {  	[tilespmem:s31+$0x0] =	vst v61  }
0x41: {  	[tilespmem:s31+$0x10] =	vst v62  }
0x42: {  	s13 =	sadd.s32 $0x80, s13;
	s15 =	sadd.s32 $0x400, s15;
	[tilespmem:s31+$0x20] =	vst v63  }
.Ltmp5:
0x43: {  	(pc) =	sbr.rel .LBB1_7-.Ltmp5, $4  }
0x44: {  	s12 =	sshll.u32 s12, $0xD;
	s11 =	sshll.u32 s11, $0x4  }
0x45: {  	s11 =	sand.u32 $0x3F0, s11;
	s12 =	sadd.s32 s3, s12  }
0x46: {  	s11 =	sadd.s32 s11, s12  }
0x47: {  	[hbm4b:s11+s6] =	stream.strided.scatter [tilespmem:s14], [sflag:$0x2], $0x4000, s7, s6, $0x38;
	[tilespmem:$0x10000] =	vst v63  }
.LBB1_8:
0x48: {  	_ =	sfence.sel $0x180000  }
0x49: {  	s2 =	simm.s32 $0x1;
	[bflag:$0x0] =	sbarrier.arrive $0xFFFF  }
0x4a: {  	s31 =	simm.s32 $0x2;
	[sflag:s2] =	ssyncpa.u1 $0x1  }
0x4b: {  	[sflag:s31] =	ssyncpa.u1 $0x1  }
0x4c: {  	p0 =	sne.s32 s1, $0x0;
	_ =	strace $0x90000047  }
0x4d: {  	s0 =	sadd.s32 @!p0 $0x100000, s0;
	[bflag:$0x2] =	sbarrier.arrive $0xFFFF  }
0x4e: {  	[sflag:s0] =	ssyncadd.tile.s32 @!p0 $0x1;
	_ =	shalt  }
.Lfunc_end1:
_tile_overlayer_lowered:
.L_overlay_start_2:
0x4f: {  	(tag) =	ssettag $0x2  }
0x50: {  	s0 =	rddreg [dreg:$0x0];
	s2 =	stileid.u32  }
0x51: {  	s1 =	rddreg [dreg:$0x1];
	p0 =	sne.s32 s2, $0x0  }
0x52: {  	s3 =	rddreg [dreg:$0x2];
	[bflag:$0x3] =	sbarrier.arrive $0xFFFF;
	s2 =	simm.s32 @!p0 $0x1C01  }
0x53: {  	[timem:s3], [sflag:s2] =	dma.local @!p0 [hbm:s0], s1  }
0x54: {  	s0 =	simm.s32 @!p0 $0x1  }
0x55: {  	_ =	swait.ge @!p0 [sflag:s0], s1  }
0x56: {  	s1 =	ssub.s32 @!p0 $0x0, s1;
	[sflag:s0] =	ssyncset.done @!p0 $0x0  }
0x57: {  	[sflag:s0] =	ssyncadd.s32 @!p0 s1  }
0x58: {  	[bflag:$0x3] =	sbarrier.arrive $0xFFFF  }
0x59: {  	_ =	shalt  }

</sc_bundles>
